<compile_context>
chip_gen: v7x
topology: tpu7x:2x2x1
jax: 0.10.2.dev20260603
libtpu: 0.0.44.dev20260713+nightly
codegen_flags: <defaults>
</compile_context>

<pallas_src>
import jax
import jax.numpy as jnp
from jax import lax
from jax.experimental import pallas as pl
from jax.experimental.pallas import tpu as pltpu
from jax.experimental.pallas import tpu_sc as plsc

N = 10000
E = 320000
NC = 2
NS = 16
CHUNK = 256
NPAD = 10240
EPAD = 327680
NCHUNK = EPAD // NS // CHUNK
ROWS_PER_TILE = NPAD // NS


def _make_sc_agg(dh, with_deg):
  mesh = plsc.VectorSubcoreMesh(core_axis_name="c", subcore_axis_name="s")
  out_type = [jax.ShapeDtypeStruct((NC, NPAD, dh), jnp.bfloat16)]
  scratch = [
      pltpu.VMEM((NCHUNK, CHUNK), jnp.int32),
      pltpu.VMEM((NCHUNK, CHUNK), jnp.int32),
      pltpu.VMEM((2, CHUNK, dh), jnp.bfloat16),
      pltpu.VMEM((ROWS_PER_TILE, dh), jnp.bfloat16),
      pltpu.VMEM_SHARED((NPAD, dh), jnp.bfloat16),
  ] + [pltpu.SemaphoreType.DMA] * 5
  if with_deg:
    out_type.append(jax.ShapeDtypeStruct((NC, NPAD), jnp.float32))
    scratch += [
        pltpu.VMEM((CHUNK,), jnp.float32),
        pltpu.VMEM((ROWS_PER_TILE,), jnp.float32),
        pltpu.VMEM_SHARED((NPAD,), jnp.float32),
        pltpu.SemaphoreType.DMA,
        pltpu.SemaphoreType.DMA,
    ]

  def body(hw_hbm, src_hbm, dst_hbm, agg_out, *rest):
    if with_deg:
      deg_out = rest[0]
      rest = rest[1:]
    src_v, dst_v, ring, zbuf, agg_sh = rest[:5]
    gsem = rest[5:7]
    ssem = rest[7:9]
    psem = rest[9]
    if with_deg:
      ones_v, zdeg, deg_sh, d0, d1 = rest[10:15]
      dsem = (d0, d1)

    c = lax.axis_index("c")
    s = lax.axis_index("s")
    base = s * ROWS_PER_TILE
    zeros16 = jnp.zeros((16,), jnp.float32)
    zeros32b = jnp.zeros((32,), jnp.bfloat16)

    @pl.loop(0, ROWS_PER_TILE)
    def _zero_rows(r):
      for k in range(dh // 32):
        zbuf[r, pl.ds(k * 32, 32)] = zeros32b

    if with_deg:
      ones16 = jnp.ones((16,), jnp.float32)
      for k in range(CHUNK // 16):
        ones_v[pl.ds(k * 16, 16)] = ones16

      @pl.loop(0, ROWS_PER_TILE // 16)
      def _zero_deg(r):
        zdeg[pl.ds(r * 16, 16)] = zeros16

    pltpu.sync_copy(src_hbm.at[c, pl.ds(s * NCHUNK, NCHUNK)], src_v)
    pltpu.sync_copy(dst_hbm.at[pl.ds(s * NCHUNK, NCHUNK)], dst_v)
    pltpu.sync_copy(zbuf, agg_sh.at[pl.ds(base, ROWS_PER_TILE)])
    if with_deg:
      pltpu.sync_copy(zdeg, deg_sh.at[pl.ds(base, ROWS_PER_TILE)])
    plsc.subcore_barrier()

    def wait_gather(jj, b):
      pltpu.make_async_copy(hw_hbm.at[src_v.at[jj]], ring.at[b], gsem[b]).wait()

    def start_gather(jj, b):
      pltpu.async_copy(hw_hbm.at[src_v.at[jj]], ring.at[b], gsem[b])

    def start_scatter(jj, b):
      pltpu.async_copy(ring.at[b], agg_sh.at[dst_v.at[jj]], ssem[b], add=True)

    def wait_scatter(b):
      pltpu.make_async_copy(ring.at[b], agg_sh.at[dst_v.at[0]], ssem[b]).wait()

    def deg_step(jj, parity):
      if not with_deg:
        return

      @pl.when(jj >= 2)
      def _():
        pltpu.make_async_copy(ones_v, deg_sh.at[dst_v.at[0]],
                              dsem[parity]).wait()

      pltpu.async_copy(ones_v, deg_sh.at[dst_v.at[jj]], dsem[parity], add=True)

    start_gather(0, 0)
    start_gather(1, 1)

    @pl.loop(0, NCHUNK // 2 - 1)
    def _chunks(gi):
      j0 = gi * 2
      for b in range(2):
        jj = j0 + b
        wait_gather(jj, b)
        start_scatter(jj, b)
        deg_step(jj, b)
        wait_scatter(b)
        start_gather(jj + 2, b)

    for jj in range(NCHUNK - 2, NCHUNK):
      b = jj % 2
      wait_gather(jj, b)
      start_scatter(jj, b)
      deg_step(jj, b)

    for b in range(2):
      wait_scatter(b)
    if with_deg:
      for p in range(2):
        pltpu.make_async_copy(ones_v, deg_sh.at[dst_v.at[0]], dsem[p]).wait()

    plsc.subcore_barrier()
    pltpu.sync_copy(agg_sh.at[pl.ds(base, ROWS_PER_TILE)],
                    agg_out.at[c, pl.ds(base, ROWS_PER_TILE)])
    if with_deg:
      pltpu.sync_copy(deg_sh.at[pl.ds(base, ROWS_PER_TILE)],
                      deg_out.at[c, pl.ds(base, ROWS_PER_TILE)])

  return pl.kernel(
      body, out_type=out_type, mesh=mesh, scratch_types=scratch,
      compiler_params=pltpu.CompilerParams(use_tc_tiling_on_sc=False))


_BN = 1000


def _tc_first(x, wcatT, b, dout):
  din = x.shape[1]
  dh = dout // 2

  def body(x_ref, w_ref, b_ref, hs_ref, hw_ref):
    xw = jnp.dot(x_ref[...], w_ref[...], preferred_element_type=jnp.float32)
    hs_ref[...] = xw[:, :dout] + b_ref[...]
    hw_ref[0] = xw[:, dout:dout + dh].astype(jnp.bfloat16)
    hw_ref[1] = xw[:, dout + dh:].astype(jnp.bfloat16)

  return pl.pallas_call(
      body,
      grid=(N // _BN,),
      in_specs=[
          pl.BlockSpec((_BN, din), lambda i: (i, 0)),
          pl.BlockSpec((din, 2 * dout), lambda i: (0, 0)),
          pl.BlockSpec((1, dout), lambda i: (0, 0)),
      ],
      out_specs=[
          pl.BlockSpec((_BN, dout), lambda i: (i, 0)),
          pl.BlockSpec((NC, _BN, dh), lambda i: (0, i, 0)),
      ],
      out_shape=[
          jax.ShapeDtypeStruct((N, dout), jnp.float32),
          jax.ShapeDtypeStruct((NC, N, dh), jnp.bfloat16),
      ],
  )(x, wcatT, b)


def _tc_mid(hs_prev, agg, deg3, wcatT, b, dout):
  din = hs_prev.shape[1]
  dh = dout // 2

  def body(hs_ref, agg_ref, deg_ref, w_ref, b_ref, hs_out, hw_out):
    a = jnp.concatenate([agg_ref[0], agg_ref[1]], axis=-1).astype(jnp.float32)
    inv = 1.0 / jnp.maximum(deg_ref[...], 1.0)
    h = jnp.maximum(hs_ref[...] + a * inv, 0.0)
    hw = jnp.dot(h, w_ref[...], preferred_element_type=jnp.float32)
    hs_out[...] = hw[:, :dout] + b_ref[...]
    hw_out[0] = hw[:, dout:dout + dh].astype(jnp.bfloat16)
    hw_out[1] = hw[:, dout + dh:].astype(jnp.bfloat16)

  return pl.pallas_call(
      body,
      grid=(N // _BN,),
      in_specs=[
          pl.BlockSpec((_BN, din), lambda i: (i, 0)),
          pl.BlockSpec((NC, _BN, din // 2), lambda i: (0, i, 0)),
          pl.BlockSpec((_BN, 1), lambda i: (i, 0)),
          pl.BlockSpec((din, 2 * dout), lambda i: (0, 0)),
          pl.BlockSpec((1, dout), lambda i: (0, 0)),
      ],
      out_specs=[
          pl.BlockSpec((_BN, dout), lambda i: (i, 0)),
          pl.BlockSpec((NC, _BN, dh), lambda i: (0, i, 0)),
      ],
      out_shape=[
          jax.ShapeDtypeStruct((N, dout), jnp.float32),
          jax.ShapeDtypeStruct((NC, N, dh), jnp.bfloat16),
      ],
  )(hs_prev, agg, deg3, wcatT, b)


def _tc_final(hs2, agg, deg3):
  dout = hs2.shape[1]

  def body(hs_ref, agg_ref, deg_ref, out_ref):
    a = jnp.concatenate([agg_ref[0], agg_ref[1]], axis=-1).astype(jnp.float32)
    inv = 1.0 / jnp.maximum(deg_ref[...], 1.0)
    out_ref[...] = hs_ref[...] + a * inv

  return pl.pallas_call(
      body,
      grid=(N // _BN,),
      in_specs=[
          pl.BlockSpec((_BN, dout), lambda i: (i, 0)),
          pl.BlockSpec((NC, _BN, dout // 2), lambda i: (0, i, 0)),
          pl.BlockSpec((_BN, 1), lambda i: (i, 0)),
      ],
      out_specs=pl.BlockSpec((_BN, dout), lambda i: (i, 0)),
      out_shape=jax.ShapeDtypeStruct((N, dout), jnp.float32),
  )(hs2, agg, deg3)


@jax.jit
def kernel(x, edge_index, W_self0, W_neigh0, b0, W_self1, W_neigh1, b1,
           W_self2, W_neigh2, b2):
  src = edge_index[0]
  dst = edge_index[1]
  pad = EPAD - E
  src_flat = jnp.concatenate([src, jnp.zeros((pad,), jnp.int32)])
  src_p = jnp.stack([src_flat, src_flat + N]).reshape(
      NC, EPAD // CHUNK, CHUNK)
  dst_p = jnp.concatenate(
      [dst, jnp.full((pad,), N, jnp.int32)]).reshape(EPAD // CHUNK, CHUNK)

  w0 = jnp.concatenate([W_self0, W_neigh0], axis=0).T
  w1 = jnp.concatenate([W_self1, W_neigh1], axis=0).T
  w2 = jnp.concatenate([W_self2, W_neigh2], axis=0).T

  hs0, hw0 = _tc_first(x, w0, b0.reshape(1, -1), 128)
  agg0, deg = _make_sc_agg(64, True)(hw0.reshape(NC * N, 64), src_p, dst_p)
  deg3 = deg[0].reshape(NPAD, 1)[:N]
  hs1, hw1 = _tc_mid(hs0, agg0, deg3, w1, b1.reshape(1, -1), 128)
  agg1 = _make_sc_agg(64, False)(hw1.reshape(NC * N, 64), src_p, dst_p)[0]
  hs2, hw2 = _tc_mid(hs1, agg1, deg3, w2, b2.reshape(1, -1), 64)
  agg2 = _make_sc_agg(32, False)(hw2.reshape(NC * N, 32), src_p, dst_p)[0]
  return _tc_final(hs2, agg2, deg3)

# --- scband reference (transcript-rebuilt; emitter-appended) ---
"""Pipeline reference for scband-sage-5858335392465 (READ-ONLY COPY).

The authoritative reference and input builder live on the scoring server;
editing this copy changes nothing except your own understanding.
"""

import jax, jax.numpy as jnp
import numpy as np

N = 10000
E = 320000
D_IN = 128
D_HID = 128
N_CLASSES = 64


def setup_inputs(seed: int = 0) -> dict:
    key = jax.random.key(seed)
    ks = jax.random.split(key, 12)
    inp = {}
    inp["x"] = jax.random.normal(ks[0], (N, D_IN), dtype=jnp.float32)
    inp["edge_index"] = jax.random.randint(ks[1], (2, E), 0, N, dtype=jnp.int32)
    dims = [(D_IN, D_HID), (D_HID, D_HID), (D_HID, N_CLASSES)]
    for l, (di, do) in enumerate(dims):
        s = 1.0 / np.sqrt(di)
        inp[f"W_self{l}"] = jax.random.normal(ks[2 + 3 * l], (do, di), dtype=jnp.float32) * s
        inp[f"W_neigh{l}"] = jax.random.normal(ks[3 + 3 * l], (do, di), dtype=jnp.float32) * s
        inp[f"b{l}"] = jnp.zeros((do,), dtype=jnp.float32)
    return inp


def _sage_layer(h, src, dst, W_self, W_neigh, b):
    # DGL SAGEConv with 'mean' aggregation:
    # h_neigh[v] = mean_{u in in-neighbors(v)} h[u]
    # out[v] = fc_self(h[v]) + fc_neigh(h_neigh[v]) + bias
    msg = jnp.take(h, src, axis=0)  # gather source features, [E, d]
    agg = jax.ops.segment_sum(msg, dst, num_segments=N)  # scatter-add by dst
    deg = jax.ops.segment_sum(jnp.ones((src.shape[0],), dtype=h.dtype), dst, num_segments=N)
    agg = agg / jnp.maximum(deg, 1.0)[:, None]
    return h @ W_self.T + agg @ W_neigh.T + b


def reference(x, edge_index, W_self0, W_neigh0, b0, W_self1, W_neigh1, b1, W_self2, W_neigh2, b2):
    src = edge_index[0]
    dst = edge_index[1]
    # layer 0 (full-graph block) + relu (dropout=0.0 in eval -> identity)
    h = _sage_layer(x, src, dst, W_self0, W_neigh0, b0)
    h = jax.nn.relu(h)
    # layer 1 + relu
    h = _sage_layer(h, src, dst, W_self1, W_neigh1, b1)
    h = jax.nn.relu(h)
    # final layer (no activation)
    h = _sage_layer(h, src, dst, W_self2, W_neigh2, b2)
    return h

if __name__ == "__main__":
    import jax
    _d = setup_inputs()
    print(jax.jit(kernel)(*tuple(_d.values())))

</pallas_src>

<mosaic_0001>
#map = affine_map<(d0, d1) -> (0, 0)>
#map1 = affine_map<(d0, d1) -> (0, 0, 0)>
module attributes {stable_mosaic.version = 14 : i64} {
  func.func @body(%arg0: i32, %arg1: i32, %arg2: memref<20000x64xbf16, #tpu.memory_space<hbm>>, %arg3: memref<2x1280x256xi32, #tpu.memory_space<hbm>>, %arg4: memref<1280x256xi32, #tpu.memory_space<hbm>>, %arg5: memref<2x10240x64xbf16, #tpu.memory_space<hbm>>, %arg6: memref<2x10240xf32, #tpu.memory_space<hbm>>, %arg7: memref<80x256xi32, #tpu.memory_space<vmem>>, %arg8: memref<80x256xi32, #tpu.memory_space<vmem>>, %arg9: memref<2x256x64xbf16, #tpu.memory_space<vmem>>, %arg10: memref<640x64xbf16, #tpu.memory_space<vmem>>, %arg11: memref<10240x64xbf16, #tpu.memory_space<vmem_shared>>, %arg12: memref<!tpu.dma_semaphore, #tpu.memory_space<semaphore_mem>>, %arg13: memref<!tpu.dma_semaphore, #tpu.memory_space<semaphore_mem>>, %arg14: memref<!tpu.dma_semaphore, #tpu.memory_space<semaphore_mem>>, %arg15: memref<!tpu.dma_semaphore, #tpu.memory_space<semaphore_mem>>, %arg16: memref<!tpu.dma_semaphore, #tpu.memory_space<semaphore_mem>>, %arg17: memref<256xf32, #tpu.memory_space<vmem>>, %arg18: memref<640xf32, #tpu.memory_space<vmem>>, %arg19: memref<10240xf32, #tpu.memory_space<vmem_shared>>, %arg20: memref<!tpu.dma_semaphore, #tpu.memory_space<semaphore_mem>>, %arg21: memref<!tpu.dma_semaphore, #tpu.memory_space<semaphore_mem>>) attributes {dimension_semantics = [#tpu.dimension_semantics<core_parallel>, #tpu.dimension_semantics<subcore_parallel>], iteration_bounds = array<i64: 2, 16>, scalar_prefetch = 0 : i64, scratch_operands = 15 : i64, tpu.core_type = #tpu.core_type<sc_vector_subcore>, window_params = [{transform_indices = #map}, {transform_indices = #map1}, {transform_indices = #map}, {transform_indices = #map1}, {transform_indices = #map}]} {
    %mul3A = arith.constant 640 : i32
    %mul3A_0 = arith.muli %arg1, %mul3A : i32
    %broadcast_in_dim3A = arith.constant 0.000000e+00 : f32
    %broadcast_in_dim3A_1 = vector.broadcast %broadcast_in_dim3A : f32 to vector<16xf32>
    %broadcast_in_dim3A_2 = arith.constant 0.000000e+00 : bf16
    %broadcast_in_dim3A_3 = vector.broadcast %broadcast_in_dim3A_2 : bf16 to vector<32xbf16>
    %scan3A = arith.constant 0 : i32
    %scan3A_4 = arith.constant 640 : i32
    %scan3A_5 = arith.addi %scan3A, %scan3A_4 : i32
    %scan3A_6 = arith.constant 1 : i32
    scf.for %scan3A_218 = %scan3A to %scan3A_5 step %scan3A_6  : i32 {
      %mul3A_219 = arith.constant 1 : i32
      %mul3A_220 = arith.muli %scan3A_218, %mul3A_219 : i32
      %add3A = arith.constant 0 : i32
      %add3A_221 = arith.addi %add3A, %mul3A_220 : i32
      %swap3A_222 = arith.index_cast %add3A_221 : i32 to index
      %swap3A_223 = arith.constant 0 : index
      %swap3A_224 = tpu.vector_load %arg10[%swap3A_222, %swap3A_223] {strides = array<i32>} : memref<640x64xbf16, #tpu.memory_space<vmem>>, vector<1x32xbf16>,
      %swap3A_225 = vector.shape_cast %swap3A_224 : vector<1x32xbf16> to vector<32xbf16>
      %swap3A_226 = vector.shape_cast %broadcast_in_dim3A_3 : vector<32xbf16> to vector<1x32xbf16>
      tpu.vector_store %arg10[%swap3A_222, %swap3A_223], %swap3A_226 {strides = array<i32>} : memref<640x64xbf16, #tpu.memory_space<vmem>>, vector<1x32xbf16>,
      %swap3A_227 = arith.index_cast %add3A_221 : i32 to index
      %swap3A_228 = arith.constant 32 : index
      %swap3A_229 = tpu.vector_load %arg10[%swap3A_227, %swap3A_228] {strides = array<i32>} : memref<640x64xbf16, #tpu.memory_space<vmem>>, vector<1x32xbf16>,
      %swap3A_230 = vector.shape_cast %swap3A_229 : vector<1x32xbf16> to vector<32xbf16>
      %swap3A_231 = vector.shape_cast %broadcast_in_dim3A_3 : vector<32xbf16> to vector<1x32xbf16>
      tpu.vector_store %arg10[%swap3A_227, %swap3A_228], %swap3A_231 {strides = array<i32>} : memref<640x64xbf16, #tpu.memory_space<vmem>>, vector<1x32xbf16>,
    }
    %scan3A_7 = arith.constant 640 : i32
    %broadcast_in_dim3A_8 = arith.constant 1.000000e+00 : f32
    %broadcast_in_dim3A_9 = vector.broadcast %broadcast_in_dim3A_8 : f32 to vector<16xf32>
    %swap3A = arith.constant 0 : index
    %swap3A_10 = tpu.vector_load %arg17[%swap3A] {strides = array<i32>} : memref<256xf32, #tpu.memory_space<vmem>>, vector<16xf32>,
    %swap3A_11 = vector.shape_cast %swap3A_10 : vector<16xf32> to vector<16xf32>
    %swap3A_12 = vector.shape_cast %broadcast_in_dim3A_9 : vector<16xf32> to vector<16xf32>
    tpu.vector_store %arg17[%swap3A], %swap3A_12 {strides = array<i32>} : memref<256xf32, #tpu.memory_space<vmem>>, vector<16xf32>,
    %swap3A_13 = arith.constant 16 : index
    %swap3A_14 = tpu.vector_load %arg17[%swap3A_13] {strides = array<i32>} : memref<256xf32, #tpu.memory_space<vmem>>, vector<16xf32>,
    %swap3A_15 = vector.shape_cast %swap3A_14 : vector<16xf32> to vector<16xf32>
    %swap3A_16 = vector.shape_cast %broadcast_in_dim3A_9 : vector<16xf32> to vector<16xf32>
    tpu.vector_store %arg17[%swap3A_13], %swap3A_16 {strides = array<i32>} : memref<256xf32, #tpu.memory_space<vmem>>, vector<16xf32>,
    %swap3A_17 = arith.constant 32 : index
    %swap3A_18 = tpu.vector_load %arg17[%swap3A_17] {strides = array<i32>} : memref<256xf32, #tpu.memory_space<vmem>>, vector<16xf32>,
    %swap3A_19 = vector.shape_cast %swap3A_18 : vector<16xf32> to vector<16xf32>
    %swap3A_20 = vector.shape_cast %broadcast_in_dim3A_9 : vector<16xf32> to vector<16xf32>
    tpu.vector_store %arg17[%swap3A_17], %swap3A_20 {strides = array<i32>} : memref<256xf32, #tpu.memory_space<vmem>>, vector<16xf32>,
    %swap3A_21 = arith.constant 48 : index
    %swap3A_22 = tpu.vector_load %arg17[%swap3A_21] {strides = array<i32>} : memref<256xf32, #tpu.memory_space<vmem>>, vector<16xf32>,
    %swap3A_23 = vector.shape_cast %swap3A_22 : vector<16xf32> to vector<16xf32>
    %swap3A_24 = vector.shape_cast %broadcast_in_dim3A_9 : vector<16xf32> to vector<16xf32>
    tpu.vector_store %arg17[%swap3A_21], %swap3A_24 {strides = array<i32>} : memref<256xf32, #tpu.memory_space<vmem>>, vector<16xf32>,
    %swap3A_25 = arith.constant 64 : index
    %swap3A_26 = tpu.vector_load %arg17[%swap3A_25] {strides = array<i32>} : memref<256xf32, #tpu.memory_space<vmem>>, vector<16xf32>,
    %swap3A_27 = vector.shape_cast %swap3A_26 : vector<16xf32> to vector<16xf32>
    %swap3A_28 = vector.shape_cast %broadcast_in_dim3A_9 : vector<16xf32> to vector<16xf32>
    tpu.vector_store %arg17[%swap3A_25], %swap3A_28 {strides = array<i32>} : memref<256xf32, #tpu.memory_space<vmem>>, vector<16xf32>,
    %swap3A_29 = arith.constant 80 : index
    %swap3A_30 = tpu.vector_load %arg17[%swap3A_29] {strides = array<i32>} : memref<256xf32, #tpu.memory_space<vmem>>, vector<16xf32>,
    %swap3A_31 = vector.shape_cast %swap3A_30 : vector<16xf32> to vector<16xf32>
    %swap3A_32 = vector.shape_cast %broadcast_in_dim3A_9 : vector<16xf32> to vector<16xf32>
    tpu.vector_store %arg17[%swap3A_29], %swap3A_32 {strides = array<i32>} : memref<256xf32, #tpu.memory_space<vmem>>, vector<16xf32>,
    %swap3A_33 = arith.constant 96 : index
    %swap3A_34 = tpu.vector_load %arg17[%swap3A_33] {strides = array<i32>} : memref<256xf32, #tpu.memory_space<vmem>>, vector<16xf32>,
    %swap3A_35 = vector.shape_cast %swap3A_34 : vector<16xf32> to vector<16xf32>
    %swap3A_36 = vector.shape_cast %broadcast_in_dim3A_9 : vector<16xf32> to vector<16xf32>
    tpu.vector_store %arg17[%swap3A_33], %swap3A_36 {strides = array<i32>} : memref<256xf32, #tpu.memory_space<vmem>>, vector<16xf32>,
    %swap3A_37 = arith.constant 112 : index
    %swap3A_38 = tpu.vector_load %arg17[%swap3A_37] {strides = array<i32>} : memref<256xf32, #tpu.memory_space<vmem>>, vector<16xf32>,
    %swap3A_39 = vector.shape_cast %swap3A_38 : vector<16xf32> to vector<16xf32>
    %swap3A_40 = vector.shape_cast %broadcast_in_dim3A_9 : vector<16xf32> to vector<16xf32>
    tpu.vector_store %arg17[%swap3A_37], %swap3A_40 {strides = array<i32>} : memref<256xf32, #tpu.memory_space<vmem>>, vector<16xf32>,
    %swap3A_41 = arith.constant 128 : index
    %swap3A_42 = tpu.vector_load %arg17[%swap3A_41] {strides = array<i32>} : memref<256xf32, #tpu.memory_space<vmem>>, vector<16xf32>,
    %swap3A_43 = vector.shape_cast %swap3A_42 : vector<16xf32> to vector<16xf32>
    %swap3A_44 = vector.shape_cast %broadcast_in_dim3A_9 : vector<16xf32> to vector<16xf32>
    tpu.vector_store %arg17[%swap3A_41], %swap3A_44 {strides = array<i32>} : memref<256xf32, #tpu.memory_space<vmem>>, vector<16xf32>,
    %swap3A_45 = arith.constant 144 : index
    %swap3A_46 = tpu.vector_load %arg17[%swap3A_45] {strides = array<i32>} : memref<256xf32, #tpu.memory_space<vmem>>, vector<16xf32>,
    %swap3A_47 = vector.shape_cast %swap3A_46 : vector<16xf32> to vector<16xf32>
    %swap3A_48 = vector.shape_cast %broadcast_in_dim3A_9 : vector<16xf32> to vector<16xf32>
    tpu.vector_store %arg17[%swap3A_45], %swap3A_48 {strides = array<i32>} : memref<256xf32, #tpu.memory_space<vmem>>, vector<16xf32>,
    %swap3A_49 = arith.constant 160 : index
    %swap3A_50 = tpu.vector_load %arg17[%swap3A_49] {strides = array<i32>} : memref<256xf32, #tpu.memory_space<vmem>>, vector<16xf32>,
    %swap3A_51 = vector.shape_cast %swap3A_50 : vector<16xf32> to vector<16xf32>
    %swap3A_52 = vector.shape_cast %broadcast_in_dim3A_9 : vector<16xf32> to vector<16xf32>
    tpu.vector_store %arg17[%swap3A_49], %swap3A_52 {strides = array<i32>} : memref<256xf32, #tpu.memory_space<vmem>>, vector<16xf32>,
    %swap3A_53 = arith.constant 176 : index
    %swap3A_54 = tpu.vector_load %arg17[%swap3A_53] {strides = array<i32>} : memref<256xf32, #tpu.memory_space<vmem>>, vector<16xf32>,
    %swap3A_55 = vector.shape_cast %swap3A_54 : vector<16xf32> to vector<16xf32>
    %swap3A_56 = vector.shape_cast %broadcast_in_dim3A_9 : vector<16xf32> to vector<16xf32>
    tpu.vector_store %arg17[%swap3A_53], %swap3A_56 {strides = array<i32>} : memref<256xf32, #tpu.memory_space<vmem>>, vector<16xf32>,
    %swap3A_57 = arith.constant 192 : index
    %swap3A_58 = tpu.vector_load %arg17[%swap3A_57] {strides = array<i32>} : memref<256xf32, #tpu.memory_space<vmem>>, vector<16xf32>,
    %swap3A_59 = vector.shape_cast %swap3A_58 : vector<16xf32> to vector<16xf32>
    %swap3A_60 = vector.shape_cast %broadcast_in_dim3A_9 : vector<16xf32> to vector<16xf32>
    tpu.vector_store %arg17[%swap3A_57], %swap3A_60 {strides = array<i32>} : memref<256xf32, #tpu.memory_space<vmem>>, vector<16xf32>,
    %swap3A_61 = arith.constant 208 : index
    %swap3A_62 = tpu.vector_load %arg17[%swap3A_61] {strides = array<i32>} : memref<256xf32, #tpu.memory_space<vmem>>, vector<16xf32>,
    %swap3A_63 = vector.shape_cast %swap3A_62 : vector<16xf32> to vector<16xf32>
    %swap3A_64 = vector.shape_cast %broadcast_in_dim3A_9 : vector<16xf32> to vector<16xf32>
    tpu.vector_store %arg17[%swap3A_61], %swap3A_64 {strides = array<i32>} : memref<256xf32, #tpu.memory_space<vmem>>, vector<16xf32>,
    %swap3A_65 = arith.constant 224 : index
    %swap3A_66 = tpu.vector_load %arg17[%swap3A_65] {strides = array<i32>} : memref<256xf32, #tpu.memory_space<vmem>>, vector<16xf32>,
    %swap3A_67 = vector.shape_cast %swap3A_66 : vector<16xf32> to vector<16xf32>
    %swap3A_68 = vector.shape_cast %broadcast_in_dim3A_9 : vector<16xf32> to vector<16xf32>
    tpu.vector_store %arg17[%swap3A_65], %swap3A_68 {strides = array<i32>} : memref<256xf32, #tpu.memory_space<vmem>>, vector<16xf32>,
    %swap3A_69 = arith.constant 240 : index
    %swap3A_70 = tpu.vector_load %arg17[%swap3A_69] {strides = array<i32>} : memref<256xf32, #tpu.memory_space<vmem>>, vector<16xf32>,
    %swap3A_71 = vector.shape_cast %swap3A_70 : vector<16xf32> to vector<16xf32>
    %swap3A_72 = vector.shape_cast %broadcast_in_dim3A_9 : vector<16xf32> to vector<16xf32>
    tpu.vector_store %arg17[%swap3A_69], %swap3A_72 {strides = array<i32>} : memref<256xf32, #tpu.memory_space<vmem>>, vector<16xf32>,
    %scan3A_73 = arith.constant 0 : i32
    %scan3A_74 = arith.constant 40 : i32
    %scan3A_75 = arith.addi %scan3A_73, %scan3A_74 : i32
    %scan3A_76 = arith.constant 1 : i32
    scf.for %scan3A_218 = %scan3A_73 to %scan3A_75 step %scan3A_76  : i32 {
      %mul3A_219 = arith.constant 1 : i32
      %mul3A_220 = arith.muli %scan3A_218, %mul3A_219 : i32
      %add3A = arith.constant 0 : i32
      %add3A_221 = arith.addi %add3A, %mul3A_220 : i32
      %mul3A_222 = arith.constant 16 : i32
      %mul3A_223 = arith.muli %add3A_221, %mul3A_222 : i32
      %swap3A_224 = arith.index_cast %mul3A_223 : i32 to index
      %swap3A_225 = tpu.vector_load %arg18[%swap3A_224] {strides = array<i32>} : memref<640xf32, #tpu.memory_space<vmem>>, vector<16xf32>,
      %swap3A_226 = vector.shape_cast %swap3A_225 : vector<16xf32> to vector<16xf32>
      %swap3A_227 = vector.shape_cast %broadcast_in_dim3A_1 : vector<16xf32> to vector<16xf32>
      tpu.vector_store %arg18[%swap3A_224], %swap3A_227 {strides = array<i32>} : memref<640xf32, #tpu.memory_space<vmem>>, vector<16xf32>,
    }
    %scan3A_77 = arith.constant 40 : i32
    %mul3A_78 = arith.constant 80 : i32
    %mul3A_79 = arith.muli %arg1, %mul3A_78 : i32
    "tpu.region"() ({
      %run_scoped3A = tpu.sem_alloc : memref<!tpu.dma_semaphore, #tpu.memory_space<semaphore_mem>>
      %dma_start3A_218 = arith.constant 0 : i32
      %dma_start3A_219 = tpu.memref_slice %arg3[%arg0, %mul3A_79, %dma_start3A_218] : memref<2x1280x256xi32, #tpu.memory_space<hbm>> -> memref<1x80x256xi32, #tpu.memory_space<hbm>>
      %dma_start3A_220 = tpu.memref_squeeze %dma_start3A_219 : memref<1x80x256xi32, #tpu.memory_space<hbm>> -> memref<80x256xi32, #tpu.memory_space<hbm>>
      %dma_start3A_221 = arith.constant 0 : i32
      %dma_start3A_222 = tpu.memref_slice %arg3[%arg0, %mul3A_79, %dma_start3A_221] : memref<2x1280x256xi32, #tpu.memory_space<hbm>> -> memref<1x80x256xi32, #tpu.memory_space<hbm>>
      %dma_start3A_223 = tpu.memref_squeeze %dma_start3A_222 : memref<1x80x256xi32, #tpu.memory_space<hbm>> -> memref<80x256xi32, #tpu.memory_space<hbm>>
      tpu.enqueue_dma source(%dma_start3A_223 : memref<80x256xi32, #tpu.memory_space<hbm>>) target(%arg7 : memref<80x256xi32, #tpu.memory_space<vmem>>) target_semaphore(%run_scoped3A : memref<!tpu.dma_semaphore, #tpu.memory_space<semaphore_mem>>)
      %dma_wait3A_224 = arith.constant 0 : i32
      %dma_wait3A_225 = tpu.memref_slice %arg3[%arg0, %mul3A_79, %dma_wait3A_224] : memref<2x1280x256xi32, #tpu.memory_space<hbm>> -> memref<1x80x256xi32, #tpu.memory_space<hbm>>
      %dma_wait3A_226 = tpu.memref_squeeze %dma_wait3A_225 : memref<1x80x256xi32, #tpu.memory_space<hbm>> -> memref<80x256xi32, #tpu.memory_space<hbm>>
      %dma_wait3A_227 = arith.constant 0 : i32
      %dma_wait3A_228 = tpu.memref_slice %arg3[%arg0, %mul3A_79, %dma_wait3A_227] : memref<2x1280x256xi32, #tpu.memory_space<hbm>> -> memref<1x80x256xi32, #tpu.memory_space<hbm>>
      %dma_wait3A_229 = tpu.memref_squeeze %dma_wait3A_228 : memref<1x80x256xi32, #tpu.memory_space<hbm>> -> memref<80x256xi32, #tpu.memory_space<hbm>>
      tpu.wait_dma2 semaphore(%run_scoped3A : memref<!tpu.dma_semaphore, #tpu.memory_space<semaphore_mem>>) src(%dma_wait3A_229 : memref<80x256xi32, #tpu.memory_space<hbm>>) dst(%arg7 : memref<80x256xi32, #tpu.memory_space<vmem>>)
      tpu.yield
    }) : () -> ()
    %mul3A_80 = arith.constant 80 : i32
    %mul3A_81 = arith.muli %arg1, %mul3A_80 : i32
    "tpu.region"() ({
      %run_scoped3A = tpu.sem_alloc : memref<!tpu.dma_semaphore, #tpu.memory_space<semaphore_mem>>
      %dma_start3A_218 = arith.constant 0 : i32
      %dma_start3A_219 = tpu.memref_slice %arg4[%mul3A_81, %dma_start3A_218] : memref<1280x256xi32, #tpu.memory_space<hbm>> -> memref<80x256xi32, #tpu.memory_space<hbm>>
      %dma_start3A_220 = arith.constant 0 : i32
      %dma_start3A_221 = tpu.memref_slice %arg4[%mul3A_81, %dma_start3A_220] : memref<1280x256xi32, #tpu.memory_space<hbm>> -> memref<80x256xi32, #tpu.memory_space<hbm>>
      tpu.enqueue_dma source(%dma_start3A_221 : memref<80x256xi32, #tpu.memory_space<hbm>>) target(%arg8 : memref<80x256xi32, #tpu.memory_space<vmem>>) target_semaphore(%run_scoped3A : memref<!tpu.dma_semaphore, #tpu.memory_space<semaphore_mem>>)
      %dma_wait3A_222 = arith.constant 0 : i32
      %dma_wait3A_223 = tpu.memref_slice %arg4[%mul3A_81, %dma_wait3A_222] : memref<1280x256xi32, #tpu.memory_space<hbm>> -> memref<80x256xi32, #tpu.memory_space<hbm>>
      %dma_wait3A_224 = arith.constant 0 : i32
      %dma_wait3A_225 = tpu.memref_slice %arg4[%mul3A_81, %dma_wait3A_224] : memref<1280x256xi32, #tpu.memory_space<hbm>> -> memref<80x256xi32, #tpu.memory_space<hbm>>
      tpu.wait_dma2 semaphore(%run_scoped3A : memref<!tpu.dma_semaphore, #tpu.memory_space<semaphore_mem>>) src(%dma_wait3A_225 : memref<80x256xi32, #tpu.memory_space<hbm>>) dst(%arg8 : memref<80x256xi32, #tpu.memory_space<vmem>>)
      tpu.yield
    }) : () -> ()
    "tpu.region"() ({
      %run_scoped3A = tpu.sem_alloc : memref<!tpu.dma_semaphore, #tpu.memory_space<semaphore_mem>>
      %dma_start3A_218 = arith.constant 0 : i32
      %dma_start3A_219 = tpu.memref_slice %arg11[%mul3A_0, %dma_start3A_218] : memref<10240x64xbf16, #tpu.memory_space<vmem_shared>> -> memref<640x64xbf16, #tpu.memory_space<vmem_shared>>
      %dma_start3A_220 = arith.constant 0 : i32
      %dma_start3A_221 = tpu.memref_slice %arg11[%mul3A_0, %dma_start3A_220] : memref<10240x64xbf16, #tpu.memory_space<vmem_shared>> -> memref<640x64xbf16, #tpu.memory_space<vmem_shared>>
      tpu.enqueue_dma source(%arg10 : memref<640x64xbf16, #tpu.memory_space<vmem>>) target(%dma_start3A_221 : memref<640x64xbf16, #tpu.memory_space<vmem_shared>>) target_semaphore(%run_scoped3A : memref<!tpu.dma_semaphore, #tpu.memory_space<semaphore_mem>>)
      %dma_wait3A_222 = arith.constant 0 : i32
      %dma_wait3A_223 = tpu.memref_slice %arg11[%mul3A_0, %dma_wait3A_222] : memref<10240x64xbf16, #tpu.memory_space<vmem_shared>> -> memref<640x64xbf16, #tpu.memory_space<vmem_shared>>
      %dma_wait3A_224 = arith.constant 0 : i32
      %dma_wait3A_225 = tpu.memref_slice %arg11[%mul3A_0, %dma_wait3A_224] : memref<10240x64xbf16, #tpu.memory_space<vmem_shared>> -> memref<640x64xbf16, #tpu.memory_space<vmem_shared>>
      tpu.wait_dma2 semaphore(%run_scoped3A : memref<!tpu.dma_semaphore, #tpu.memory_space<semaphore_mem>>) src(%arg10 : memref<640x64xbf16, #tpu.memory_space<vmem>>) dst(%dma_wait3A_225 : memref<640x64xbf16, #tpu.memory_space<vmem_shared>>)
      tpu.yield
    }) : () -> ()
    "tpu.region"() ({
      %run_scoped3A = tpu.sem_alloc : memref<!tpu.dma_semaphore, #tpu.memory_space<semaphore_mem>>
      %dma_start3A_218 = tpu.memref_slice %arg19[%mul3A_0] : memref<10240xf32, #tpu.memory_space<vmem_shared>> -> memref<640xf32, #tpu.memory_space<vmem_shared>>
      %dma_start3A_219 = tpu.memref_slice %arg19[%mul3A_0] : memref<10240xf32, #tpu.memory_space<vmem_shared>> -> memref<640xf32, #tpu.memory_space<vmem_shared>>
      tpu.enqueue_dma source(%arg18 : memref<640xf32, #tpu.memory_space<vmem>>) target(%dma_start3A_219 : memref<640xf32, #tpu.memory_space<vmem_shared>>) target_semaphore(%run_scoped3A : memref<!tpu.dma_semaphore, #tpu.memory_space<semaphore_mem>>)
      %dma_wait3A_220 = tpu.memref_slice %arg19[%mul3A_0] : memref<10240xf32, #tpu.memory_space<vmem_shared>> -> memref<640xf32, #tpu.memory_space<vmem_shared>>
      %dma_wait3A_221 = tpu.memref_slice %arg19[%mul3A_0] : memref<10240xf32, #tpu.memory_space<vmem_shared>> -> memref<640xf32, #tpu.memory_space<vmem_shared>>
      tpu.wait_dma2 semaphore(%run_scoped3A : memref<!tpu.dma_semaphore, #tpu.memory_space<semaphore_mem>>) src(%arg18 : memref<640xf32, #tpu.memory_space<vmem>>) dst(%dma_wait3A_221 : memref<640xf32, #tpu.memory_space<vmem_shared>>)
      tpu.yield
    }) : () -> ()
    %barrier3A = arith.constant 0 : index
    tpu.barrier barrier_id(%barrier3A)
    %dma_start3A = arith.constant 0 : i32
    %dma_start3A_82 = arith.constant 0 : i32
    %dma_start3A_83 = arith.constant 0 : i32
    %dma_start3A_84 = arith.constant 0 : i32
    %dma_start3A_85 = tpu.memref_slice %arg9[%dma_start3A_82, %dma_start3A_83, %dma_start3A_84] : memref<2x256x64xbf16, #tpu.memory_space<vmem>> -> memref<1x256x64xbf16, #tpu.memory_space<vmem>>
    %dma_start3A_86 = tpu.memref_squeeze %dma_start3A_85 : memref<1x256x64xbf16, #tpu.memory_space<vmem>> -> memref<256x64xbf16, #tpu.memory_space<vmem>>
    %dma_start3A_87 = arith.constant 0 : i32
    %dma_start3A_88 = tpu.memref_slice %arg7[%dma_start3A, %dma_start3A_87] : memref<80x256xi32, #tpu.memory_space<vmem>> -> memref<1x256xi32, #tpu.memory_space<vmem>>
    %dma_start3A_89 = tpu.memref_squeeze %dma_start3A_88 : memref<1x256xi32, #tpu.memory_space<vmem>> -> memref<256xi32, #tpu.memory_space<vmem>>
    %dma_start3A_90 = arith.constant 0 : i32
    %dma_start3A_91 = arith.constant 0 : i32
    %dma_start3A_92 = tpu.memref_slice %arg2[%dma_start3A_90, %dma_start3A_91] : memref<20000x64xbf16, #tpu.memory_space<hbm>> -> memref<20000x64xbf16, #tpu.memory_space<hbm>>
    tpu.enqueue_indirect_dma source(%dma_start3A_92 : memref<20000x64xbf16, #tpu.memory_space<hbm>>) target(%dma_start3A_86 : memref<256x64xbf16, #tpu.memory_space<vmem>>) offsets(%dma_start3A_89 : memref<256xi32, #tpu.memory_space<vmem>>) semaphore(%arg12 : memref<!tpu.dma_semaphore, #tpu.memory_space<semaphore_mem>>)
    %dma_start3A_93 = arith.constant 1 : i32
    %dma_start3A_94 = arith.constant 1 : i32
    %dma_start3A_95 = arith.constant 0 : i32
    %dma_start3A_96 = arith.constant 0 : i32
    %dma_start3A_97 = tpu.memref_slice %arg9[%dma_start3A_94, %dma_start3A_95, %dma_start3A_96] : memref<2x256x64xbf16, #tpu.memory_space<vmem>> -> memref<1x256x64xbf16, #tpu.memory_space<vmem>>
    %dma_start3A_98 = tpu.memref_squeeze %dma_start3A_97 : memref<1x256x64xbf16, #tpu.memory_space<vmem>> -> memref<256x64xbf16, #tpu.memory_space<vmem>>
    %dma_start3A_99 = arith.constant 0 : i32
    %dma_start3A_100 = tpu.memref_slice %arg7[%dma_start3A_93, %dma_start3A_99] : memref<80x256xi32, #tpu.memory_space<vmem>> -> memref<1x256xi32, #tpu.memory_space<vmem>>
    %dma_start3A_101 = tpu.memref_squeeze %dma_start3A_100 : memref<1x256xi32, #tpu.memory_space<vmem>> -> memref<256xi32, #tpu.memory_space<vmem>>
    %dma_start3A_102 = arith.constant 0 : i32
    %dma_start3A_103 = arith.constant 0 : i32
    %dma_start3A_104 = tpu.memref_slice %arg2[%dma_start3A_102, %dma_start3A_103] : memref<20000x64xbf16, #tpu.memory_space<hbm>> -> memref<20000x64xbf16, #tpu.memory_space<hbm>>
    tpu.enqueue_indirect_dma source(%dma_start3A_104 : memref<20000x64xbf16, #tpu.memory_space<hbm>>) target(%dma_start3A_98 : memref<256x64xbf16, #tpu.memory_space<vmem>>) offsets(%dma_start3A_101 : memref<256xi32, #tpu.memory_space<vmem>>) semaphore(%arg13 : memref<!tpu.dma_semaphore, #tpu.memory_space<semaphore_mem>>)
    %scan3A_105 = arith.constant 0 : i32
    %scan3A_106 = arith.constant 39 : i32
    %scan3A_107 = arith.addi %scan3A_105, %scan3A_106 : i32
    %scan3A_108 = arith.constant 1 : i32
    scf.for %scan3A_218 = %scan3A_105 to %scan3A_107 step %scan3A_108  : i32 {
      %mul3A_219 = arith.constant 1 : i32
      %mul3A_220 = arith.muli %scan3A_218, %mul3A_219 : i32
      %add3A = arith.constant 0 : i32
      %add3A_221 = arith.addi %add3A, %mul3A_220 : i32
      %mul3A_222 = arith.constant 2 : i32
      %mul3A_223 = arith.muli %add3A_221, %mul3A_222 : i32
      %add3A_224 = arith.constant 0 : i32
      %add3A_225 = arith.addi %mul3A_223, %add3A_224 : i32
      %dma_wait3A_226 = arith.constant 0 : i32
      %dma_wait3A_227 = arith.constant 0 : i32
      %dma_wait3A_228 = arith.constant 0 : i32
      %dma_wait3A_229 = tpu.memref_slice %arg9[%dma_wait3A_226, %dma_wait3A_227, %dma_wait3A_228] : memref<2x256x64xbf16, #tpu.memory_space<vmem>> -> memref<1x256x64xbf16, #tpu.memory_space<vmem>>
      %dma_wait3A_230 = tpu.memref_squeeze %dma_wait3A_229 : memref<1x256x64xbf16, #tpu.memory_space<vmem>> -> memref<256x64xbf16, #tpu.memory_space<vmem>>
      %dma_wait3A_231 = arith.constant 0 : i32
      %dma_wait3A_232 = tpu.memref_slice %arg7[%add3A_225, %dma_wait3A_231] : memref<80x256xi32, #tpu.memory_space<vmem>> -> memref<1x256xi32, #tpu.memory_space<vmem>>
      %dma_wait3A_233 = tpu.memref_squeeze %dma_wait3A_232 : memref<1x256xi32, #tpu.memory_space<vmem>> -> memref<256xi32, #tpu.memory_space<vmem>>
      %dma_wait3A_234 = arith.constant 0 : i32
      %dma_wait3A_235 = arith.constant 0 : i32
      %dma_wait3A_236 = tpu.memref_slice %arg2[%dma_wait3A_234, %dma_wait3A_235] : memref<20000x64xbf16, #tpu.memory_space<hbm>> -> memref<20000x64xbf16, #tpu.memory_space<hbm>>
      tpu.wait_indirect_dma semaphore(%arg12 : memref<!tpu.dma_semaphore, #tpu.memory_space<semaphore_mem>>) src(%dma_wait3A_236 : memref<20000x64xbf16, #tpu.memory_space<hbm>>) dst(%dma_wait3A_230 : memref<256x64xbf16, #tpu.memory_space<vmem>>)
      %dma_start3A_237 = arith.constant 0 : i32
      %dma_start3A_238 = arith.constant 0 : i32
      %dma_start3A_239 = arith.constant 0 : i32
      %dma_start3A_240 = tpu.memref_slice %arg9[%dma_start3A_237, %dma_start3A_238, %dma_start3A_239] : memref<2x256x64xbf16, #tpu.memory_space<vmem>> -> memref<1x256x64xbf16, #tpu.memory_space<vmem>>
      %dma_start3A_241 = tpu.memref_squeeze %dma_start3A_240 : memref<1x256x64xbf16, #tpu.memory_space<vmem>> -> memref<256x64xbf16, #tpu.memory_space<vmem>>
      %dma_start3A_242 = arith.constant 0 : i32
      %dma_start3A_243 = tpu.memref_slice %arg8[%add3A_225, %dma_start3A_242] : memref<80x256xi32, #tpu.memory_space<vmem>> -> memref<1x256xi32, #tpu.memory_space<vmem>>
      %dma_start3A_244 = tpu.memref_squeeze %dma_start3A_243 : memref<1x256xi32, #tpu.memory_space<vmem>> -> memref<256xi32, #tpu.memory_space<vmem>>
      %dma_start3A_245 = arith.constant 0 : i32
      %dma_start3A_246 = arith.constant 0 : i32
      %dma_start3A_247 = tpu.memref_slice %arg11[%dma_start3A_245, %dma_start3A_246] : memref<10240x64xbf16, #tpu.memory_space<vmem_shared>> -> memref<10240x64xbf16, #tpu.memory_space<vmem_shared>>
      tpu.enqueue_indirect_dma source(%dma_start3A_241 : memref<256x64xbf16, #tpu.memory_space<vmem>>) target(%dma_start3A_247 : memref<10240x64xbf16, #tpu.memory_space<vmem_shared>>) offsets(%dma_start3A_244 : memref<256xi32, #tpu.memory_space<vmem>>) semaphore(%arg14 : memref<!tpu.dma_semaphore, #tpu.memory_space<semaphore_mem>>) {add = true}
      %ge3A = arith.constant 2 : i32
      %ge3A_248 = arith.cmpi sge, %add3A_225, %ge3A : i32
      %convert_element_type3A = arith.extui %ge3A_248 : i1 to i32
      %cond3A = arith.constant 0 : i32
      %cond3A_249 = arith.cmpi ne, %convert_element_type3A, %cond3A : i32
      scf.if %cond3A_249 {
        %dma_wait3A_339 = arith.constant 0 : i32
        %dma_wait3A_340 = arith.constant 0 : i32
        %dma_wait3A_341 = tpu.memref_slice %arg8[%dma_wait3A_339, %dma_wait3A_340] : memref<80x256xi32, #tpu.memory_space<vmem>> -> memref<1x256xi32, #tpu.memory_space<vmem>>
        %dma_wait3A_342 = tpu.memref_squeeze %dma_wait3A_341 : memref<1x256xi32, #tpu.memory_space<vmem>> -> memref<256xi32, #tpu.memory_space<vmem>>
        %dma_wait3A_343 = arith.constant 0 : i32
        %dma_wait3A_344 = tpu.memref_slice %arg19[%dma_wait3A_343] : memref<10240xf32, #tpu.memory_space<vmem_shared>> -> memref<10240xf32, #tpu.memory_space<vmem_shared>>
        tpu.wait_indirect_dma semaphore(%arg20 : memref<!tpu.dma_semaphore, #tpu.memory_space<semaphore_mem>>) src(%arg17 : memref<256xf32, #tpu.memory_space<vmem>>) dst(%dma_wait3A_344 : memref<10240xf32, #tpu.memory_space<vmem_shared>>)
      } else {
      }
      %dma_start3A_250 = arith.constant 0 : i32
      %dma_start3A_251 = tpu.memref_slice %arg8[%add3A_225, %dma_start3A_250] : memref<80x256xi32, #tpu.memory_space<vmem>> -> memref<1x256xi32, #tpu.memory_space<vmem>>
      %dma_start3A_252 = tpu.memref_squeeze %dma_start3A_251 : memref<1x256xi32, #tpu.memory_space<vmem>> -> memref<256xi32, #tpu.memory_space<vmem>>
      %dma_start3A_253 = arith.constant 0 : i32
      %dma_start3A_254 = tpu.memref_slice %arg19[%dma_start3A_253] : memref<10240xf32, #tpu.memory_space<vmem_shared>> -> memref<10240xf32, #tpu.memory_space<vmem_shared>>
      tpu.enqueue_indirect_dma source(%arg17 : memref<256xf32, #tpu.memory_space<vmem>>) target(%dma_start3A_254 : memref<10240xf32, #tpu.memory_space<vmem_shared>>) offsets(%dma_start3A_252 : memref<256xi32, #tpu.memory_space<vmem>>) semaphore(%arg20 : memref<!tpu.dma_semaphore, #tpu.memory_space<semaphore_mem>>) {add = true}
      %dma_wait3A_255 = arith.constant 0 : i32
      %dma_wait3A_256 = arith.constant 0 : i32
      %dma_wait3A_257 = arith.constant 0 : i32
      %dma_wait3A_258 = arith.constant 0 : i32
      %dma_wait3A_259 = tpu.memref_slice %arg9[%dma_wait3A_255, %dma_wait3A_257, %dma_wait3A_258] : memref<2x256x64xbf16, #tpu.memory_space<vmem>> -> memref<1x256x64xbf16, #tpu.memory_space<vmem>>
      %dma_wait3A_260 = tpu.memref_squeeze %dma_wait3A_259 : memref<1x256x64xbf16, #tpu.memory_space<vmem>> -> memref<256x64xbf16, #tpu.memory_space<vmem>>
      %dma_wait3A_261 = arith.constant 0 : i32
      %dma_wait3A_262 = tpu.memref_slice %arg8[%dma_wait3A_256, %dma_wait3A_261] : memref<80x256xi32, #tpu.memory_space<vmem>> -> memref<1x256xi32, #tpu.memory_space<vmem>>
      %dma_wait3A_263 = tpu.memref_squeeze %dma_wait3A_262 : memref<1x256xi32, #tpu.memory_space<vmem>> -> memref<256xi32, #tpu.memory_space<vmem>>
      %dma_wait3A_264 = arith.constant 0 : i32
      %dma_wait3A_265 = arith.constant 0 : i32
      %dma_wait3A_266 = tpu.memref_slice %arg11[%dma_wait3A_264, %dma_wait3A_265] : memref<10240x64xbf16, #tpu.memory_space<vmem_shared>> -> memref<10240x64xbf16, #tpu.memory_space<vmem_shared>>
      tpu.wait_indirect_dma semaphore(%arg14 : memref<!tpu.dma_semaphore, #tpu.memory_space<semaphore_mem>>) src(%dma_wait3A_260 : memref<256x64xbf16, #tpu.memory_space<vmem>>) dst(%dma_wait3A_266 : memref<10240x64xbf16, #tpu.memory_space<vmem_shared>>)
      %add3A_267 = arith.constant 2 : i32
      %add3A_268 = arith.addi %add3A_225, %add3A_267 : i32
      %dma_start3A_269 = arith.constant 0 : i32
      %dma_start3A_270 = arith.constant 0 : i32
      %dma_start3A_271 = arith.constant 0 : i32
      %dma_start3A_272 = tpu.memref_slice %arg9[%dma_start3A_269, %dma_start3A_270, %dma_start3A_271] : memref<2x256x64xbf16, #tpu.memory_space<vmem>> -> memref<1x256x64xbf16, #tpu.memory_space<vmem>>
      %dma_start3A_273 = tpu.memref_squeeze %dma_start3A_272 : memref<1x256x64xbf16, #tpu.memory_space<vmem>> -> memref<256x64xbf16, #tpu.memory_space<vmem>>
      %dma_start3A_274 = arith.constant 0 : i32
      %dma_start3A_275 = tpu.memref_slice %arg7[%add3A_268, %dma_start3A_274] : memref<80x256xi32, #tpu.memory_space<vmem>> -> memref<1x256xi32, #tpu.memory_space<vmem>>
      %dma_start3A_276 = tpu.memref_squeeze %dma_start3A_275 : memref<1x256xi32, #tpu.memory_space<vmem>> -> memref<256xi32, #tpu.memory_space<vmem>>
      %dma_start3A_277 = arith.constant 0 : i32
      %dma_start3A_278 = arith.constant 0 : i32
      %dma_start3A_279 = tpu.memref_slice %arg2[%dma_start3A_277, %dma_start3A_278] : memref<20000x64xbf16, #tpu.memory_space<hbm>> -> memref<20000x64xbf16, #tpu.memory_space<hbm>>
      tpu.enqueue_indirect_dma source(%dma_start3A_279 : memref<20000x64xbf16, #tpu.memory_space<hbm>>) target(%dma_start3A_273 : memref<256x64xbf16, #tpu.memory_space<vmem>>) offsets(%dma_start3A_276 : memref<256xi32, #tpu.memory_space<vmem>>) semaphore(%arg12 : memref<!tpu.dma_semaphore, #tpu.memory_space<semaphore_mem>>)
      %add3A_280 = arith.constant 1 : i32
      %add3A_281 = arith.addi %mul3A_223, %add3A_280 : i32
      %dma_wait3A_282 = arith.constant 1 : i32
      %dma_wait3A_283 = arith.constant 0 : i32
      %dma_wait3A_284 = arith.constant 0 : i32
      %dma_wait3A_285 = tpu.memref_slice %arg9[%dma_wait3A_282, %dma_wait3A_283, %dma_wait3A_284] : memref<2x256x64xbf16, #tpu.memory_space<vmem>> -> memref<1x256x64xbf16, #tpu.memory_space<vmem>>
      %dma_wait3A_286 = tpu.memref_squeeze %dma_wait3A_285 : memref<1x256x64xbf16, #tpu.memory_space<vmem>> -> memref<256x64xbf16, #tpu.memory_space<vmem>>
      %dma_wait3A_287 = arith.constant 0 : i32
      %dma_wait3A_288 = tpu.memref_slice %arg7[%add3A_281, %dma_wait3A_287] : memref<80x256xi32, #tpu.memory_space<vmem>> -> memref<1x256xi32, #tpu.memory_space<vmem>>
      %dma_wait3A_289 = tpu.memref_squeeze %dma_wait3A_288 : memref<1x256xi32, #tpu.memory_space<vmem>> -> memref<256xi32, #tpu.memory_space<vmem>>
      %dma_wait3A_290 = arith.constant 0 : i32
      %dma_wait3A_291 = arith.constant 0 : i32
      %dma_wait3A_292 = tpu.memref_slice %arg2[%dma_wait3A_290, %dma_wait3A_291] : memref<20000x64xbf16, #tpu.memory_space<hbm>> -> memref<20000x64xbf16, #tpu.memory_space<hbm>>
      tpu.wait_indirect_dma semaphore(%arg13 : memref<!tpu.dma_semaphore, #tpu.memory_space<semaphore_mem>>) src(%dma_wait3A_292 : memref<20000x64xbf16, #tpu.memory_space<hbm>>) dst(%dma_wait3A_286 : memref<256x64xbf16, #tpu.memory_space<vmem>>)
      %dma_start3A_293 = arith.constant 1 : i32
      %dma_start3A_294 = arith.constant 0 : i32
      %dma_start3A_295 = arith.constant 0 : i32
      %dma_start3A_296 = tpu.memref_slice %arg9[%dma_start3A_293, %dma_start3A_294, %dma_start3A_295] : memref<2x256x64xbf16, #tpu.memory_space<vmem>> -> memref<1x256x64xbf16, #tpu.memory_space<vmem>>
      %dma_start3A_297 = tpu.memref_squeeze %dma_start3A_296 : memref<1x256x64xbf16, #tpu.memory_space<vmem>> -> memref<256x64xbf16, #tpu.memory_space<vmem>>
      %dma_start3A_298 = arith.constant 0 : i32
      %dma_start3A_299 = tpu.memref_slice %arg8[%add3A_281, %dma_start3A_298] : memref<80x256xi32, #tpu.memory_space<vmem>> -> memref<1x256xi32, #tpu.memory_space<vmem>>
      %dma_start3A_300 = tpu.memref_squeeze %dma_start3A_299 : memref<1x256xi32, #tpu.memory_space<vmem>> -> memref<256xi32, #tpu.memory_space<vmem>>
      %dma_start3A_301 = arith.constant 0 : i32
      %dma_start3A_302 = arith.constant 0 : i32
      %dma_start3A_303 = tpu.memref_slice %arg11[%dma_start3A_301, %dma_start3A_302] : memref<10240x64xbf16, #tpu.memory_space<vmem_shared>> -> memref<10240x64xbf16, #tpu.memory_space<vmem_shared>>
      tpu.enqueue_indirect_dma source(%dma_start3A_297 : memref<256x64xbf16, #tpu.memory_space<vmem>>) target(%dma_start3A_303 : memref<10240x64xbf16, #tpu.memory_space<vmem_shared>>) offsets(%dma_start3A_300 : memref<256xi32, #tpu.memory_space<vmem>>) semaphore(%arg15 : memref<!tpu.dma_semaphore, #tpu.memory_space<semaphore_mem>>) {add = true}
      %ge3A_304 = arith.constant 2 : i32
      %ge3A_305 = arith.cmpi sge, %add3A_281, %ge3A_304 : i32
      %convert_element_type3A_306 = arith.extui %ge3A_305 : i1 to i32
      %cond3A_307 = arith.constant 0 : i32
      %cond3A_308 = arith.cmpi ne, %convert_element_type3A_306, %cond3A_307 : i32
      scf.if %cond3A_308 {
        %dma_wait3A_339 = arith.constant 0 : i32
        %dma_wait3A_340 = arith.constant 0 : i32
        %dma_wait3A_341 = tpu.memref_slice %arg8[%dma_wait3A_339, %dma_wait3A_340] : memref<80x256xi32, #tpu.memory_space<vmem>> -> memref<1x256xi32, #tpu.memory_space<vmem>>
        %dma_wait3A_342 = tpu.memref_squeeze %dma_wait3A_341 : memref<1x256xi32, #tpu.memory_space<vmem>> -> memref<256xi32, #tpu.memory_space<vmem>>
        %dma_wait3A_343 = arith.constant 0 : i32
        %dma_wait3A_344 = tpu.memref_slice %arg19[%dma_wait3A_343] : memref<10240xf32, #tpu.memory_space<vmem_shared>> -> memref<10240xf32, #tpu.memory_space<vmem_shared>>
        tpu.wait_indirect_dma semaphore(%arg21 : memref<!tpu.dma_semaphore, #tpu.memory_space<semaphore_mem>>) src(%arg17 : memref<256xf32, #tpu.memory_space<vmem>>) dst(%dma_wait3A_344 : memref<10240xf32, #tpu.memory_space<vmem_shared>>)
      } else {
      }
      %dma_start3A_309 = arith.constant 0 : i32
      %dma_start3A_310 = tpu.memref_slice %arg8[%add3A_281, %dma_start3A_309] : memref<80x256xi32, #tpu.memory_space<vmem>> -> memref<1x256xi32, #tpu.memory_space<vmem>>
      %dma_start3A_311 = tpu.memref_squeeze %dma_start3A_310 : memref<1x256xi32, #tpu.memory_space<vmem>> -> memref<256xi32, #tpu.memory_space<vmem>>
      %dma_start3A_312 = arith.constant 0 : i32
      %dma_start3A_313 = tpu.memref_slice %arg19[%dma_start3A_312] : memref<10240xf32, #tpu.memory_space<vmem_shared>> -> memref<10240xf32, #tpu.memory_space<vmem_shared>>
      tpu.enqueue_indirect_dma source(%arg17 : memref<256xf32, #tpu.memory_space<vmem>>) target(%dma_start3A_313 : memref<10240xf32, #tpu.memory_space<vmem_shared>>) offsets(%dma_start3A_311 : memref<256xi32, #tpu.memory_space<vmem>>) semaphore(%arg21 : memref<!tpu.dma_semaphore, #tpu.memory_space<semaphore_mem>>) {add = true}
      %dma_wait3A_314 = arith.constant 1 : i32
      %dma_wait3A_315 = arith.constant 0 : i32
      %dma_wait3A_316 = arith.constant 0 : i32
      %dma_wait3A_317 = arith.constant 0 : i32
      %dma_wait3A_318 = tpu.memref_slice %arg9[%dma_wait3A_314, %dma_wait3A_316, %dma_wait3A_317] : memref<2x256x64xbf16, #tpu.memory_space<vmem>> -> memref<1x256x64xbf16, #tpu.memory_space<vmem>>
      %dma_wait3A_319 = tpu.memref_squeeze %dma_wait3A_318 : memref<1x256x64xbf16, #tpu.memory_space<vmem>> -> memref<256x64xbf16, #tpu.memory_space<vmem>>
      %dma_wait3A_320 = arith.constant 0 : i32
      %dma_wait3A_321 = tpu.memref_slice %arg8[%dma_wait3A_315, %dma_wait3A_320] : memref<80x256xi32, #tpu.memory_space<vmem>> -> memref<1x256xi32, #tpu.memory_space<vmem>>
      %dma_wait3A_322 = tpu.memref_squeeze %dma_wait3A_321 : memref<1x256xi32, #tpu.memory_space<vmem>> -> memref<256xi32, #tpu.memory_space<vmem>>
      %dma_wait3A_323 = arith.constant 0 : i32
      %dma_wait3A_324 = arith.constant 0 : i32
      %dma_wait3A_325 = tpu.memref_slice %arg11[%dma_wait3A_323, %dma_wait3A_324] : memref<10240x64xbf16, #tpu.memory_space<vmem_shared>> -> memref<10240x64xbf16, #tpu.memory_space<vmem_shared>>
      tpu.wait_indirect_dma semaphore(%arg15 : memref<!tpu.dma_semaphore, #tpu.memory_space<semaphore_mem>>) src(%dma_wait3A_319 : memref<256x64xbf16, #tpu.memory_space<vmem>>) dst(%dma_wait3A_325 : memref<10240x64xbf16, #tpu.memory_space<vmem_shared>>)
      %add3A_326 = arith.constant 2 : i32
      %add3A_327 = arith.addi %add3A_281, %add3A_326 : i32
      %dma_start3A_328 = arith.constant 1 : i32
      %dma_start3A_329 = arith.constant 0 : i32
      %dma_start3A_330 = arith.constant 0 : i32
      %dma_start3A_331 = tpu.memref_slice %arg9[%dma_start3A_328, %dma_start3A_329, %dma_start3A_330] : memref<2x256x64xbf16, #tpu.memory_space<vmem>> -> memref<1x256x64xbf16, #tpu.memory_space<vmem>>
      %dma_start3A_332 = tpu.memref_squeeze %dma_start3A_331 : memref<1x256x64xbf16, #tpu.memory_space<vmem>> -> memref<256x64xbf16, #tpu.memory_space<vmem>>
      %dma_start3A_333 = arith.constant 0 : i32
      %dma_start3A_334 = tpu.memref_slice %arg7[%add3A_327, %dma_start3A_333] : memref<80x256xi32, #tpu.memory_space<vmem>> -> memref<1x256xi32, #tpu.memory_space<vmem>>
      %dma_start3A_335 = tpu.memref_squeeze %dma_start3A_334 : memref<1x256xi32, #tpu.memory_space<vmem>> -> memref<256xi32, #tpu.memory_space<vmem>>
      %dma_start3A_336 = arith.constant 0 : i32
      %dma_start3A_337 = arith.constant 0 : i32
      %dma_start3A_338 = tpu.memref_slice %arg2[%dma_start3A_336, %dma_start3A_337] : memref<20000x64xbf16, #tpu.memory_space<hbm>> -> memref<20000x64xbf16, #tpu.memory_space<hbm>>
      tpu.enqueue_indirect_dma source(%dma_start3A_338 : memref<20000x64xbf16, #tpu.memory_space<hbm>>) target(%dma_start3A_332 : memref<256x64xbf16, #tpu.memory_space<vmem>>) offsets(%dma_start3A_335 : memref<256xi32, #tpu.memory_space<vmem>>) semaphore(%arg13 : memref<!tpu.dma_semaphore, #tpu.memory_space<semaphore_mem>>)
    }
    %scan3A_109 = arith.constant 39 : i32
    %dma_wait3A = arith.constant 78 : i32
    %dma_wait3A_110 = arith.constant 0 : i32
    %dma_wait3A_111 = arith.constant 0 : i32
    %dma_wait3A_112 = arith.constant 0 : i32
    %dma_wait3A_113 = tpu.memref_slice %arg9[%dma_wait3A_110, %dma_wait3A_111, %dma_wait3A_112] : memref<2x256x64xbf16, #tpu.memory_space<vmem>> -> memref<1x256x64xbf16, #tpu.memory_space<vmem>>
    %dma_wait3A_114 = tpu.memref_squeeze %dma_wait3A_113 : memref<1x256x64xbf16, #tpu.memory_space<vmem>> -> memref<256x64xbf16, #tpu.memory_space<vmem>>
    %dma_wait3A_115 = arith.constant 0 : i32
    %dma_wait3A_116 = tpu.memref_slice %arg7[%dma_wait3A, %dma_wait3A_115] : memref<80x256xi32, #tpu.memory_space<vmem>> -> memref<1x256xi32, #tpu.memory_space<vmem>>
    %dma_wait3A_117 = tpu.memref_squeeze %dma_wait3A_116 : memref<1x256xi32, #tpu.memory_space<vmem>> -> memref<256xi32, #tpu.memory_space<vmem>>
    %dma_wait3A_118 = arith.constant 0 : i32
    %dma_wait3A_119 = arith.constant 0 : i32
    %dma_wait3A_120 = tpu.memref_slice %arg2[%dma_wait3A_118, %dma_wait3A_119] : memref<20000x64xbf16, #tpu.memory_space<hbm>> -> memref<20000x64xbf16, #tpu.memory_space<hbm>>
    tpu.wait_indirect_dma semaphore(%arg12 : memref<!tpu.dma_semaphore, #tpu.memory_space<semaphore_mem>>) src(%dma_wait3A_120 : memref<20000x64xbf16, #tpu.memory_space<hbm>>) dst(%dma_wait3A_114 : memref<256x64xbf16, #tpu.memory_space<vmem>>)
    %dma_start3A_121 = arith.constant 0 : i32
    %dma_start3A_122 = arith.constant 78 : i32
    %dma_start3A_123 = arith.constant 0 : i32
    %dma_start3A_124 = arith.constant 0 : i32
    %dma_start3A_125 = tpu.memref_slice %arg9[%dma_start3A_121, %dma_start3A_123, %dma_start3A_124] : memref<2x256x64xbf16, #tpu.memory_space<vmem>> -> memref<1x256x64xbf16, #tpu.memory_space<vmem>>
    %dma_start3A_126 = tpu.memref_squeeze %dma_start3A_125 : memref<1x256x64xbf16, #tpu.memory_space<vmem>> -> memref<256x64xbf16, #tpu.memory_space<vmem>>
    %dma_start3A_127 = arith.constant 0 : i32
    %dma_start3A_128 = tpu.memref_slice %arg8[%dma_start3A_122, %dma_start3A_127] : memref<80x256xi32, #tpu.memory_space<vmem>> -> memref<1x256xi32, #tpu.memory_space<vmem>>
    %dma_start3A_129 = tpu.memref_squeeze %dma_start3A_128 : memref<1x256xi32, #tpu.memory_space<vmem>> -> memref<256xi32, #tpu.memory_space<vmem>>
    %dma_start3A_130 = arith.constant 0 : i32
    %dma_start3A_131 = arith.constant 0 : i32
    %dma_start3A_132 = tpu.memref_slice %arg11[%dma_start3A_130, %dma_start3A_131] : memref<10240x64xbf16, #tpu.memory_space<vmem_shared>> -> memref<10240x64xbf16, #tpu.memory_space<vmem_shared>>
    tpu.enqueue_indirect_dma source(%dma_start3A_126 : memref<256x64xbf16, #tpu.memory_space<vmem>>) target(%dma_start3A_132 : memref<10240x64xbf16, #tpu.memory_space<vmem_shared>>) offsets(%dma_start3A_129 : memref<256xi32, #tpu.memory_space<vmem>>) semaphore(%arg14 : memref<!tpu.dma_semaphore, #tpu.memory_space<semaphore_mem>>) {add = true}
    %dma_wait3A_133 = arith.constant 0 : i32
    %dma_wait3A_134 = arith.constant 0 : i32
    %dma_wait3A_135 = tpu.memref_slice %arg8[%dma_wait3A_133, %dma_wait3A_134] : memref<80x256xi32, #tpu.memory_space<vmem>> -> memref<1x256xi32, #tpu.memory_space<vmem>>
    %dma_wait3A_136 = tpu.memref_squeeze %dma_wait3A_135 : memref<1x256xi32, #tpu.memory_space<vmem>> -> memref<256xi32, #tpu.memory_space<vmem>>
    %dma_wait3A_137 = arith.constant 0 : i32
    %dma_wait3A_138 = tpu.memref_slice %arg19[%dma_wait3A_137] : memref<10240xf32, #tpu.memory_space<vmem_shared>> -> memref<10240xf32, #tpu.memory_space<vmem_shared>>
    tpu.wait_indirect_dma semaphore(%arg20 : memref<!tpu.dma_semaphore, #tpu.memory_space<semaphore_mem>>) src(%arg17 : memref<256xf32, #tpu.memory_space<vmem>>) dst(%dma_wait3A_138 : memref<10240xf32, #tpu.memory_space<vmem_shared>>)
    %dma_start3A_139 = arith.constant 78 : i32
    %dma_start3A_140 = arith.constant 0 : i32
    %dma_start3A_141 = tpu.memref_slice %arg8[%dma_start3A_139, %dma_start3A_140] : memref<80x256xi32, #tpu.memory_space<vmem>> -> memref<1x256xi32, #tpu.memory_space<vmem>>
    %dma_start3A_142 = tpu.memref_squeeze %dma_start3A_141 : memref<1x256xi32, #tpu.memory_space<vmem>> -> memref<256xi32, #tpu.memory_space<vmem>>
    %dma_start3A_143 = arith.constant 0 : i32
    %dma_start3A_144 = tpu.memref_slice %arg19[%dma_start3A_143] : memref<10240xf32, #tpu.memory_space<vmem_shared>> -> memref<10240xf32, #tpu.memory_space<vmem_shared>>
    tpu.enqueue_indirect_dma source(%arg17 : memref<256xf32, #tpu.memory_space<vmem>>) target(%dma_start3A_144 : memref<10240xf32, #tpu.memory_space<vmem_shared>>) offsets(%dma_start3A_142 : memref<256xi32, #tpu.memory_space<vmem>>) semaphore(%arg20 : memref<!tpu.dma_semaphore, #tpu.memory_space<semaphore_mem>>) {add = true}
    %dma_wait3A_145 = arith.constant 79 : i32
    %dma_wait3A_146 = arith.constant 1 : i32
    %dma_wait3A_147 = arith.constant 0 : i32
    %dma_wait3A_148 = arith.constant 0 : i32
    %dma_wait3A_149 = tpu.memref_slice %arg9[%dma_wait3A_146, %dma_wait3A_147, %dma_wait3A_148] : memref<2x256x64xbf16, #tpu.memory_space<vmem>> -> memref<1x256x64xbf16, #tpu.memory_space<vmem>>
    %dma_wait3A_150 = tpu.memref_squeeze %dma_wait3A_149 : memref<1x256x64xbf16, #tpu.memory_space<vmem>> -> memref<256x64xbf16, #tpu.memory_space<vmem>>
    %dma_wait3A_151 = arith.constant 0 : i32
    %dma_wait3A_152 = tpu.memref_slice %arg7[%dma_wait3A_145, %dma_wait3A_151] : memref<80x256xi32, #tpu.memory_space<vmem>> -> memref<1x256xi32, #tpu.memory_space<vmem>>
    %dma_wait3A_153 = tpu.memref_squeeze %dma_wait3A_152 : memref<1x256xi32, #tpu.memory_space<vmem>> -> memref<256xi32, #tpu.memory_space<vmem>>
    %dma_wait3A_154 = arith.constant 0 : i32
    %dma_wait3A_155 = arith.constant 0 : i32
    %dma_wait3A_156 = tpu.memref_slice %arg2[%dma_wait3A_154, %dma_wait3A_155] : memref<20000x64xbf16, #tpu.memory_space<hbm>> -> memref<20000x64xbf16, #tpu.memory_space<hbm>>
    tpu.wait_indirect_dma semaphore(%arg13 : memref<!tpu.dma_semaphore, #tpu.memory_space<semaphore_mem>>) src(%dma_wait3A_156 : memref<20000x64xbf16, #tpu.memory_space<hbm>>) dst(%dma_wait3A_150 : memref<256x64xbf16, #tpu.memory_space<vmem>>)
    %dma_start3A_157 = arith.constant 1 : i32
    %dma_start3A_158 = arith.constant 79 : i32
    %dma_start3A_159 = arith.constant 0 : i32
    %dma_start3A_160 = arith.constant 0 : i32
    %dma_start3A_161 = tpu.memref_slice %arg9[%dma_start3A_157, %dma_start3A_159, %dma_start3A_160] : memref<2x256x64xbf16, #tpu.memory_space<vmem>> -> memref<1x256x64xbf16, #tpu.memory_space<vmem>>
    %dma_start3A_162 = tpu.memref_squeeze %dma_start3A_161 : memref<1x256x64xbf16, #tpu.memory_space<vmem>> -> memref<256x64xbf16, #tpu.memory_space<vmem>>
    %dma_start3A_163 = arith.constant 0 : i32
    %dma_start3A_164 = tpu.memref_slice %arg8[%dma_start3A_158, %dma_start3A_163] : memref<80x256xi32, #tpu.memory_space<vmem>> -> memref<1x256xi32, #tpu.memory_space<vmem>>
    %dma_start3A_165 = tpu.memref_squeeze %dma_start3A_164 : memref<1x256xi32, #tpu.memory_space<vmem>> -> memref<256xi32, #tpu.memory_space<vmem>>
    %dma_start3A_166 = arith.constant 0 : i32
    %dma_start3A_167 = arith.constant 0 : i32
    %dma_start3A_168 = tpu.memref_slice %arg11[%dma_start3A_166, %dma_start3A_167] : memref<10240x64xbf16, #tpu.memory_space<vmem_shared>> -> memref<10240x64xbf16, #tpu.memory_space<vmem_shared>>
    tpu.enqueue_indirect_dma source(%dma_start3A_162 : memref<256x64xbf16, #tpu.memory_space<vmem>>) target(%dma_start3A_168 : memref<10240x64xbf16, #tpu.memory_space<vmem_shared>>) offsets(%dma_start3A_165 : memref<256xi32, #tpu.memory_space<vmem>>) semaphore(%arg15 : memref<!tpu.dma_semaphore, #tpu.memory_space<semaphore_mem>>) {add = true}
    %dma_wait3A_169 = arith.constant 0 : i32
    %dma_wait3A_170 = arith.constant 0 : i32
    %dma_wait3A_171 = tpu.memref_slice %arg8[%dma_wait3A_169, %dma_wait3A_170] : memref<80x256xi32, #tpu.memory_space<vmem>> -> memref<1x256xi32, #tpu.memory_space<vmem>>
    %dma_wait3A_172 = tpu.memref_squeeze %dma_wait3A_171 : memref<1x256xi32, #tpu.memory_space<vmem>> -> memref<256xi32, #tpu.memory_space<vmem>>
    %dma_wait3A_173 = arith.constant 0 : i32
    %dma_wait3A_174 = tpu.memref_slice %arg19[%dma_wait3A_173] : memref<10240xf32, #tpu.memory_space<vmem_shared>> -> memref<10240xf32, #tpu.memory_space<vmem_shared>>
    tpu.wait_indirect_dma semaphore(%arg21 : memref<!tpu.dma_semaphore, #tpu.memory_space<semaphore_mem>>) src(%arg17 : memref<256xf32, #tpu.memory_space<vmem>>) dst(%dma_wait3A_174 : memref<10240xf32, #tpu.memory_space<vmem_shared>>)
    %dma_start3A_175 = arith.constant 79 : i32
    %dma_start3A_176 = arith.constant 0 : i32
    %dma_start3A_177 = tpu.memref_slice %arg8[%dma_start3A_175, %dma_start3A_176] : memref<80x256xi32, #tpu.memory_space<vmem>> -> memref<1x256xi32, #tpu.memory_space<vmem>>
    %dma_start3A_178 = tpu.memref_squeeze %dma_start3A_177 : memref<1x256xi32, #tpu.memory_space<vmem>> -> memref<256xi32, #tpu.memory_space<vmem>>
    %dma_start3A_179 = arith.constant 0 : i32
    %dma_start3A_180 = tpu.memref_slice %arg19[%dma_start3A_179] : memref<10240xf32, #tpu.memory_space<vmem_shared>> -> memref<10240xf32, #tpu.memory_space<vmem_shared>>
    tpu.enqueue_indirect_dma source(%arg17 : memref<256xf32, #tpu.memory_space<vmem>>) target(%dma_start3A_180 : memref<10240xf32, #tpu.memory_space<vmem_shared>>) offsets(%dma_start3A_178 : memref<256xi32, #tpu.memory_space<vmem>>) semaphore(%arg21 : memref<!tpu.dma_semaphore, #tpu.memory_space<semaphore_mem>>) {add = true}
    %dma_wait3A_181 = arith.constant 0 : i32
    %dma_wait3A_182 = arith.constant 0 : i32
    %dma_wait3A_183 = arith.constant 0 : i32
    %dma_wait3A_184 = arith.constant 0 : i32
    %dma_wait3A_185 = tpu.memref_slice %arg9[%dma_wait3A_181, %dma_wait3A_183, %dma_wait3A_184] : memref<2x256x64xbf16, #tpu.memory_space<vmem>> -> memref<1x256x64xbf16, #tpu.memory_space<vmem>>
    %dma_wait3A_186 = tpu.memref_squeeze %dma_wait3A_185 : memref<1x256x64xbf16, #tpu.memory_space<vmem>> -> memref<256x64xbf16, #tpu.memory_space<vmem>>
    %dma_wait3A_187 = arith.constant 0 : i32
    %dma_wait3A_188 = tpu.memref_slice %arg8[%dma_wait3A_182, %dma_wait3A_187] : memref<80x256xi32, #tpu.memory_space<vmem>> -> memref<1x256xi32, #tpu.memory_space<vmem>>
    %dma_wait3A_189 = tpu.memref_squeeze %dma_wait3A_188 : memref<1x256xi32, #tpu.memory_space<vmem>> -> memref<256xi32, #tpu.memory_space<vmem>>
    %dma_wait3A_190 = arith.constant 0 : i32
    %dma_wait3A_191 = arith.constant 0 : i32
    %dma_wait3A_192 = tpu.memref_slice %arg11[%dma_wait3A_190, %dma_wait3A_191] : memref<10240x64xbf16, #tpu.memory_space<vmem_shared>> -> memref<10240x64xbf16, #tpu.memory_space<vmem_shared>>
    tpu.wait_indirect_dma semaphore(%arg14 : memref<!tpu.dma_semaphore, #tpu.memory_space<semaphore_mem>>) src(%dma_wait3A_186 : memref<256x64xbf16, #tpu.memory_space<vmem>>) dst(%dma_wait3A_192 : memref<10240x64xbf16, #tpu.memory_space<vmem_shared>>)
    %dma_wait3A_193 = arith.constant 1 : i32
    %dma_wait3A_194 = arith.constant 0 : i32
    %dma_wait3A_195 = arith.constant 0 : i32
    %dma_wait3A_196 = arith.constant 0 : i32
    %dma_wait3A_197 = tpu.memref_slice %arg9[%dma_wait3A_193, %dma_wait3A_195, %dma_wait3A_196] : memref<2x256x64xbf16, #tpu.memory_space<vmem>> -> memref<1x256x64xbf16, #tpu.memory_space<vmem>>
    %dma_wait3A_198 = tpu.memref_squeeze %dma_wait3A_197 : memref<1x256x64xbf16, #tpu.memory_space<vmem>> -> memref<256x64xbf16, #tpu.memory_space<vmem>>
    %dma_wait3A_199 = arith.constant 0 : i32
    %dma_wait3A_200 = tpu.memref_slice %arg8[%dma_wait3A_194, %dma_wait3A_199] : memref<80x256xi32, #tpu.memory_space<vmem>> -> memref<1x256xi32, #tpu.memory_space<vmem>>
    %dma_wait3A_201 = tpu.memref_squeeze %dma_wait3A_200 : memref<1x256xi32, #tpu.memory_space<vmem>> -> memref<256xi32, #tpu.memory_space<vmem>>
    %dma_wait3A_202 = arith.constant 0 : i32
    %dma_wait3A_203 = arith.constant 0 : i32
    %dma_wait3A_204 = tpu.memref_slice %arg11[%dma_wait3A_202, %dma_wait3A_203] : memref<10240x64xbf16, #tpu.memory_space<vmem_shared>> -> memref<10240x64xbf16, #tpu.memory_space<vmem_shared>>
    tpu.wait_indirect_dma semaphore(%arg15 : memref<!tpu.dma_semaphore, #tpu.memory_space<semaphore_mem>>) src(%dma_wait3A_198 : memref<256x64xbf16, #tpu.memory_space<vmem>>) dst(%dma_wait3A_204 : memref<10240x64xbf16, #tpu.memory_space<vmem_shared>>)
    %dma_wait3A_205 = arith.constant 0 : i32
    %dma_wait3A_206 = arith.constant 0 : i32
    %dma_wait3A_207 = tpu.memref_slice %arg8[%dma_wait3A_205, %dma_wait3A_206] : memref<80x256xi32, #tpu.memory_space<vmem>> -> memref<1x256xi32, #tpu.memory_space<vmem>>
    %dma_wait3A_208 = tpu.memref_squeeze %dma_wait3A_207 : memref<1x256xi32, #tpu.memory_space<vmem>> -> memref<256xi32, #tpu.memory_space<vmem>>
    %dma_wait3A_209 = arith.constant 0 : i32
    %dma_wait3A_210 = tpu.memref_slice %arg19[%dma_wait3A_209] : memref<10240xf32, #tpu.memory_space<vmem_shared>> -> memref<10240xf32, #tpu.memory_space<vmem_shared>>
    tpu.wait_indirect_dma semaphore(%arg20 : memref<!tpu.dma_semaphore, #tpu.memory_space<semaphore_mem>>) src(%arg17 : memref<256xf32, #tpu.memory_space<vmem>>) dst(%dma_wait3A_210 : memref<10240xf32, #tpu.memory_space<vmem_shared>>)
    %dma_wait3A_211 = arith.constant 0 : i32
    %dma_wait3A_212 = arith.constant 0 : i32
    %dma_wait3A_213 = tpu.memref_slice %arg8[%dma_wait3A_211, %dma_wait3A_212] : memref<80x256xi32, #tpu.memory_space<vmem>> -> memref<1x256xi32, #tpu.memory_space<vmem>>
    %dma_wait3A_214 = tpu.memref_squeeze %dma_wait3A_213 : memref<1x256xi32, #tpu.memory_space<vmem>> -> memref<256xi32, #tpu.memory_space<vmem>>
    %dma_wait3A_215 = arith.constant 0 : i32
    %dma_wait3A_216 = tpu.memref_slice %arg19[%dma_wait3A_215] : memref<10240xf32, #tpu.memory_space<vmem_shared>> -> memref<10240xf32, #tpu.memory_space<vmem_shared>>
    tpu.wait_indirect_dma semaphore(%arg21 : memref<!tpu.dma_semaphore, #tpu.memory_space<semaphore_mem>>) src(%arg17 : memref<256xf32, #tpu.memory_space<vmem>>) dst(%dma_wait3A_216 : memref<10240xf32, #tpu.memory_space<vmem_shared>>)
    %barrier3A_217 = arith.constant 0 : index
    tpu.barrier barrier_id(%barrier3A_217)
    "tpu.region"() ({
      %run_scoped3A = tpu.sem_alloc : memref<!tpu.dma_semaphore, #tpu.memory_space<semaphore_mem>>
      %dma_start3A_218 = arith.constant 0 : i32
      %dma_start3A_219 = tpu.memref_slice %arg5[%arg0, %mul3A_0, %dma_start3A_218] : memref<2x10240x64xbf16, #tpu.memory_space<hbm>> -> memref<1x640x64xbf16, #tpu.memory_space<hbm>>
      %dma_start3A_220 = tpu.memref_squeeze %dma_start3A_219 : memref<1x640x64xbf16, #tpu.memory_space<hbm>> -> memref<640x64xbf16, #tpu.memory_space<hbm>>
      %dma_start3A_221 = arith.constant 0 : i32
      %dma_start3A_222 = tpu.memref_slice %arg11[%mul3A_0, %dma_start3A_221] : memref<10240x64xbf16, #tpu.memory_space<vmem_shared>> -> memref<640x64xbf16, #tpu.memory_space<vmem_shared>>
      tpu.enqueue_dma source(%dma_start3A_222 : memref<640x64xbf16, #tpu.memory_space<vmem_shared>>) target(%dma_start3A_220 : memref<640x64xbf16, #tpu.memory_space<hbm>>) target_semaphore(%run_scoped3A : memref<!tpu.dma_semaphore, #tpu.memory_space<semaphore_mem>>)
      %dma_wait3A_223 = arith.constant 0 : i32
      %dma_wait3A_224 = tpu.memref_slice %arg5[%arg0, %mul3A_0, %dma_wait3A_223] : memref<2x10240x64xbf16, #tpu.memory_space<hbm>> -> memref<1x640x64xbf16, #tpu.memory_space<hbm>>
      %dma_wait3A_225 = tpu.memref_squeeze %dma_wait3A_224 : memref<1x640x64xbf16, #tpu.memory_space<hbm>> -> memref<640x64xbf16, #tpu.memory_space<hbm>>
      %dma_wait3A_226 = arith.constant 0 : i32
      %dma_wait3A_227 = tpu.memref_slice %arg11[%mul3A_0, %dma_wait3A_226] : memref<10240x64xbf16, #tpu.memory_space<vmem_shared>> -> memref<640x64xbf16, #tpu.memory_space<vmem_shared>>
      tpu.wait_dma2 semaphore(%run_scoped3A : memref<!tpu.dma_semaphore, #tpu.memory_space<semaphore_mem>>) src(%dma_wait3A_227 : memref<640x64xbf16, #tpu.memory_space<vmem_shared>>) dst(%dma_wait3A_225 : memref<640x64xbf16, #tpu.memory_space<hbm>>)
      tpu.yield
    }) : () -> ()
    "tpu.region"() ({
      %run_scoped3A = tpu.sem_alloc : memref<!tpu.dma_semaphore, #tpu.memory_space<semaphore_mem>>
      %dma_start3A_218 = tpu.memref_slice %arg6[%arg0, %mul3A_0] : memref<2x10240xf32, #tpu.memory_space<hbm>> -> memref<1x640xf32, #tpu.memory_space<hbm>>
      %dma_start3A_219 = tpu.memref_squeeze %dma_start3A_218 : memref<1x640xf32, #tpu.memory_space<hbm>> -> memref<640xf32, #tpu.memory_space<hbm>>
      %dma_start3A_220 = tpu.memref_slice %arg19[%mul3A_0] : memref<10240xf32, #tpu.memory_space<vmem_shared>> -> memref<640xf32, #tpu.memory_space<vmem_shared>>
      tpu.enqueue_dma source(%dma_start3A_220 : memref<640xf32, #tpu.memory_space<vmem_shared>>) target(%dma_start3A_219 : memref<640xf32, #tpu.memory_space<hbm>>) target_semaphore(%run_scoped3A : memref<!tpu.dma_semaphore, #tpu.memory_space<semaphore_mem>>)
      %dma_wait3A_221 = tpu.memref_slice %arg6[%arg0, %mul3A_0] : memref<2x10240xf32, #tpu.memory_space<hbm>> -> memref<1x640xf32, #tpu.memory_space<hbm>>
      %dma_wait3A_222 = tpu.memref_squeeze %dma_wait3A_221 : memref<1x640xf32, #tpu.memory_space<hbm>> -> memref<640xf32, #tpu.memory_space<hbm>>
      %dma_wait3A_223 = tpu.memref_slice %arg19[%mul3A_0] : memref<10240xf32, #tpu.memory_space<vmem_shared>> -> memref<640xf32, #tpu.memory_space<vmem_shared>>
      tpu.wait_dma2 semaphore(%run_scoped3A : memref<!tpu.dma_semaphore, #tpu.memory_space<semaphore_mem>>) src(%dma_wait3A_223 : memref<640xf32, #tpu.memory_space<vmem_shared>>) dst(%dma_wait3A_222 : memref<640xf32, #tpu.memory_space<hbm>>)
      tpu.yield
    }) : () -> ()
    return
  }
}

#map = affine_map<(d0, d1) -> (0, 0)>
#map1 = affine_map<(d0, d1) -> (0, 0, 0)>
module attributes {stable_mosaic.version = 14 : i64} {
  func.func @body(%arg0: i32, %arg1: i32, %arg2: memref<20000x32xbf16, #tpu.memory_space<hbm>>, %arg3: memref<2x1280x256xi32, #tpu.memory_space<hbm>>, %arg4: memref<1280x256xi32, #tpu.memory_space<hbm>>, %arg5: memref<2x10240x32xbf16, #tpu.memory_space<hbm>>, %arg6: memref<80x256xi32, #tpu.memory_space<vmem>>, %arg7: memref<80x256xi32, #tpu.memory_space<vmem>>, %arg8: memref<2x256x32xbf16, #tpu.memory_space<vmem>>, %arg9: memref<640x32xbf16, #tpu.memory_space<vmem>>, %arg10: memref<10240x32xbf16, #tpu.memory_space<vmem_shared>>, %arg11: memref<!tpu.dma_semaphore, #tpu.memory_space<semaphore_mem>>, %arg12: memref<!tpu.dma_semaphore, #tpu.memory_space<semaphore_mem>>, %arg13: memref<!tpu.dma_semaphore, #tpu.memory_space<semaphore_mem>>, %arg14: memref<!tpu.dma_semaphore, #tpu.memory_space<semaphore_mem>>, %arg15: memref<!tpu.dma_semaphore, #tpu.memory_space<semaphore_mem>>) attributes {dimension_semantics = [#tpu.dimension_semantics<core_parallel>, #tpu.dimension_semantics<subcore_parallel>], iteration_bounds = array<i64: 2, 16>, scalar_prefetch = 0 : i64, scratch_operands = 10 : i64, tpu.core_type = #tpu.core_type<sc_vector_subcore>, window_params = [{transform_indices = #map}, {transform_indices = #map1}, {transform_indices = #map}, {transform_indices = #map1}]} {
    %mul3A = arith.constant 640 : i32
    %mul3A_0 = arith.muli %arg1, %mul3A : i32
    %broadcast_in_dim3A = arith.constant 0.000000e+00 : f32
    %broadcast_in_dim3A_1 = vector.broadcast %broadcast_in_dim3A : f32 to vector<16xf32>
    %broadcast_in_dim3A_2 = arith.constant 0.000000e+00 : bf16
    %broadcast_in_dim3A_3 = vector.broadcast %broadcast_in_dim3A_2 : bf16 to vector<32xbf16>
    %scan3A = arith.constant 0 : i32
    %scan3A_4 = arith.constant 640 : i32
    %scan3A_5 = arith.addi %scan3A, %scan3A_4 : i32
    %scan3A_6 = arith.constant 1 : i32
    scf.for %scan3A_112 = %scan3A to %scan3A_5 step %scan3A_6  : i32 {
      %mul3A_113 = arith.constant 1 : i32
      %mul3A_114 = arith.muli %scan3A_112, %mul3A_113 : i32
      %add3A = arith.constant 0 : i32
      %add3A_115 = arith.addi %add3A, %mul3A_114 : i32
      %swap3A = arith.index_cast %add3A_115 : i32 to index
      %swap3A_116 = arith.constant 0 : index
      %swap3A_117 = tpu.vector_load %arg9[%swap3A, %swap3A_116] {strides = array<i32>} : memref<640x32xbf16, #tpu.memory_space<vmem>>, vector<1x32xbf16>,
      %swap3A_118 = vector.shape_cast %swap3A_117 : vector<1x32xbf16> to vector<32xbf16>
      %swap3A_119 = vector.shape_cast %broadcast_in_dim3A_3 : vector<32xbf16> to vector<1x32xbf16>
      tpu.vector_store %arg9[%swap3A, %swap3A_116], %swap3A_119 {strides = array<i32>} : memref<640x32xbf16, #tpu.memory_space<vmem>>, vector<1x32xbf16>,
    }
    %scan3A_7 = arith.constant 640 : i32
    %mul3A_8 = arith.constant 80 : i32
    %mul3A_9 = arith.muli %arg1, %mul3A_8 : i32
    "tpu.region"() ({
      %run_scoped3A = tpu.sem_alloc : memref<!tpu.dma_semaphore, #tpu.memory_space<semaphore_mem>>
      %dma_start3A_112 = arith.constant 0 : i32
      %dma_start3A_113 = tpu.memref_slice %arg3[%arg0, %mul3A_9, %dma_start3A_112] : memref<2x1280x256xi32, #tpu.memory_space<hbm>> -> memref<1x80x256xi32, #tpu.memory_space<hbm>>
      %dma_start3A_114 = tpu.memref_squeeze %dma_start3A_113 : memref<1x80x256xi32, #tpu.memory_space<hbm>> -> memref<80x256xi32, #tpu.memory_space<hbm>>
      %dma_start3A_115 = arith.constant 0 : i32
      %dma_start3A_116 = tpu.memref_slice %arg3[%arg0, %mul3A_9, %dma_start3A_115] : memref<2x1280x256xi32, #tpu.memory_space<hbm>> -> memref<1x80x256xi32, #tpu.memory_space<hbm>>
      %dma_start3A_117 = tpu.memref_squeeze %dma_start3A_116 : memref<1x80x256xi32, #tpu.memory_space<hbm>> -> memref<80x256xi32, #tpu.memory_space<hbm>>
      tpu.enqueue_dma source(%dma_start3A_117 : memref<80x256xi32, #tpu.memory_space<hbm>>) target(%arg6 : memref<80x256xi32, #tpu.memory_space<vmem>>) target_semaphore(%run_scoped3A : memref<!tpu.dma_semaphore, #tpu.memory_space<semaphore_mem>>)
      %dma_wait3A_118 = arith.constant 0 : i32
      %dma_wait3A_119 = tpu.memref_slice %arg3[%arg0, %mul3A_9, %dma_wait3A_118] : memref<2x1280x256xi32, #tpu.memory_space<hbm>> -> memref<1x80x256xi32, #tpu.memory_space<hbm>>
      %dma_wait3A_120 = tpu.memref_squeeze %dma_wait3A_119 : memref<1x80x256xi32, #tpu.memory_space<hbm>> -> memref<80x256xi32, #tpu.memory_space<hbm>>
      %dma_wait3A_121 = arith.constant 0 : i32
      %dma_wait3A_122 = tpu.memref_slice %arg3[%arg0, %mul3A_9, %dma_wait3A_121] : memref<2x1280x256xi32, #tpu.memory_space<hbm>> -> memref<1x80x256xi32, #tpu.memory_space<hbm>>
      %dma_wait3A_123 = tpu.memref_squeeze %dma_wait3A_122 : memref<1x80x256xi32, #tpu.memory_space<hbm>> -> memref<80x256xi32, #tpu.memory_space<hbm>>
      tpu.wait_dma2 semaphore(%run_scoped3A : memref<!tpu.dma_semaphore, #tpu.memory_space<semaphore_mem>>) src(%dma_wait3A_123 : memref<80x256xi32, #tpu.memory_space<hbm>>) dst(%arg6 : memref<80x256xi32, #tpu.memory_space<vmem>>)
      tpu.yield
    }) : () -> ()
    %mul3A_10 = arith.constant 80 : i32
    %mul3A_11 = arith.muli %arg1, %mul3A_10 : i32
    "tpu.region"() ({
      %run_scoped3A = tpu.sem_alloc : memref<!tpu.dma_semaphore, #tpu.memory_space<semaphore_mem>>
      %dma_start3A_112 = arith.constant 0 : i32
      %dma_start3A_113 = tpu.memref_slice %arg4[%mul3A_11, %dma_start3A_112] : memref<1280x256xi32, #tpu.memory_space<hbm>> -> memref<80x256xi32, #tpu.memory_space<hbm>>
      %dma_start3A_114 = arith.constant 0 : i32
      %dma_start3A_115 = tpu.memref_slice %arg4[%mul3A_11, %dma_start3A_114] : memref<1280x256xi32, #tpu.memory_space<hbm>> -> memref<80x256xi32, #tpu.memory_space<hbm>>
      tpu.enqueue_dma source(%dma_start3A_115 : memref<80x256xi32, #tpu.memory_space<hbm>>) target(%arg7 : memref<80x256xi32, #tpu.memory_space<vmem>>) target_semaphore(%run_scoped3A : memref<!tpu.dma_semaphore, #tpu.memory_space<semaphore_mem>>)
      %dma_wait3A_116 = arith.constant 0 : i32
      %dma_wait3A_117 = tpu.memref_slice %arg4[%mul3A_11, %dma_wait3A_116] : memref<1280x256xi32, #tpu.memory_space<hbm>> -> memref<80x256xi32, #tpu.memory_space<hbm>>
      %dma_wait3A_118 = arith.constant 0 : i32
      %dma_wait3A_119 = tpu.memref_slice %arg4[%mul3A_11, %dma_wait3A_118] : memref<1280x256xi32, #tpu.memory_space<hbm>> -> memref<80x256xi32, #tpu.memory_space<hbm>>
      tpu.wait_dma2 semaphore(%run_scoped3A : memref<!tpu.dma_semaphore, #tpu.memory_space<semaphore_mem>>) src(%dma_wait3A_119 : memref<80x256xi32, #tpu.memory_space<hbm>>) dst(%arg7 : memref<80x256xi32, #tpu.memory_space<vmem>>)
      tpu.yield
    }) : () -> ()
    "tpu.region"() ({
      %run_scoped3A = tpu.sem_alloc : memref<!tpu.dma_semaphore, #tpu.memory_space<semaphore_mem>>
      %dma_start3A_112 = arith.constant 0 : i32
      %dma_start3A_113 = tpu.memref_slice %arg10[%mul3A_0, %dma_start3A_112] : memref<10240x32xbf16, #tpu.memory_space<vmem_shared>> -> memref<640x32xbf16, #tpu.memory_space<vmem_shared>>
      %dma_start3A_114 = arith.constant 0 : i32
      %dma_start3A_115 = tpu.memref_slice %arg10[%mul3A_0, %dma_start3A_114] : memref<10240x32xbf16, #tpu.memory_space<vmem_shared>> -> memref<640x32xbf16, #tpu.memory_space<vmem_shared>>
      tpu.enqueue_dma source(%arg9 : memref<640x32xbf16, #tpu.memory_space<vmem>>) target(%dma_start3A_115 : memref<640x32xbf16, #tpu.memory_space<vmem_shared>>) target_semaphore(%run_scoped3A : memref<!tpu.dma_semaphore, #tpu.memory_space<semaphore_mem>>)
      %dma_wait3A_116 = arith.constant 0 : i32
      %dma_wait3A_117 = tpu.memref_slice %arg10[%mul3A_0, %dma_wait3A_116] : memref<10240x32xbf16, #tpu.memory_space<vmem_shared>> -> memref<640x32xbf16, #tpu.memory_space<vmem_shared>>
      %dma_wait3A_118 = arith.constant 0 : i32
      %dma_wait3A_119 = tpu.memref_slice %arg10[%mul3A_0, %dma_wait3A_118] : memref<10240x32xbf16, #tpu.memory_space<vmem_shared>> -> memref<640x32xbf16, #tpu.memory_space<vmem_shared>>
      tpu.wait_dma2 semaphore(%run_scoped3A : memref<!tpu.dma_semaphore, #tpu.memory_space<semaphore_mem>>) src(%arg9 : memref<640x32xbf16, #tpu.memory_space<vmem>>) dst(%dma_wait3A_119 : memref<640x32xbf16, #tpu.memory_space<vmem_shared>>)
      tpu.yield
    }) : () -> ()
    %barrier3A = arith.constant 0 : index
    tpu.barrier barrier_id(%barrier3A)
    %dma_start3A = arith.constant 0 : i32
    %dma_start3A_12 = arith.constant 0 : i32
    %dma_start3A_13 = arith.constant 0 : i32
    %dma_start3A_14 = arith.constant 0 : i32
    %dma_start3A_15 = tpu.memref_slice %arg8[%dma_start3A_12, %dma_start3A_13, %dma_start3A_14] : memref<2x256x32xbf16, #tpu.memory_space<vmem>> -> memref<1x256x32xbf16, #tpu.memory_space<vmem>>
    %dma_start3A_16 = tpu.memref_squeeze %dma_start3A_15 : memref<1x256x32xbf16, #tpu.memory_space<vmem>> -> memref<256x32xbf16, #tpu.memory_space<vmem>>
    %dma_start3A_17 = arith.constant 0 : i32
    %dma_start3A_18 = tpu.memref_slice %arg6[%dma_start3A, %dma_start3A_17] : memref<80x256xi32, #tpu.memory_space<vmem>> -> memref<1x256xi32, #tpu.memory_space<vmem>>
    %dma_start3A_19 = tpu.memref_squeeze %dma_start3A_18 : memref<1x256xi32, #tpu.memory_space<vmem>> -> memref<256xi32, #tpu.memory_space<vmem>>
    %dma_start3A_20 = arith.constant 0 : i32
    %dma_start3A_21 = arith.constant 0 : i32
    %dma_start3A_22 = tpu.memref_slice %arg2[%dma_start3A_20, %dma_start3A_21] : memref<20000x32xbf16, #tpu.memory_space<hbm>> -> memref<20000x32xbf16, #tpu.memory_space<hbm>>
    tpu.enqueue_indirect_dma source(%dma_start3A_22 : memref<20000x32xbf16, #tpu.memory_space<hbm>>) target(%dma_start3A_16 : memref<256x32xbf16, #tpu.memory_space<vmem>>) offsets(%dma_start3A_19 : memref<256xi32, #tpu.memory_space<vmem>>) semaphore(%arg11 : memref<!tpu.dma_semaphore, #tpu.memory_space<semaphore_mem>>)
    %dma_start3A_23 = arith.constant 1 : i32
    %dma_start3A_24 = arith.constant 1 : i32
    %dma_start3A_25 = arith.constant 0 : i32
    %dma_start3A_26 = arith.constant 0 : i32
    %dma_start3A_27 = tpu.memref_slice %arg8[%dma_start3A_24, %dma_start3A_25, %dma_start3A_26] : memref<2x256x32xbf16, #tpu.memory_space<vmem>> -> memref<1x256x32xbf16, #tpu.memory_space<vmem>>
    %dma_start3A_28 = tpu.memref_squeeze %dma_start3A_27 : memref<1x256x32xbf16, #tpu.memory_space<vmem>> -> memref<256x32xbf16, #tpu.memory_space<vmem>>
    %dma_start3A_29 = arith.constant 0 : i32
    %dma_start3A_30 = tpu.memref_slice %arg6[%dma_start3A_23, %dma_start3A_29] : memref<80x256xi32, #tpu.memory_space<vmem>> -> memref<1x256xi32, #tpu.memory_space<vmem>>
    %dma_start3A_31 = tpu.memref_squeeze %dma_start3A_30 : memref<1x256xi32, #tpu.memory_space<vmem>> -> memref<256xi32, #tpu.memory_space<vmem>>
    %dma_start3A_32 = arith.constant 0 : i32
    %dma_start3A_33 = arith.constant 0 : i32
    %dma_start3A_34 = tpu.memref_slice %arg2[%dma_start3A_32, %dma_start3A_33] : memref<20000x32xbf16, #tpu.memory_space<hbm>> -> memref<20000x32xbf16, #tpu.memory_space<hbm>>
    tpu.enqueue_indirect_dma source(%dma_start3A_34 : memref<20000x32xbf16, #tpu.memory_space<hbm>>) target(%dma_start3A_28 : memref<256x32xbf16, #tpu.memory_space<vmem>>) offsets(%dma_start3A_31 : memref<256xi32, #tpu.memory_space<vmem>>) semaphore(%arg12 : memref<!tpu.dma_semaphore, #tpu.memory_space<semaphore_mem>>)
    %scan3A_35 = arith.constant 0 : i32
    %scan3A_36 = arith.constant 39 : i32
    %scan3A_37 = arith.addi %scan3A_35, %scan3A_36 : i32
    %scan3A_38 = arith.constant 1 : i32
    scf.for %scan3A_112 = %scan3A_35 to %scan3A_37 step %scan3A_38  : i32 {
      %mul3A_113 = arith.constant 1 : i32
      %mul3A_114 = arith.muli %scan3A_112, %mul3A_113 : i32
      %add3A = arith.constant 0 : i32
      %add3A_115 = arith.addi %add3A, %mul3A_114 : i32
      %mul3A_116 = arith.constant 2 : i32
      %mul3A_117 = arith.muli %add3A_115, %mul3A_116 : i32
      %add3A_118 = arith.constant 0 : i32
      %add3A_119 = arith.addi %mul3A_117, %add3A_118 : i32
      %dma_wait3A_120 = arith.constant 0 : i32
      %dma_wait3A_121 = arith.constant 0 : i32
      %dma_wait3A_122 = arith.constant 0 : i32
      %dma_wait3A_123 = tpu.memref_slice %arg8[%dma_wait3A_120, %dma_wait3A_121, %dma_wait3A_122] : memref<2x256x32xbf16, #tpu.memory_space<vmem>> -> memref<1x256x32xbf16, #tpu.memory_space<vmem>>
      %dma_wait3A_124 = tpu.memref_squeeze %dma_wait3A_123 : memref<1x256x32xbf16, #tpu.memory_space<vmem>> -> memref<256x32xbf16, #tpu.memory_space<vmem>>
      %dma_wait3A_125 = arith.constant 0 : i32
      %dma_wait3A_126 = tpu.memref_slice %arg6[%add3A_119, %dma_wait3A_125] : memref<80x256xi32, #tpu.memory_space<vmem>> -> memref<1x256xi32, #tpu.memory_space<vmem>>
      %dma_wait3A_127 = tpu.memref_squeeze %dma_wait3A_126 : memref<1x256xi32, #tpu.memory_space<vmem>> -> memref<256xi32, #tpu.memory_space<vmem>>
      %dma_wait3A_128 = arith.constant 0 : i32
      %dma_wait3A_129 = arith.constant 0 : i32
      %dma_wait3A_130 = tpu.memref_slice %arg2[%dma_wait3A_128, %dma_wait3A_129] : memref<20000x32xbf16, #tpu.memory_space<hbm>> -> memref<20000x32xbf16, #tpu.memory_space<hbm>>
      tpu.wait_indirect_dma semaphore(%arg11 : memref<!tpu.dma_semaphore, #tpu.memory_space<semaphore_mem>>) src(%dma_wait3A_130 : memref<20000x32xbf16, #tpu.memory_space<hbm>>) dst(%dma_wait3A_124 : memref<256x32xbf16, #tpu.memory_space<vmem>>)
      %dma_start3A_131 = arith.constant 0 : i32
      %dma_start3A_132 = arith.constant 0 : i32
      %dma_start3A_133 = arith.constant 0 : i32
      %dma_start3A_134 = tpu.memref_slice %arg8[%dma_start3A_131, %dma_start3A_132, %dma_start3A_133] : memref<2x256x32xbf16, #tpu.memory_space<vmem>> -> memref<1x256x32xbf16, #tpu.memory_space<vmem>>
      %dma_start3A_135 = tpu.memref_squeeze %dma_start3A_134 : memref<1x256x32xbf16, #tpu.memory_space<vmem>> -> memref<256x32xbf16, #tpu.memory_space<vmem>>
      %dma_start3A_136 = arith.constant 0 : i32
      %dma_start3A_137 = tpu.memref_slice %arg7[%add3A_119, %dma_start3A_136] : memref<80x256xi32, #tpu.memory_space<vmem>> -> memref<1x256xi32, #tpu.memory_space<vmem>>
      %dma_start3A_138 = tpu.memref_squeeze %dma_start3A_137 : memref<1x256xi32, #tpu.memory_space<vmem>> -> memref<256xi32, #tpu.memory_space<vmem>>
      %dma_start3A_139 = arith.constant 0 : i32
      %dma_start3A_140 = arith.constant 0 : i32
      %dma_start3A_141 = tpu.memref_slice %arg10[%dma_start3A_139, %dma_start3A_140] : memref<10240x32xbf16, #tpu.memory_space<vmem_shared>> -> memref<10240x32xbf16, #tpu.memory_space<vmem_shared>>
      tpu.enqueue_indirect_dma source(%dma_start3A_135 : memref<256x32xbf16, #tpu.memory_space<vmem>>) target(%dma_start3A_141 : memref<10240x32xbf16, #tpu.memory_space<vmem_shared>>) offsets(%dma_start3A_138 : memref<256xi32, #tpu.memory_space<vmem>>) semaphore(%arg13 : memref<!tpu.dma_semaphore, #tpu.memory_space<semaphore_mem>>) {add = true}
      %dma_wait3A_142 = arith.constant 0 : i32
      %dma_wait3A_143 = arith.constant 0 : i32
      %dma_wait3A_144 = arith.constant 0 : i32
      %dma_wait3A_145 = arith.constant 0 : i32
      %dma_wait3A_146 = tpu.memref_slice %arg8[%dma_wait3A_142, %dma_wait3A_144, %dma_wait3A_145] : memref<2x256x32xbf16, #tpu.memory_space<vmem>> -> memref<1x256x32xbf16, #tpu.memory_space<vmem>>
      %dma_wait3A_147 = tpu.memref_squeeze %dma_wait3A_146 : memref<1x256x32xbf16, #tpu.memory_space<vmem>> -> memref<256x32xbf16, #tpu.memory_space<vmem>>
      %dma_wait3A_148 = arith.constant 0 : i32
      %dma_wait3A_149 = tpu.memref_slice %arg7[%dma_wait3A_143, %dma_wait3A_148] : memref<80x256xi32, #tpu.memory_space<vmem>> -> memref<1x256xi32, #tpu.memory_space<vmem>>
      %dma_wait3A_150 = tpu.memref_squeeze %dma_wait3A_149 : memref<1x256xi32, #tpu.memory_space<vmem>> -> memref<256xi32, #tpu.memory_space<vmem>>
      %dma_wait3A_151 = arith.constant 0 : i32
      %dma_wait3A_152 = arith.constant 0 : i32
      %dma_wait3A_153 = tpu.memref_slice %arg10[%dma_wait3A_151, %dma_wait3A_152] : memref<10240x32xbf16, #tpu.memory_space<vmem_shared>> -> memref<10240x32xbf16, #tpu.memory_space<vmem_shared>>
      tpu.wait_indirect_dma semaphore(%arg13 : memref<!tpu.dma_semaphore, #tpu.memory_space<semaphore_mem>>) src(%dma_wait3A_147 : memref<256x32xbf16, #tpu.memory_space<vmem>>) dst(%dma_wait3A_153 : memref<10240x32xbf16, #tpu.memory_space<vmem_shared>>)
      %add3A_154 = arith.constant 2 : i32
      %add3A_155 = arith.addi %add3A_119, %add3A_154 : i32
      %dma_start3A_156 = arith.constant 0 : i32
      %dma_start3A_157 = arith.constant 0 : i32
      %dma_start3A_158 = arith.constant 0 : i32
      %dma_start3A_159 = tpu.memref_slice %arg8[%dma_start3A_156, %dma_start3A_157, %dma_start3A_158] : memref<2x256x32xbf16, #tpu.memory_space<vmem>> -> memref<1x256x32xbf16, #tpu.memory_space<vmem>>
      %dma_start3A_160 = tpu.memref_squeeze %dma_start3A_159 : memref<1x256x32xbf16, #tpu.memory_space<vmem>> -> memref<256x32xbf16, #tpu.memory_space<vmem>>
      %dma_start3A_161 = arith.constant 0 : i32
      %dma_start3A_162 = tpu.memref_slice %arg6[%add3A_155, %dma_start3A_161] : memref<80x256xi32, #tpu.memory_space<vmem>> -> memref<1x256xi32, #tpu.memory_space<vmem>>
      %dma_start3A_163 = tpu.memref_squeeze %dma_start3A_162 : memref<1x256xi32, #tpu.memory_space<vmem>> -> memref<256xi32, #tpu.memory_space<vmem>>
      %dma_start3A_164 = arith.constant 0 : i32
      %dma_start3A_165 = arith.constant 0 : i32
      %dma_start3A_166 = tpu.memref_slice %arg2[%dma_start3A_164, %dma_start3A_165] : memref<20000x32xbf16, #tpu.memory_space<hbm>> -> memref<20000x32xbf16, #tpu.memory_space<hbm>>
      tpu.enqueue_indirect_dma source(%dma_start3A_166 : memref<20000x32xbf16, #tpu.memory_space<hbm>>) target(%dma_start3A_160 : memref<256x32xbf16, #tpu.memory_space<vmem>>) offsets(%dma_start3A_163 : memref<256xi32, #tpu.memory_space<vmem>>) semaphore(%arg11 : memref<!tpu.dma_semaphore, #tpu.memory_space<semaphore_mem>>)
      %add3A_167 = arith.constant 1 : i32
      %add3A_168 = arith.addi %mul3A_117, %add3A_167 : i32
      %dma_wait3A_169 = arith.constant 1 : i32
      %dma_wait3A_170 = arith.constant 0 : i32
      %dma_wait3A_171 = arith.constant 0 : i32
      %dma_wait3A_172 = tpu.memref_slice %arg8[%dma_wait3A_169, %dma_wait3A_170, %dma_wait3A_171] : memref<2x256x32xbf16, #tpu.memory_space<vmem>> -> memref<1x256x32xbf16, #tpu.memory_space<vmem>>
      %dma_wait3A_173 = tpu.memref_squeeze %dma_wait3A_172 : memref<1x256x32xbf16, #tpu.memory_space<vmem>> -> memref<256x32xbf16, #tpu.memory_space<vmem>>
      %dma_wait3A_174 = arith.constant 0 : i32
      %dma_wait3A_175 = tpu.memref_slice %arg6[%add3A_168, %dma_wait3A_174] : memref<80x256xi32, #tpu.memory_space<vmem>> -> memref<1x256xi32, #tpu.memory_space<vmem>>
      %dma_wait3A_176 = tpu.memref_squeeze %dma_wait3A_175 : memref<1x256xi32, #tpu.memory_space<vmem>> -> memref<256xi32, #tpu.memory_space<vmem>>
      %dma_wait3A_177 = arith.constant 0 : i32
      %dma_wait3A_178 = arith.constant 0 : i32
      %dma_wait3A_179 = tpu.memref_slice %arg2[%dma_wait3A_177, %dma_wait3A_178] : memref<20000x32xbf16, #tpu.memory_space<hbm>> -> memref<20000x32xbf16, #tpu.memory_space<hbm>>
      tpu.wait_indirect_dma semaphore(%arg12 : memref<!tpu.dma_semaphore, #tpu.memory_space<semaphore_mem>>) src(%dma_wait3A_179 : memref<20000x32xbf16, #tpu.memory_space<hbm>>) dst(%dma_wait3A_173 : memref<256x32xbf16, #tpu.memory_space<vmem>>)
      %dma_start3A_180 = arith.constant 1 : i32
      %dma_start3A_181 = arith.constant 0 : i32
      %dma_start3A_182 = arith.constant 0 : i32
      %dma_start3A_183 = tpu.memref_slice %arg8[%dma_start3A_180, %dma_start3A_181, %dma_start3A_182] : memref<2x256x32xbf16, #tpu.memory_space<vmem>> -> memref<1x256x32xbf16, #tpu.memory_space<vmem>>
      %dma_start3A_184 = tpu.memref_squeeze %dma_start3A_183 : memref<1x256x32xbf16, #tpu.memory_space<vmem>> -> memref<256x32xbf16, #tpu.memory_space<vmem>>
      %dma_start3A_185 = arith.constant 0 : i32
      %dma_start3A_186 = tpu.memref_slice %arg7[%add3A_168, %dma_start3A_185] : memref<80x256xi32, #tpu.memory_space<vmem>> -> memref<1x256xi32, #tpu.memory_space<vmem>>
      %dma_start3A_187 = tpu.memref_squeeze %dma_start3A_186 : memref<1x256xi32, #tpu.memory_space<vmem>> -> memref<256xi32, #tpu.memory_space<vmem>>
      %dma_start3A_188 = arith.constant 0 : i32
      %dma_start3A_189 = arith.constant 0 : i32
      %dma_start3A_190 = tpu.memref_slice %arg10[%dma_start3A_188, %dma_start3A_189] : memref<10240x32xbf16, #tpu.memory_space<vmem_shared>> -> memref<10240x32xbf16, #tpu.memory_space<vmem_shared>>
      tpu.enqueue_indirect_dma source(%dma_start3A_184 : memref<256x32xbf16, #tpu.memory_space<vmem>>) target(%dma_start3A_190 : memref<10240x32xbf16, #tpu.memory_space<vmem_shared>>) offsets(%dma_start3A_187 : memref<256xi32, #tpu.memory_space<vmem>>) semaphore(%arg14 : memref<!tpu.dma_semaphore, #tpu.memory_space<semaphore_mem>>) {add = true}
      %dma_wait3A_191 = arith.constant 1 : i32
      %dma_wait3A_192 = arith.constant 0 : i32
      %dma_wait3A_193 = arith.constant 0 : i32
      %dma_wait3A_194 = arith.constant 0 : i32
      %dma_wait3A_195 = tpu.memref_slice %arg8[%dma_wait3A_191, %dma_wait3A_193, %dma_wait3A_194] : memref<2x256x32xbf16, #tpu.memory_space<vmem>> -> memref<1x256x32xbf16, #tpu.memory_space<vmem>>
      %dma_wait3A_196 = tpu.memref_squeeze %dma_wait3A_195 : memref<1x256x32xbf16, #tpu.memory_space<vmem>> -> memref<256x32xbf16, #tpu.memory_space<vmem>>
      %dma_wait3A_197 = arith.constant 0 : i32
      %dma_wait3A_198 = tpu.memref_slice %arg7[%dma_wait3A_192, %dma_wait3A_197] : memref<80x256xi32, #tpu.memory_space<vmem>> -> memref<1x256xi32, #tpu.memory_space<vmem>>
      %dma_wait3A_199 = tpu.memref_squeeze %dma_wait3A_198 : memref<1x256xi32, #tpu.memory_space<vmem>> -> memref<256xi32, #tpu.memory_space<vmem>>
      %dma_wait3A_200 = arith.constant 0 : i32
      %dma_wait3A_201 = arith.constant 0 : i32
      %dma_wait3A_202 = tpu.memref_slice %arg10[%dma_wait3A_200, %dma_wait3A_201] : memref<10240x32xbf16, #tpu.memory_space<vmem_shared>> -> memref<10240x32xbf16, #tpu.memory_space<vmem_shared>>
      tpu.wait_indirect_dma semaphore(%arg14 : memref<!tpu.dma_semaphore, #tpu.memory_space<semaphore_mem>>) src(%dma_wait3A_196 : memref<256x32xbf16, #tpu.memory_space<vmem>>) dst(%dma_wait3A_202 : memref<10240x32xbf16, #tpu.memory_space<vmem_shared>>)
      %add3A_203 = arith.constant 2 : i32
      %add3A_204 = arith.addi %add3A_168, %add3A_203 : i32
      %dma_start3A_205 = arith.constant 1 : i32
      %dma_start3A_206 = arith.constant 0 : i32
      %dma_start3A_207 = arith.constant 0 : i32
      %dma_start3A_208 = tpu.memref_slice %arg8[%dma_start3A_205, %dma_start3A_206, %dma_start3A_207] : memref<2x256x32xbf16, #tpu.memory_space<vmem>> -> memref<1x256x32xbf16, #tpu.memory_space<vmem>>
      %dma_start3A_209 = tpu.memref_squeeze %dma_start3A_208 : memref<1x256x32xbf16, #tpu.memory_space<vmem>> -> memref<256x32xbf16, #tpu.memory_space<vmem>>
      %dma_start3A_210 = arith.constant 0 : i32
      %dma_start3A_211 = tpu.memref_slice %arg6[%add3A_204, %dma_start3A_210] : memref<80x256xi32, #tpu.memory_space<vmem>> -> memref<1x256xi32, #tpu.memory_space<vmem>>
      %dma_start3A_212 = tpu.memref_squeeze %dma_start3A_211 : memref<1x256xi32, #tpu.memory_space<vmem>> -> memref<256xi32, #tpu.memory_space<vmem>>
      %dma_start3A_213 = arith.constant 0 : i32
      %dma_start3A_214 = arith.constant 0 : i32
      %dma_start3A_215 = tpu.memref_slice %arg2[%dma_start3A_213, %dma_start3A_214] : memref<20000x32xbf16, #tpu.memory_space<hbm>> -> memref<20000x32xbf16, #tpu.memory_space<hbm>>
      tpu.enqueue_indirect_dma source(%dma_start3A_215 : memref<20000x32xbf16, #tpu.memory_space<hbm>>) target(%dma_start3A_209 : memref<256x32xbf16, #tpu.memory_space<vmem>>) offsets(%dma_start3A_212 : memref<256xi32, #tpu.memory_space<vmem>>) semaphore(%arg12 : memref<!tpu.dma_semaphore, #tpu.memory_space<semaphore_mem>>)
    }
    %scan3A_39 = arith.constant 39 : i32
    %dma_wait3A = arith.constant 78 : i32
    %dma_wait3A_40 = arith.constant 0 : i32
    %dma_wait3A_41 = arith.constant 0 : i32
    %dma_wait3A_42 = arith.constant 0 : i32
    %dma_wait3A_43 = tpu.memref_slice %arg8[%dma_wait3A_40, %dma_wait3A_41, %dma_wait3A_42] : memref<2x256x32xbf16, #tpu.memory_space<vmem>> -> memref<1x256x32xbf16, #tpu.memory_space<vmem>>
    %dma_wait3A_44 = tpu.memref_squeeze %dma_wait3A_43 : memref<1x256x32xbf16, #tpu.memory_space<vmem>> -> memref<256x32xbf16, #tpu.memory_space<vmem>>
    %dma_wait3A_45 = arith.constant 0 : i32
    %dma_wait3A_46 = tpu.memref_slice %arg6[%dma_wait3A, %dma_wait3A_45] : memref<80x256xi32, #tpu.memory_space<vmem>> -> memref<1x256xi32, #tpu.memory_space<vmem>>
    %dma_wait3A_47 = tpu.memref_squeeze %dma_wait3A_46 : memref<1x256xi32, #tpu.memory_space<vmem>> -> memref<256xi32, #tpu.memory_space<vmem>>
    %dma_wait3A_48 = arith.constant 0 : i32
    %dma_wait3A_49 = arith.constant 0 : i32
    %dma_wait3A_50 = tpu.memref_slice %arg2[%dma_wait3A_48, %dma_wait3A_49] : memref<20000x32xbf16, #tpu.memory_space<hbm>> -> memref<20000x32xbf16, #tpu.memory_space<hbm>>
    tpu.wait_indirect_dma semaphore(%arg11 : memref<!tpu.dma_semaphore, #tpu.memory_space<semaphore_mem>>) src(%dma_wait3A_50 : memref<20000x32xbf16, #tpu.memory_space<hbm>>) dst(%dma_wait3A_44 : memref<256x32xbf16, #tpu.memory_space<vmem>>)
    %dma_start3A_51 = arith.constant 0 : i32
    %dma_start3A_52 = arith.constant 78 : i32
    %dma_start3A_53 = arith.constant 0 : i32
    %dma_start3A_54 = arith.constant 0 : i32
    %dma_start3A_55 = tpu.memref_slice %arg8[%dma_start3A_51, %dma_start3A_53, %dma_start3A_54] : memref<2x256x32xbf16, #tpu.memory_space<vmem>> -> memref<1x256x32xbf16, #tpu.memory_space<vmem>>
    %dma_start3A_56 = tpu.memref_squeeze %dma_start3A_55 : memref<1x256x32xbf16, #tpu.memory_space<vmem>> -> memref<256x32xbf16, #tpu.memory_space<vmem>>
    %dma_start3A_57 = arith.constant 0 : i32
    %dma_start3A_58 = tpu.memref_slice %arg7[%dma_start3A_52, %dma_start3A_57] : memref<80x256xi32, #tpu.memory_space<vmem>> -> memref<1x256xi32, #tpu.memory_space<vmem>>
    %dma_start3A_59 = tpu.memref_squeeze %dma_start3A_58 : memref<1x256xi32, #tpu.memory_space<vmem>> -> memref<256xi32, #tpu.memory_space<vmem>>
    %dma_start3A_60 = arith.constant 0 : i32
    %dma_start3A_61 = arith.constant 0 : i32
    %dma_start3A_62 = tpu.memref_slice %arg10[%dma_start3A_60, %dma_start3A_61] : memref<10240x32xbf16, #tpu.memory_space<vmem_shared>> -> memref<10240x32xbf16, #tpu.memory_space<vmem_shared>>
    tpu.enqueue_indirect_dma source(%dma_start3A_56 : memref<256x32xbf16, #tpu.memory_space<vmem>>) target(%dma_start3A_62 : memref<10240x32xbf16, #tpu.memory_space<vmem_shared>>) offsets(%dma_start3A_59 : memref<256xi32, #tpu.memory_space<vmem>>) semaphore(%arg13 : memref<!tpu.dma_semaphore, #tpu.memory_space<semaphore_mem>>) {add = true}
    %dma_wait3A_63 = arith.constant 79 : i32
    %dma_wait3A_64 = arith.constant 1 : i32
    %dma_wait3A_65 = arith.constant 0 : i32
    %dma_wait3A_66 = arith.constant 0 : i32
    %dma_wait3A_67 = tpu.memref_slice %arg8[%dma_wait3A_64, %dma_wait3A_65, %dma_wait3A_66] : memref<2x256x32xbf16, #tpu.memory_space<vmem>> -> memref<1x256x32xbf16, #tpu.memory_space<vmem>>
    %dma_wait3A_68 = tpu.memref_squeeze %dma_wait3A_67 : memref<1x256x32xbf16, #tpu.memory_space<vmem>> -> memref<256x32xbf16, #tpu.memory_space<vmem>>
    %dma_wait3A_69 = arith.constant 0 : i32
    %dma_wait3A_70 = tpu.memref_slice %arg6[%dma_wait3A_63, %dma_wait3A_69] : memref<80x256xi32, #tpu.memory_space<vmem>> -> memref<1x256xi32, #tpu.memory_space<vmem>>
    %dma_wait3A_71 = tpu.memref_squeeze %dma_wait3A_70 : memref<1x256xi32, #tpu.memory_space<vmem>> -> memref<256xi32, #tpu.memory_space<vmem>>
    %dma_wait3A_72 = arith.constant 0 : i32
    %dma_wait3A_73 = arith.constant 0 : i32
    %dma_wait3A_74 = tpu.memref_slice %arg2[%dma_wait3A_72, %dma_wait3A_73] : memref<20000x32xbf16, #tpu.memory_space<hbm>> -> memref<20000x32xbf16, #tpu.memory_space<hbm>>
    tpu.wait_indirect_dma semaphore(%arg12 : memref<!tpu.dma_semaphore, #tpu.memory_space<semaphore_mem>>) src(%dma_wait3A_74 : memref<20000x32xbf16, #tpu.memory_space<hbm>>) dst(%dma_wait3A_68 : memref<256x32xbf16, #tpu.memory_space<vmem>>)
    %dma_start3A_75 = arith.constant 1 : i32
    %dma_start3A_76 = arith.constant 79 : i32
    %dma_start3A_77 = arith.constant 0 : i32
    %dma_start3A_78 = arith.constant 0 : i32
    %dma_start3A_79 = tpu.memref_slice %arg8[%dma_start3A_75, %dma_start3A_77, %dma_start3A_78] : memref<2x256x32xbf16, #tpu.memory_space<vmem>> -> memref<1x256x32xbf16, #tpu.memory_space<vmem>>
    %dma_start3A_80 = tpu.memref_squeeze %dma_start3A_79 : memref<1x256x32xbf16, #tpu.memory_space<vmem>> -> memref<256x32xbf16, #tpu.memory_space<vmem>>
    %dma_start3A_81 = arith.constant 0 : i32
    %dma_start3A_82 = tpu.memref_slice %arg7[%dma_start3A_76, %dma_start3A_81] : memref<80x256xi32, #tpu.memory_space<vmem>> -> memref<1x256xi32, #tpu.memory_space<vmem>>
    %dma_start3A_83 = tpu.memref_squeeze %dma_start3A_82 : memref<1x256xi32, #tpu.memory_space<vmem>> -> memref<256xi32, #tpu.memory_space<vmem>>
    %dma_start3A_84 = arith.constant 0 : i32
    %dma_start3A_85 = arith.constant 0 : i32
    %dma_start3A_86 = tpu.memref_slice %arg10[%dma_start3A_84, %dma_start3A_85] : memref<10240x32xbf16, #tpu.memory_space<vmem_shared>> -> memref<10240x32xbf16, #tpu.memory_space<vmem_shared>>
    tpu.enqueue_indirect_dma source(%dma_start3A_80 : memref<256x32xbf16, #tpu.memory_space<vmem>>) target(%dma_start3A_86 : memref<10240x32xbf16, #tpu.memory_space<vmem_shared>>) offsets(%dma_start3A_83 : memref<256xi32, #tpu.memory_space<vmem>>) semaphore(%arg14 : memref<!tpu.dma_semaphore, #tpu.memory_space<semaphore_mem>>) {add = true}
    %dma_wait3A_87 = arith.constant 0 : i32
    %dma_wait3A_88 = arith.constant 0 : i32
    %dma_wait3A_89 = arith.constant 0 : i32
    %dma_wait3A_90 = arith.constant 0 : i32
    %dma_wait3A_91 = tpu.memref_slice %arg8[%dma_wait3A_87, %dma_wait3A_89, %dma_wait3A_90] : memref<2x256x32xbf16, #tpu.memory_space<vmem>> -> memref<1x256x32xbf16, #tpu.memory_space<vmem>>
    %dma_wait3A_92 = tpu.memref_squeeze %dma_wait3A_91 : memref<1x256x32xbf16, #tpu.memory_space<vmem>> -> memref<256x32xbf16, #tpu.memory_space<vmem>>
    %dma_wait3A_93 = arith.constant 0 : i32
    %dma_wait3A_94 = tpu.memref_slice %arg7[%dma_wait3A_88, %dma_wait3A_93] : memref<80x256xi32, #tpu.memory_space<vmem>> -> memref<1x256xi32, #tpu.memory_space<vmem>>
    %dma_wait3A_95 = tpu.memref_squeeze %dma_wait3A_94 : memref<1x256xi32, #tpu.memory_space<vmem>> -> memref<256xi32, #tpu.memory_space<vmem>>
    %dma_wait3A_96 = arith.constant 0 : i32
    %dma_wait3A_97 = arith.constant 0 : i32
    %dma_wait3A_98 = tpu.memref_slice %arg10[%dma_wait3A_96, %dma_wait3A_97] : memref<10240x32xbf16, #tpu.memory_space<vmem_shared>> -> memref<10240x32xbf16, #tpu.memory_space<vmem_shared>>
    tpu.wait_indirect_dma semaphore(%arg13 : memref<!tpu.dma_semaphore, #tpu.memory_space<semaphore_mem>>) src(%dma_wait3A_92 : memref<256x32xbf16, #tpu.memory_space<vmem>>) dst(%dma_wait3A_98 : memref<10240x32xbf16, #tpu.memory_space<vmem_shared>>)
    %dma_wait3A_99 = arith.constant 1 : i32
    %dma_wait3A_100 = arith.constant 0 : i32
    %dma_wait3A_101 = arith.constant 0 : i32
    %dma_wait3A_102 = arith.constant 0 : i32
    %dma_wait3A_103 = tpu.memref_slice %arg8[%dma_wait3A_99, %dma_wait3A_101, %dma_wait3A_102] : memref<2x256x32xbf16, #tpu.memory_space<vmem>> -> memref<1x256x32xbf16, #tpu.memory_space<vmem>>
    %dma_wait3A_104 = tpu.memref_squeeze %dma_wait3A_103 : memref<1x256x32xbf16, #tpu.memory_space<vmem>> -> memref<256x32xbf16, #tpu.memory_space<vmem>>
    %dma_wait3A_105 = arith.constant 0 : i32
    %dma_wait3A_106 = tpu.memref_slice %arg7[%dma_wait3A_100, %dma_wait3A_105] : memref<80x256xi32, #tpu.memory_space<vmem>> -> memref<1x256xi32, #tpu.memory_space<vmem>>
    %dma_wait3A_107 = tpu.memref_squeeze %dma_wait3A_106 : memref<1x256xi32, #tpu.memory_space<vmem>> -> memref<256xi32, #tpu.memory_space<vmem>>
    %dma_wait3A_108 = arith.constant 0 : i32
    %dma_wait3A_109 = arith.constant 0 : i32
    %dma_wait3A_110 = tpu.memref_slice %arg10[%dma_wait3A_108, %dma_wait3A_109] : memref<10240x32xbf16, #tpu.memory_space<vmem_shared>> -> memref<10240x32xbf16, #tpu.memory_space<vmem_shared>>
    tpu.wait_indirect_dma semaphore(%arg14 : memref<!tpu.dma_semaphore, #tpu.memory_space<semaphore_mem>>) src(%dma_wait3A_104 : memref<256x32xbf16, #tpu.memory_space<vmem>>) dst(%dma_wait3A_110 : memref<10240x32xbf16, #tpu.memory_space<vmem_shared>>)
    %barrier3A_111 = arith.constant 0 : index
    tpu.barrier barrier_id(%barrier3A_111)
    "tpu.region"() ({
      %run_scoped3A = tpu.sem_alloc : memref<!tpu.dma_semaphore, #tpu.memory_space<semaphore_mem>>
      %dma_start3A_112 = arith.constant 0 : i32
      %dma_start3A_113 = tpu.memref_slice %arg5[%arg0, %mul3A_0, %dma_start3A_112] : memref<2x10240x32xbf16, #tpu.memory_space<hbm>> -> memref<1x640x32xbf16, #tpu.memory_space<hbm>>
      %dma_start3A_114 = tpu.memref_squeeze %dma_start3A_113 : memref<1x640x32xbf16, #tpu.memory_space<hbm>> -> memref<640x32xbf16, #tpu.memory_space<hbm>>
      %dma_start3A_115 = arith.constant 0 : i32
      %dma_start3A_116 = tpu.memref_slice %arg10[%mul3A_0, %dma_start3A_115] : memref<10240x32xbf16, #tpu.memory_space<vmem_shared>> -> memref<640x32xbf16, #tpu.memory_space<vmem_shared>>
      tpu.enqueue_dma source(%dma_start3A_116 : memref<640x32xbf16, #tpu.memory_space<vmem_shared>>) target(%dma_start3A_114 : memref<640x32xbf16, #tpu.memory_space<hbm>>) target_semaphore(%run_scoped3A : memref<!tpu.dma_semaphore, #tpu.memory_space<semaphore_mem>>)
      %dma_wait3A_117 = arith.constant 0 : i32
      %dma_wait3A_118 = tpu.memref_slice %arg5[%arg0, %mul3A_0, %dma_wait3A_117] : memref<2x10240x32xbf16, #tpu.memory_space<hbm>> -> memref<1x640x32xbf16, #tpu.memory_space<hbm>>
      %dma_wait3A_119 = tpu.memref_squeeze %dma_wait3A_118 : memref<1x640x32xbf16, #tpu.memory_space<hbm>> -> memref<640x32xbf16, #tpu.memory_space<hbm>>
      %dma_wait3A_120 = arith.constant 0 : i32
      %dma_wait3A_121 = tpu.memref_slice %arg10[%mul3A_0, %dma_wait3A_120] : memref<10240x32xbf16, #tpu.memory_space<vmem_shared>> -> memref<640x32xbf16, #tpu.memory_space<vmem_shared>>
      tpu.wait_dma2 semaphore(%run_scoped3A : memref<!tpu.dma_semaphore, #tpu.memory_space<semaphore_mem>>) src(%dma_wait3A_121 : memref<640x32xbf16, #tpu.memory_space<vmem_shared>>) dst(%dma_wait3A_119 : memref<640x32xbf16, #tpu.memory_space<hbm>>)
      tpu.yield
    }) : () -> ()
    return
  }
}

#map = affine_map<(d0, d1) -> (0, 0)>
#map1 = affine_map<(d0, d1) -> (0, 0, 0)>
module attributes {stable_mosaic.version = 14 : i64} {
  func.func @body(%arg0: i32, %arg1: i32, %arg2: memref<20000x64xbf16, #tpu.memory_space<hbm>>, %arg3: memref<2x1280x256xi32, #tpu.memory_space<hbm>>, %arg4: memref<1280x256xi32, #tpu.memory_space<hbm>>, %arg5: memref<2x10240x64xbf16, #tpu.memory_space<hbm>>, %arg6: memref<80x256xi32, #tpu.memory_space<vmem>>, %arg7: memref<80x256xi32, #tpu.memory_space<vmem>>, %arg8: memref<2x256x64xbf16, #tpu.memory_space<vmem>>, %arg9: memref<640x64xbf16, #tpu.memory_space<vmem>>, %arg10: memref<10240x64xbf16, #tpu.memory_space<vmem_shared>>, %arg11: memref<!tpu.dma_semaphore, #tpu.memory_space<semaphore_mem>>, %arg12: memref<!tpu.dma_semaphore, #tpu.memory_space<semaphore_mem>>, %arg13: memref<!tpu.dma_semaphore, #tpu.memory_space<semaphore_mem>>, %arg14: memref<!tpu.dma_semaphore, #tpu.memory_space<semaphore_mem>>, %arg15: memref<!tpu.dma_semaphore, #tpu.memory_space<semaphore_mem>>) attributes {dimension_semantics = [#tpu.dimension_semantics<core_parallel>, #tpu.dimension_semantics<subcore_parallel>], iteration_bounds = array<i64: 2, 16>, scalar_prefetch = 0 : i64, scratch_operands = 10 : i64, tpu.core_type = #tpu.core_type<sc_vector_subcore>, window_params = [{transform_indices = #map}, {transform_indices = #map1}, {transform_indices = #map}, {transform_indices = #map1}]} {
    %mul3A = arith.constant 640 : i32
    %mul3A_0 = arith.muli %arg1, %mul3A : i32
    %broadcast_in_dim3A = arith.constant 0.000000e+00 : f32
    %broadcast_in_dim3A_1 = vector.broadcast %broadcast_in_dim3A : f32 to vector<16xf32>
    %broadcast_in_dim3A_2 = arith.constant 0.000000e+00 : bf16
    %broadcast_in_dim3A_3 = vector.broadcast %broadcast_in_dim3A_2 : bf16 to vector<32xbf16>
    %scan3A = arith.constant 0 : i32
    %scan3A_4 = arith.constant 640 : i32
    %scan3A_5 = arith.addi %scan3A, %scan3A_4 : i32
    %scan3A_6 = arith.constant 1 : i32
    scf.for %scan3A_112 = %scan3A to %scan3A_5 step %scan3A_6  : i32 {
      %mul3A_113 = arith.constant 1 : i32
      %mul3A_114 = arith.muli %scan3A_112, %mul3A_113 : i32
      %add3A = arith.constant 0 : i32
      %add3A_115 = arith.addi %add3A, %mul3A_114 : i32
      %swap3A = arith.index_cast %add3A_115 : i32 to index
      %swap3A_116 = arith.constant 0 : index
      %swap3A_117 = tpu.vector_load %arg9[%swap3A, %swap3A_116] {strides = array<i32>} : memref<640x64xbf16, #tpu.memory_space<vmem>>, vector<1x32xbf16>,
      %swap3A_118 = vector.shape_cast %swap3A_117 : vector<1x32xbf16> to vector<32xbf16>
      %swap3A_119 = vector.shape_cast %broadcast_in_dim3A_3 : vector<32xbf16> to vector<1x32xbf16>
      tpu.vector_store %arg9[%swap3A, %swap3A_116], %swap3A_119 {strides = array<i32>} : memref<640x64xbf16, #tpu.memory_space<vmem>>, vector<1x32xbf16>,
      %swap3A_120 = arith.index_cast %add3A_115 : i32 to index
      %swap3A_121 = arith.constant 32 : index
      %swap3A_122 = tpu.vector_load %arg9[%swap3A_120, %swap3A_121] {strides = array<i32>} : memref<640x64xbf16, #tpu.memory_space<vmem>>, vector<1x32xbf16>,
      %swap3A_123 = vector.shape_cast %swap3A_122 : vector<1x32xbf16> to vector<32xbf16>
      %swap3A_124 = vector.shape_cast %broadcast_in_dim3A_3 : vector<32xbf16> to vector<1x32xbf16>
      tpu.vector_store %arg9[%swap3A_120, %swap3A_121], %swap3A_124 {strides = array<i32>} : memref<640x64xbf16, #tpu.memory_space<vmem>>, vector<1x32xbf16>,
    }
    %scan3A_7 = arith.constant 640 : i32
    %mul3A_8 = arith.constant 80 : i32
    %mul3A_9 = arith.muli %arg1, %mul3A_8 : i32
    "tpu.region"() ({
      %run_scoped3A = tpu.sem_alloc : memref<!tpu.dma_semaphore, #tpu.memory_space<semaphore_mem>>
      %dma_start3A_112 = arith.constant 0 : i32
      %dma_start3A_113 = tpu.memref_slice %arg3[%arg0, %mul3A_9, %dma_start3A_112] : memref<2x1280x256xi32, #tpu.memory_space<hbm>> -> memref<1x80x256xi32, #tpu.memory_space<hbm>>
      %dma_start3A_114 = tpu.memref_squeeze %dma_start3A_113 : memref<1x80x256xi32, #tpu.memory_space<hbm>> -> memref<80x256xi32, #tpu.memory_space<hbm>>
      %dma_start3A_115 = arith.constant 0 : i32
      %dma_start3A_116 = tpu.memref_slice %arg3[%arg0, %mul3A_9, %dma_start3A_115] : memref<2x1280x256xi32, #tpu.memory_space<hbm>> -> memref<1x80x256xi32, #tpu.memory_space<hbm>>
      %dma_start3A_117 = tpu.memref_squeeze %dma_start3A_116 : memref<1x80x256xi32, #tpu.memory_space<hbm>> -> memref<80x256xi32, #tpu.memory_space<hbm>>
      tpu.enqueue_dma source(%dma_start3A_117 : memref<80x256xi32, #tpu.memory_space<hbm>>) target(%arg6 : memref<80x256xi32, #tpu.memory_space<vmem>>) target_semaphore(%run_scoped3A : memref<!tpu.dma_semaphore, #tpu.memory_space<semaphore_mem>>)
      %dma_wait3A_118 = arith.constant 0 : i32
      %dma_wait3A_119 = tpu.memref_slice %arg3[%arg0, %mul3A_9, %dma_wait3A_118] : memref<2x1280x256xi32, #tpu.memory_space<hbm>> -> memref<1x80x256xi32, #tpu.memory_space<hbm>>
      %dma_wait3A_120 = tpu.memref_squeeze %dma_wait3A_119 : memref<1x80x256xi32, #tpu.memory_space<hbm>> -> memref<80x256xi32, #tpu.memory_space<hbm>>
      %dma_wait3A_121 = arith.constant 0 : i32
      %dma_wait3A_122 = tpu.memref_slice %arg3[%arg0, %mul3A_9, %dma_wait3A_121] : memref<2x1280x256xi32, #tpu.memory_space<hbm>> -> memref<1x80x256xi32, #tpu.memory_space<hbm>>
      %dma_wait3A_123 = tpu.memref_squeeze %dma_wait3A_122 : memref<1x80x256xi32, #tpu.memory_space<hbm>> -> memref<80x256xi32, #tpu.memory_space<hbm>>
      tpu.wait_dma2 semaphore(%run_scoped3A : memref<!tpu.dma_semaphore, #tpu.memory_space<semaphore_mem>>) src(%dma_wait3A_123 : memref<80x256xi32, #tpu.memory_space<hbm>>) dst(%arg6 : memref<80x256xi32, #tpu.memory_space<vmem>>)
      tpu.yield
    }) : () -> ()
    %mul3A_10 = arith.constant 80 : i32
    %mul3A_11 = arith.muli %arg1, %mul3A_10 : i32
    "tpu.region"() ({
      %run_scoped3A = tpu.sem_alloc : memref<!tpu.dma_semaphore, #tpu.memory_space<semaphore_mem>>
      %dma_start3A_112 = arith.constant 0 : i32
      %dma_start3A_113 = tpu.memref_slice %arg4[%mul3A_11, %dma_start3A_112] : memref<1280x256xi32, #tpu.memory_space<hbm>> -> memref<80x256xi32, #tpu.memory_space<hbm>>
      %dma_start3A_114 = arith.constant 0 : i32
      %dma_start3A_115 = tpu.memref_slice %arg4[%mul3A_11, %dma_start3A_114] : memref<1280x256xi32, #tpu.memory_space<hbm>> -> memref<80x256xi32, #tpu.memory_space<hbm>>
      tpu.enqueue_dma source(%dma_start3A_115 : memref<80x256xi32, #tpu.memory_space<hbm>>) target(%arg7 : memref<80x256xi32, #tpu.memory_space<vmem>>) target_semaphore(%run_scoped3A : memref<!tpu.dma_semaphore, #tpu.memory_space<semaphore_mem>>)
      %dma_wait3A_116 = arith.constant 0 : i32
      %dma_wait3A_117 = tpu.memref_slice %arg4[%mul3A_11, %dma_wait3A_116] : memref<1280x256xi32, #tpu.memory_space<hbm>> -> memref<80x256xi32, #tpu.memory_space<hbm>>
      %dma_wait3A_118 = arith.constant 0 : i32
      %dma_wait3A_119 = tpu.memref_slice %arg4[%mul3A_11, %dma_wait3A_118] : memref<1280x256xi32, #tpu.memory_space<hbm>> -> memref<80x256xi32, #tpu.memory_space<hbm>>
      tpu.wait_dma2 semaphore(%run_scoped3A : memref<!tpu.dma_semaphore, #tpu.memory_space<semaphore_mem>>) src(%dma_wait3A_119 : memref<80x256xi32, #tpu.memory_space<hbm>>) dst(%arg7 : memref<80x256xi32, #tpu.memory_space<vmem>>)
      tpu.yield
    }) : () -> ()
    "tpu.region"() ({
      %run_scoped3A = tpu.sem_alloc : memref<!tpu.dma_semaphore, #tpu.memory_space<semaphore_mem>>
      %dma_start3A_112 = arith.constant 0 : i32
      %dma_start3A_113 = tpu.memref_slice %arg10[%mul3A_0, %dma_start3A_112] : memref<10240x64xbf16, #tpu.memory_space<vmem_shared>> -> memref<640x64xbf16, #tpu.memory_space<vmem_shared>>
      %dma_start3A_114 = arith.constant 0 : i32
      %dma_start3A_115 = tpu.memref_slice %arg10[%mul3A_0, %dma_start3A_114] : memref<10240x64xbf16, #tpu.memory_space<vmem_shared>> -> memref<640x64xbf16, #tpu.memory_space<vmem_shared>>
      tpu.enqueue_dma source(%arg9 : memref<640x64xbf16, #tpu.memory_space<vmem>>) target(%dma_start3A_115 : memref<640x64xbf16, #tpu.memory_space<vmem_shared>>) target_semaphore(%run_scoped3A : memref<!tpu.dma_semaphore, #tpu.memory_space<semaphore_mem>>)
      %dma_wait3A_116 = arith.constant 0 : i32
      %dma_wait3A_117 = tpu.memref_slice %arg10[%mul3A_0, %dma_wait3A_116] : memref<10240x64xbf16, #tpu.memory_space<vmem_shared>> -> memref<640x64xbf16, #tpu.memory_space<vmem_shared>>
      %dma_wait3A_118 = arith.constant 0 : i32
      %dma_wait3A_119 = tpu.memref_slice %arg10[%mul3A_0, %dma_wait3A_118] : memref<10240x64xbf16, #tpu.memory_space<vmem_shared>> -> memref<640x64xbf16, #tpu.memory_space<vmem_shared>>
      tpu.wait_dma2 semaphore(%run_scoped3A : memref<!tpu.dma_semaphore, #tpu.memory_space<semaphore_mem>>) src(%arg9 : memref<640x64xbf16, #tpu.memory_space<vmem>>) dst(%dma_wait3A_119 : memref<640x64xbf16, #tpu.memory_space<vmem_shared>>)
      tpu.yield
    }) : () -> ()
    %barrier3A = arith.constant 0 : index
    tpu.barrier barrier_id(%barrier3A)
    %dma_start3A = arith.constant 0 : i32
    %dma_start3A_12 = arith.constant 0 : i32
    %dma_start3A_13 = arith.constant 0 : i32
    %dma_start3A_14 = arith.constant 0 : i32
    %dma_start3A_15 = tpu.memref_slice %arg8[%dma_start3A_12, %dma_start3A_13, %dma_start3A_14] : memref<2x256x64xbf16, #tpu.memory_space<vmem>> -> memref<1x256x64xbf16, #tpu.memory_space<vmem>>
    %dma_start3A_16 = tpu.memref_squeeze %dma_start3A_15 : memref<1x256x64xbf16, #tpu.memory_space<vmem>> -> memref<256x64xbf16, #tpu.memory_space<vmem>>
    %dma_start3A_17 = arith.constant 0 : i32
    %dma_start3A_18 = tpu.memref_slice %arg6[%dma_start3A, %dma_start3A_17] : memref<80x256xi32, #tpu.memory_space<vmem>> -> memref<1x256xi32, #tpu.memory_space<vmem>>
    %dma_start3A_19 = tpu.memref_squeeze %dma_start3A_18 : memref<1x256xi32, #tpu.memory_space<vmem>> -> memref<256xi32, #tpu.memory_space<vmem>>
    %dma_start3A_20 = arith.constant 0 : i32
    %dma_start3A_21 = arith.constant 0 : i32
    %dma_start3A_22 = tpu.memref_slice %arg2[%dma_start3A_20, %dma_start3A_21] : memref<20000x64xbf16, #tpu.memory_space<hbm>> -> memref<20000x64xbf16, #tpu.memory_space<hbm>>
    tpu.enqueue_indirect_dma source(%dma_start3A_22 : memref<20000x64xbf16, #tpu.memory_space<hbm>>) target(%dma_start3A_16 : memref<256x64xbf16, #tpu.memory_space<vmem>>) offsets(%dma_start3A_19 : memref<256xi32, #tpu.memory_space<vmem>>) semaphore(%arg11 : memref<!tpu.dma_semaphore, #tpu.memory_space<semaphore_mem>>)
    %dma_start3A_23 = arith.constant 1 : i32
    %dma_start3A_24 = arith.constant 1 : i32
    %dma_start3A_25 = arith.constant 0 : i32
    %dma_start3A_26 = arith.constant 0 : i32
    %dma_start3A_27 = tpu.memref_slice %arg8[%dma_start3A_24, %dma_start3A_25, %dma_start3A_26] : memref<2x256x64xbf16, #tpu.memory_space<vmem>> -> memref<1x256x64xbf16, #tpu.memory_space<vmem>>
    %dma_start3A_28 = tpu.memref_squeeze %dma_start3A_27 : memref<1x256x64xbf16, #tpu.memory_space<vmem>> -> memref<256x64xbf16, #tpu.memory_space<vmem>>
    %dma_start3A_29 = arith.constant 0 : i32
    %dma_start3A_30 = tpu.memref_slice %arg6[%dma_start3A_23, %dma_start3A_29] : memref<80x256xi32, #tpu.memory_space<vmem>> -> memref<1x256xi32, #tpu.memory_space<vmem>>
    %dma_start3A_31 = tpu.memref_squeeze %dma_start3A_30 : memref<1x256xi32, #tpu.memory_space<vmem>> -> memref<256xi32, #tpu.memory_space<vmem>>
    %dma_start3A_32 = arith.constant 0 : i32
    %dma_start3A_33 = arith.constant 0 : i32
    %dma_start3A_34 = tpu.memref_slice %arg2[%dma_start3A_32, %dma_start3A_33] : memref<20000x64xbf16, #tpu.memory_space<hbm>> -> memref<20000x64xbf16, #tpu.memory_space<hbm>>
    tpu.enqueue_indirect_dma source(%dma_start3A_34 : memref<20000x64xbf16, #tpu.memory_space<hbm>>) target(%dma_start3A_28 : memref<256x64xbf16, #tpu.memory_space<vmem>>) offsets(%dma_start3A_31 : memref<256xi32, #tpu.memory_space<vmem>>) semaphore(%arg12 : memref<!tpu.dma_semaphore, #tpu.memory_space<semaphore_mem>>)
    %scan3A_35 = arith.constant 0 : i32
    %scan3A_36 = arith.constant 39 : i32
    %scan3A_37 = arith.addi %scan3A_35, %scan3A_36 : i32
    %scan3A_38 = arith.constant 1 : i32
    scf.for %scan3A_112 = %scan3A_35 to %scan3A_37 step %scan3A_38  : i32 {
      %mul3A_113 = arith.constant 1 : i32
      %mul3A_114 = arith.muli %scan3A_112, %mul3A_113 : i32
      %add3A = arith.constant 0 : i32
      %add3A_115 = arith.addi %add3A, %mul3A_114 : i32
      %mul3A_116 = arith.constant 2 : i32
      %mul3A_117 = arith.muli %add3A_115, %mul3A_116 : i32
      %add3A_118 = arith.constant 0 : i32
      %add3A_119 = arith.addi %mul3A_117, %add3A_118 : i32
      %dma_wait3A_120 = arith.constant 0 : i32
      %dma_wait3A_121 = arith.constant 0 : i32
      %dma_wait3A_122 = arith.constant 0 : i32
      %dma_wait3A_123 = tpu.memref_slice %arg8[%dma_wait3A_120, %dma_wait3A_121, %dma_wait3A_122] : memref<2x256x64xbf16, #tpu.memory_space<vmem>> -> memref<1x256x64xbf16, #tpu.memory_space<vmem>>
      %dma_wait3A_124 = tpu.memref_squeeze %dma_wait3A_123 : memref<1x256x64xbf16, #tpu.memory_space<vmem>> -> memref<256x64xbf16, #tpu.memory_space<vmem>>
      %dma_wait3A_125 = arith.constant 0 : i32
      %dma_wait3A_126 = tpu.memref_slice %arg6[%add3A_119, %dma_wait3A_125] : memref<80x256xi32, #tpu.memory_space<vmem>> -> memref<1x256xi32, #tpu.memory_space<vmem>>
      %dma_wait3A_127 = tpu.memref_squeeze %dma_wait3A_126 : memref<1x256xi32, #tpu.memory_space<vmem>> -> memref<256xi32, #tpu.memory_space<vmem>>
      %dma_wait3A_128 = arith.constant 0 : i32
      %dma_wait3A_129 = arith.constant 0 : i32
      %dma_wait3A_130 = tpu.memref_slice %arg2[%dma_wait3A_128, %dma_wait3A_129] : memref<20000x64xbf16, #tpu.memory_space<hbm>> -> memref<20000x64xbf16, #tpu.memory_space<hbm>>
      tpu.wait_indirect_dma semaphore(%arg11 : memref<!tpu.dma_semaphore, #tpu.memory_space<semaphore_mem>>) src(%dma_wait3A_130 : memref<20000x64xbf16, #tpu.memory_space<hbm>>) dst(%dma_wait3A_124 : memref<256x64xbf16, #tpu.memory_space<vmem>>)
      %dma_start3A_131 = arith.constant 0 : i32
      %dma_start3A_132 = arith.constant 0 : i32
      %dma_start3A_133 = arith.constant 0 : i32
      %dma_start3A_134 = tpu.memref_slice %arg8[%dma_start3A_131, %dma_start3A_132, %dma_start3A_133] : memref<2x256x64xbf16, #tpu.memory_space<vmem>> -> memref<1x256x64xbf16, #tpu.memory_space<vmem>>
      %dma_start3A_135 = tpu.memref_squeeze %dma_start3A_134 : memref<1x256x64xbf16, #tpu.memory_space<vmem>> -> memref<256x64xbf16, #tpu.memory_space<vmem>>
      %dma_start3A_136 = arith.constant 0 : i32
      %dma_start3A_137 = tpu.memref_slice %arg7[%add3A_119, %dma_start3A_136] : memref<80x256xi32, #tpu.memory_space<vmem>> -> memref<1x256xi32, #tpu.memory_space<vmem>>
      %dma_start3A_138 = tpu.memref_squeeze %dma_start3A_137 : memref<1x256xi32, #tpu.memory_space<vmem>> -> memref<256xi32, #tpu.memory_space<vmem>>
      %dma_start3A_139 = arith.constant 0 : i32
      %dma_start3A_140 = arith.constant 0 : i32
      %dma_start3A_141 = tpu.memref_slice %arg10[%dma_start3A_139, %dma_start3A_140] : memref<10240x64xbf16, #tpu.memory_space<vmem_shared>> -> memref<10240x64xbf16, #tpu.memory_space<vmem_shared>>
      tpu.enqueue_indirect_dma source(%dma_start3A_135 : memref<256x64xbf16, #tpu.memory_space<vmem>>) target(%dma_start3A_141 : memref<10240x64xbf16, #tpu.memory_space<vmem_shared>>) offsets(%dma_start3A_138 : memref<256xi32, #tpu.memory_space<vmem>>) semaphore(%arg13 : memref<!tpu.dma_semaphore, #tpu.memory_space<semaphore_mem>>) {add = true}
      %dma_wait3A_142 = arith.constant 0 : i32
      %dma_wait3A_143 = arith.constant 0 : i32
      %dma_wait3A_144 = arith.constant 0 : i32
      %dma_wait3A_145 = arith.constant 0 : i32
      %dma_wait3A_146 = tpu.memref_slice %arg8[%dma_wait3A_142, %dma_wait3A_144, %dma_wait3A_145] : memref<2x256x64xbf16, #tpu.memory_space<vmem>> -> memref<1x256x64xbf16, #tpu.memory_space<vmem>>
      %dma_wait3A_147 = tpu.memref_squeeze %dma_wait3A_146 : memref<1x256x64xbf16, #tpu.memory_space<vmem>> -> memref<256x64xbf16, #tpu.memory_space<vmem>>
      %dma_wait3A_148 = arith.constant 0 : i32
      %dma_wait3A_149 = tpu.memref_slice %arg7[%dma_wait3A_143, %dma_wait3A_148] : memref<80x256xi32, #tpu.memory_space<vmem>> -> memref<1x256xi32, #tpu.memory_space<vmem>>
      %dma_wait3A_150 = tpu.memref_squeeze %dma_wait3A_149 : memref<1x256xi32, #tpu.memory_space<vmem>> -> memref<256xi32, #tpu.memory_space<vmem>>
      %dma_wait3A_151 = arith.constant 0 : i32
      %dma_wait3A_152 = arith.constant 0 : i32
      %dma_wait3A_153 = tpu.memref_slice %arg10[%dma_wait3A_151, %dma_wait3A_152] : memref<10240x64xbf16, #tpu.memory_space<vmem_shared>> -> memref<10240x64xbf16, #tpu.memory_space<vmem_shared>>
      tpu.wait_indirect_dma semaphore(%arg13 : memref<!tpu.dma_semaphore, #tpu.memory_space<semaphore_mem>>) src(%dma_wait3A_147 : memref<256x64xbf16, #tpu.memory_space<vmem>>) dst(%dma_wait3A_153 : memref<10240x64xbf16, #tpu.memory_space<vmem_shared>>)
      %add3A_154 = arith.constant 2 : i32
      %add3A_155 = arith.addi %add3A_119, %add3A_154 : i32
      %dma_start3A_156 = arith.constant 0 : i32
      %dma_start3A_157 = arith.constant 0 : i32
      %dma_start3A_158 = arith.constant 0 : i32
      %dma_start3A_159 = tpu.memref_slice %arg8[%dma_start3A_156, %dma_start3A_157, %dma_start3A_158] : memref<2x256x64xbf16, #tpu.memory_space<vmem>> -> memref<1x256x64xbf16, #tpu.memory_space<vmem>>
      %dma_start3A_160 = tpu.memref_squeeze %dma_start3A_159 : memref<1x256x64xbf16, #tpu.memory_space<vmem>> -> memref<256x64xbf16, #tpu.memory_space<vmem>>
      %dma_start3A_161 = arith.constant 0 : i32
      %dma_start3A_162 = tpu.memref_slice %arg6[%add3A_155, %dma_start3A_161] : memref<80x256xi32, #tpu.memory_space<vmem>> -> memref<1x256xi32, #tpu.memory_space<vmem>>
      %dma_start3A_163 = tpu.memref_squeeze %dma_start3A_162 : memref<1x256xi32, #tpu.memory_space<vmem>> -> memref<256xi32, #tpu.memory_space<vmem>>
      %dma_start3A_164 = arith.constant 0 : i32
      %dma_start3A_165 = arith.constant 0 : i32
      %dma_start3A_166 = tpu.memref_slice %arg2[%dma_start3A_164, %dma_start3A_165] : memref<20000x64xbf16, #tpu.memory_space<hbm>> -> memref<20000x64xbf16, #tpu.memory_space<hbm>>
      tpu.enqueue_indirect_dma source(%dma_start3A_166 : memref<20000x64xbf16, #tpu.memory_space<hbm>>) target(%dma_start3A_160 : memref<256x64xbf16, #tpu.memory_space<vmem>>) offsets(%dma_start3A_163 : memref<256xi32, #tpu.memory_space<vmem>>) semaphore(%arg11 : memref<!tpu.dma_semaphore, #tpu.memory_space<semaphore_mem>>)
      %add3A_167 = arith.constant 1 : i32
      %add3A_168 = arith.addi %mul3A_117, %add3A_167 : i32
      %dma_wait3A_169 = arith.constant 1 : i32
      %dma_wait3A_170 = arith.constant 0 : i32
      %dma_wait3A_171 = arith.constant 0 : i32
      %dma_wait3A_172 = tpu.memref_slice %arg8[%dma_wait3A_169, %dma_wait3A_170, %dma_wait3A_171] : memref<2x256x64xbf16, #tpu.memory_space<vmem>> -> memref<1x256x64xbf16, #tpu.memory_space<vmem>>
      %dma_wait3A_173 = tpu.memref_squeeze %dma_wait3A_172 : memref<1x256x64xbf16, #tpu.memory_space<vmem>> -> memref<256x64xbf16, #tpu.memory_space<vmem>>
      %dma_wait3A_174 = arith.constant 0 : i32
      %dma_wait3A_175 = tpu.memref_slice %arg6[%add3A_168, %dma_wait3A_174] : memref<80x256xi32, #tpu.memory_space<vmem>> -> memref<1x256xi32, #tpu.memory_space<vmem>>
      %dma_wait3A_176 = tpu.memref_squeeze %dma_wait3A_175 : memref<1x256xi32, #tpu.memory_space<vmem>> -> memref<256xi32, #tpu.memory_space<vmem>>
      %dma_wait3A_177 = arith.constant 0 : i32
      %dma_wait3A_178 = arith.constant 0 : i32
      %dma_wait3A_179 = tpu.memref_slice %arg2[%dma_wait3A_177, %dma_wait3A_178] : memref<20000x64xbf16, #tpu.memory_space<hbm>> -> memref<20000x64xbf16, #tpu.memory_space<hbm>>
      tpu.wait_indirect_dma semaphore(%arg12 : memref<!tpu.dma_semaphore, #tpu.memory_space<semaphore_mem>>) src(%dma_wait3A_179 : memref<20000x64xbf16, #tpu.memory_space<hbm>>) dst(%dma_wait3A_173 : memref<256x64xbf16, #tpu.memory_space<vmem>>)
      %dma_start3A_180 = arith.constant 1 : i32
      %dma_start3A_181 = arith.constant 0 : i32
      %dma_start3A_182 = arith.constant 0 : i32
      %dma_start3A_183 = tpu.memref_slice %arg8[%dma_start3A_180, %dma_start3A_181, %dma_start3A_182] : memref<2x256x64xbf16, #tpu.memory_space<vmem>> -> memref<1x256x64xbf16, #tpu.memory_space<vmem>>
      %dma_start3A_184 = tpu.memref_squeeze %dma_start3A_183 : memref<1x256x64xbf16, #tpu.memory_space<vmem>> -> memref<256x64xbf16, #tpu.memory_space<vmem>>
      %dma_start3A_185 = arith.constant 0 : i32
      %dma_start3A_186 = tpu.memref_slice %arg7[%add3A_168, %dma_start3A_185] : memref<80x256xi32, #tpu.memory_space<vmem>> -> memref<1x256xi32, #tpu.memory_space<vmem>>
      %dma_start3A_187 = tpu.memref_squeeze %dma_start3A_186 : memref<1x256xi32, #tpu.memory_space<vmem>> -> memref<256xi32, #tpu.memory_space<vmem>>
      %dma_start3A_188 = arith.constant 0 : i32
      %dma_start3A_189 = arith.constant 0 : i32
      %dma_start3A_190 = tpu.memref_slice %arg10[%dma_start3A_188, %dma_start3A_189] : memref<10240x64xbf16, #tpu.memory_space<vmem_shared>> -> memref<10240x64xbf16, #tpu.memory_space<vmem_shared>>
      tpu.enqueue_indirect_dma source(%dma_start3A_184 : memref<256x64xbf16, #tpu.memory_space<vmem>>) target(%dma_start3A_190 : memref<10240x64xbf16, #tpu.memory_space<vmem_shared>>) offsets(%dma_start3A_187 : memref<256xi32, #tpu.memory_space<vmem>>) semaphore(%arg14 : memref<!tpu.dma_semaphore, #tpu.memory_space<semaphore_mem>>) {add = true}
      %dma_wait3A_191 = arith.constant 1 : i32
      %dma_wait3A_192 = arith.constant 0 : i32
      %dma_wait3A_193 = arith.constant 0 : i32
      %dma_wait3A_194 = arith.constant 0 : i32
      %dma_wait3A_195 = tpu.memref_slice %arg8[%dma_wait3A_191, %dma_wait3A_193, %dma_wait3A_194] : memref<2x256x64xbf16, #tpu.memory_space<vmem>> -> memref<1x256x64xbf16, #tpu.memory_space<vmem>>
      %dma_wait3A_196 = tpu.memref_squeeze %dma_wait3A_195 : memref<1x256x64xbf16, #tpu.memory_space<vmem>> -> memref<256x64xbf16, #tpu.memory_space<vmem>>
      %dma_wait3A_197 = arith.constant 0 : i32
      %dma_wait3A_198 = tpu.memref_slice %arg7[%dma_wait3A_192, %dma_wait3A_197] : memref<80x256xi32, #tpu.memory_space<vmem>> -> memref<1x256xi32, #tpu.memory_space<vmem>>
      %dma_wait3A_199 = tpu.memref_squeeze %dma_wait3A_198 : memref<1x256xi32, #tpu.memory_space<vmem>> -> memref<256xi32, #tpu.memory_space<vmem>>
      %dma_wait3A_200 = arith.constant 0 : i32
      %dma_wait3A_201 = arith.constant 0 : i32
      %dma_wait3A_202 = tpu.memref_slice %arg10[%dma_wait3A_200, %dma_wait3A_201] : memref<10240x64xbf16, #tpu.memory_space<vmem_shared>> -> memref<10240x64xbf16, #tpu.memory_space<vmem_shared>>
      tpu.wait_indirect_dma semaphore(%arg14 : memref<!tpu.dma_semaphore, #tpu.memory_space<semaphore_mem>>) src(%dma_wait3A_196 : memref<256x64xbf16, #tpu.memory_space<vmem>>) dst(%dma_wait3A_202 : memref<10240x64xbf16, #tpu.memory_space<vmem_shared>>)
      %add3A_203 = arith.constant 2 : i32
      %add3A_204 = arith.addi %add3A_168, %add3A_203 : i32
      %dma_start3A_205 = arith.constant 1 : i32
      %dma_start3A_206 = arith.constant 0 : i32
      %dma_start3A_207 = arith.constant 0 : i32
      %dma_start3A_208 = tpu.memref_slice %arg8[%dma_start3A_205, %dma_start3A_206, %dma_start3A_207] : memref<2x256x64xbf16, #tpu.memory_space<vmem>> -> memref<1x256x64xbf16, #tpu.memory_space<vmem>>
      %dma_start3A_209 = tpu.memref_squeeze %dma_start3A_208 : memref<1x256x64xbf16, #tpu.memory_space<vmem>> -> memref<256x64xbf16, #tpu.memory_space<vmem>>
      %dma_start3A_210 = arith.constant 0 : i32
      %dma_start3A_211 = tpu.memref_slice %arg6[%add3A_204, %dma_start3A_210] : memref<80x256xi32, #tpu.memory_space<vmem>> -> memref<1x256xi32, #tpu.memory_space<vmem>>
      %dma_start3A_212 = tpu.memref_squeeze %dma_start3A_211 : memref<1x256xi32, #tpu.memory_space<vmem>> -> memref<256xi32, #tpu.memory_space<vmem>>
      %dma_start3A_213 = arith.constant 0 : i32
      %dma_start3A_214 = arith.constant 0 : i32
      %dma_start3A_215 = tpu.memref_slice %arg2[%dma_start3A_213, %dma_start3A_214] : memref<20000x64xbf16, #tpu.memory_space<hbm>> -> memref<20000x64xbf16, #tpu.memory_space<hbm>>
      tpu.enqueue_indirect_dma source(%dma_start3A_215 : memref<20000x64xbf16, #tpu.memory_space<hbm>>) target(%dma_start3A_209 : memref<256x64xbf16, #tpu.memory_space<vmem>>) offsets(%dma_start3A_212 : memref<256xi32, #tpu.memory_space<vmem>>) semaphore(%arg12 : memref<!tpu.dma_semaphore, #tpu.memory_space<semaphore_mem>>)
    }
    %scan3A_39 = arith.constant 39 : i32
    %dma_wait3A = arith.constant 78 : i32
    %dma_wait3A_40 = arith.constant 0 : i32
    %dma_wait3A_41 = arith.constant 0 : i32
    %dma_wait3A_42 = arith.constant 0 : i32
    %dma_wait3A_43 = tpu.memref_slice %arg8[%dma_wait3A_40, %dma_wait3A_41, %dma_wait3A_42] : memref<2x256x64xbf16, #tpu.memory_space<vmem>> -> memref<1x256x64xbf16, #tpu.memory_space<vmem>>
    %dma_wait3A_44 = tpu.memref_squeeze %dma_wait3A_43 : memref<1x256x64xbf16, #tpu.memory_space<vmem>> -> memref<256x64xbf16, #tpu.memory_space<vmem>>
    %dma_wait3A_45 = arith.constant 0 : i32
    %dma_wait3A_46 = tpu.memref_slice %arg6[%dma_wait3A, %dma_wait3A_45] : memref<80x256xi32, #tpu.memory_space<vmem>> -> memref<1x256xi32, #tpu.memory_space<vmem>>
    %dma_wait3A_47 = tpu.memref_squeeze %dma_wait3A_46 : memref<1x256xi32, #tpu.memory_space<vmem>> -> memref<256xi32, #tpu.memory_space<vmem>>
    %dma_wait3A_48 = arith.constant 0 : i32
    %dma_wait3A_49 = arith.constant 0 : i32
    %dma_wait3A_50 = tpu.memref_slice %arg2[%dma_wait3A_48, %dma_wait3A_49] : memref<20000x64xbf16, #tpu.memory_space<hbm>> -> memref<20000x64xbf16, #tpu.memory_space<hbm>>
    tpu.wait_indirect_dma semaphore(%arg11 : memref<!tpu.dma_semaphore, #tpu.memory_space<semaphore_mem>>) src(%dma_wait3A_50 : memref<20000x64xbf16, #tpu.memory_space<hbm>>) dst(%dma_wait3A_44 : memref<256x64xbf16, #tpu.memory_space<vmem>>)
    %dma_start3A_51 = arith.constant 0 : i32
    %dma_start3A_52 = arith.constant 78 : i32
    %dma_start3A_53 = arith.constant 0 : i32
    %dma_start3A_54 = arith.constant 0 : i32
    %dma_start3A_55 = tpu.memref_slice %arg8[%dma_start3A_51, %dma_start3A_53, %dma_start3A_54] : memref<2x256x64xbf16, #tpu.memory_space<vmem>> -> memref<1x256x64xbf16, #tpu.memory_space<vmem>>
    %dma_start3A_56 = tpu.memref_squeeze %dma_start3A_55 : memref<1x256x64xbf16, #tpu.memory_space<vmem>> -> memref<256x64xbf16, #tpu.memory_space<vmem>>
    %dma_start3A_57 = arith.constant 0 : i32
    %dma_start3A_58 = tpu.memref_slice %arg7[%dma_start3A_52, %dma_start3A_57] : memref<80x256xi32, #tpu.memory_space<vmem>> -> memref<1x256xi32, #tpu.memory_space<vmem>>
    %dma_start3A_59 = tpu.memref_squeeze %dma_start3A_58 : memref<1x256xi32, #tpu.memory_space<vmem>> -> memref<256xi32, #tpu.memory_space<vmem>>
    %dma_start3A_60 = arith.constant 0 : i32
    %dma_start3A_61 = arith.constant 0 : i32
    %dma_start3A_62 = tpu.memref_slice %arg10[%dma_start3A_60, %dma_start3A_61] : memref<10240x64xbf16, #tpu.memory_space<vmem_shared>> -> memref<10240x64xbf16, #tpu.memory_space<vmem_shared>>
    tpu.enqueue_indirect_dma source(%dma_start3A_56 : memref<256x64xbf16, #tpu.memory_space<vmem>>) target(%dma_start3A_62 : memref<10240x64xbf16, #tpu.memory_space<vmem_shared>>) offsets(%dma_start3A_59 : memref<256xi32, #tpu.memory_space<vmem>>) semaphore(%arg13 : memref<!tpu.dma_semaphore, #tpu.memory_space<semaphore_mem>>) {add = true}
    %dma_wait3A_63 = arith.constant 79 : i32
    %dma_wait3A_64 = arith.constant 1 : i32
    %dma_wait3A_65 = arith.constant 0 : i32
    %dma_wait3A_66 = arith.constant 0 : i32
    %dma_wait3A_67 = tpu.memref_slice %arg8[%dma_wait3A_64, %dma_wait3A_65, %dma_wait3A_66] : memref<2x256x64xbf16, #tpu.memory_space<vmem>> -> memref<1x256x64xbf16, #tpu.memory_space<vmem>>
    %dma_wait3A_68 = tpu.memref_squeeze %dma_wait3A_67 : memref<1x256x64xbf16, #tpu.memory_space<vmem>> -> memref<256x64xbf16, #tpu.memory_space<vmem>>
    %dma_wait3A_69 = arith.constant 0 : i32
    %dma_wait3A_70 = tpu.memref_slice %arg6[%dma_wait3A_63, %dma_wait3A_69] : memref<80x256xi32, #tpu.memory_space<vmem>> -> memref<1x256xi32, #tpu.memory_space<vmem>>
    %dma_wait3A_71 = tpu.memref_squeeze %dma_wait3A_70 : memref<1x256xi32, #tpu.memory_space<vmem>> -> memref<256xi32, #tpu.memory_space<vmem>>
    %dma_wait3A_72 = arith.constant 0 : i32
    %dma_wait3A_73 = arith.constant 0 : i32
    %dma_wait3A_74 = tpu.memref_slice %arg2[%dma_wait3A_72, %dma_wait3A_73] : memref<20000x64xbf16, #tpu.memory_space<hbm>> -> memref<20000x64xbf16, #tpu.memory_space<hbm>>
    tpu.wait_indirect_dma semaphore(%arg12 : memref<!tpu.dma_semaphore, #tpu.memory_space<semaphore_mem>>) src(%dma_wait3A_74 : memref<20000x64xbf16, #tpu.memory_space<hbm>>) dst(%dma_wait3A_68 : memref<256x64xbf16, #tpu.memory_space<vmem>>)
    %dma_start3A_75 = arith.constant 1 : i32
    %dma_start3A_76 = arith.constant 79 : i32
    %dma_start3A_77 = arith.constant 0 : i32
    %dma_start3A_78 = arith.constant 0 : i32
    %dma_start3A_79 = tpu.memref_slice %arg8[%dma_start3A_75, %dma_start3A_77, %dma_start3A_78] : memref<2x256x64xbf16, #tpu.memory_space<vmem>> -> memref<1x256x64xbf16, #tpu.memory_space<vmem>>
    %dma_start3A_80 = tpu.memref_squeeze %dma_start3A_79 : memref<1x256x64xbf16, #tpu.memory_space<vmem>> -> memref<256x64xbf16, #tpu.memory_space<vmem>>
    %dma_start3A_81 = arith.constant 0 : i32
    %dma_start3A_82 = tpu.memref_slice %arg7[%dma_start3A_76, %dma_start3A_81] : memref<80x256xi32, #tpu.memory_space<vmem>> -> memref<1x256xi32, #tpu.memory_space<vmem>>
    %dma_start3A_83 = tpu.memref_squeeze %dma_start3A_82 : memref<1x256xi32, #tpu.memory_space<vmem>> -> memref<256xi32, #tpu.memory_space<vmem>>
    %dma_start3A_84 = arith.constant 0 : i32
    %dma_start3A_85 = arith.constant 0 : i32
    %dma_start3A_86 = tpu.memref_slice %arg10[%dma_start3A_84, %dma_start3A_85] : memref<10240x64xbf16, #tpu.memory_space<vmem_shared>> -> memref<10240x64xbf16, #tpu.memory_space<vmem_shared>>
    tpu.enqueue_indirect_dma source(%dma_start3A_80 : memref<256x64xbf16, #tpu.memory_space<vmem>>) target(%dma_start3A_86 : memref<10240x64xbf16, #tpu.memory_space<vmem_shared>>) offsets(%dma_start3A_83 : memref<256xi32, #tpu.memory_space<vmem>>) semaphore(%arg14 : memref<!tpu.dma_semaphore, #tpu.memory_space<semaphore_mem>>) {add = true}
    %dma_wait3A_87 = arith.constant 0 : i32
    %dma_wait3A_88 = arith.constant 0 : i32
    %dma_wait3A_89 = arith.constant 0 : i32
    %dma_wait3A_90 = arith.constant 0 : i32
    %dma_wait3A_91 = tpu.memref_slice %arg8[%dma_wait3A_87, %dma_wait3A_89, %dma_wait3A_90] : memref<2x256x64xbf16, #tpu.memory_space<vmem>> -> memref<1x256x64xbf16, #tpu.memory_space<vmem>>
    %dma_wait3A_92 = tpu.memref_squeeze %dma_wait3A_91 : memref<1x256x64xbf16, #tpu.memory_space<vmem>> -> memref<256x64xbf16, #tpu.memory_space<vmem>>
    %dma_wait3A_93 = arith.constant 0 : i32
    %dma_wait3A_94 = tpu.memref_slice %arg7[%dma_wait3A_88, %dma_wait3A_93] : memref<80x256xi32, #tpu.memory_space<vmem>> -> memref<1x256xi32, #tpu.memory_space<vmem>>
    %dma_wait3A_95 = tpu.memref_squeeze %dma_wait3A_94 : memref<1x256xi32, #tpu.memory_space<vmem>> -> memref<256xi32, #tpu.memory_space<vmem>>
    %dma_wait3A_96 = arith.constant 0 : i32
    %dma_wait3A_97 = arith.constant 0 : i32
    %dma_wait3A_98 = tpu.memref_slice %arg10[%dma_wait3A_96, %dma_wait3A_97] : memref<10240x64xbf16, #tpu.memory_space<vmem_shared>> -> memref<10240x64xbf16, #tpu.memory_space<vmem_shared>>
    tpu.wait_indirect_dma semaphore(%arg13 : memref<!tpu.dma_semaphore, #tpu.memory_space<semaphore_mem>>) src(%dma_wait3A_92 : memref<256x64xbf16, #tpu.memory_space<vmem>>) dst(%dma_wait3A_98 : memref<10240x64xbf16, #tpu.memory_space<vmem_shared>>)
    %dma_wait3A_99 = arith.constant 1 : i32
    %dma_wait3A_100 = arith.constant 0 : i32
    %dma_wait3A_101 = arith.constant 0 : i32
    %dma_wait3A_102 = arith.constant 0 : i32
    %dma_wait3A_103 = tpu.memref_slice %arg8[%dma_wait3A_99, %dma_wait3A_101, %dma_wait3A_102] : memref<2x256x64xbf16, #tpu.memory_space<vmem>> -> memref<1x256x64xbf16, #tpu.memory_space<vmem>>
    %dma_wait3A_104 = tpu.memref_squeeze %dma_wait3A_103 : memref<1x256x64xbf16, #tpu.memory_space<vmem>> -> memref<256x64xbf16, #tpu.memory_space<vmem>>
    %dma_wait3A_105 = arith.constant 0 : i32
    %dma_wait3A_106 = tpu.memref_slice %arg7[%dma_wait3A_100, %dma_wait3A_105] : memref<80x256xi32, #tpu.memory_space<vmem>> -> memref<1x256xi32, #tpu.memory_space<vmem>>
    %dma_wait3A_107 = tpu.memref_squeeze %dma_wait3A_106 : memref<1x256xi32, #tpu.memory_space<vmem>> -> memref<256xi32, #tpu.memory_space<vmem>>
    %dma_wait3A_108 = arith.constant 0 : i32
    %dma_wait3A_109 = arith.constant 0 : i32
    %dma_wait3A_110 = tpu.memref_slice %arg10[%dma_wait3A_108, %dma_wait3A_109] : memref<10240x64xbf16, #tpu.memory_space<vmem_shared>> -> memref<10240x64xbf16, #tpu.memory_space<vmem_shared>>
    tpu.wait_indirect_dma semaphore(%arg14 : memref<!tpu.dma_semaphore, #tpu.memory_space<semaphore_mem>>) src(%dma_wait3A_104 : memref<256x64xbf16, #tpu.memory_space<vmem>>) dst(%dma_wait3A_110 : memref<10240x64xbf16, #tpu.memory_space<vmem_shared>>)
    %barrier3A_111 = arith.constant 0 : index
    tpu.barrier barrier_id(%barrier3A_111)
    "tpu.region"() ({
      %run_scoped3A = tpu.sem_alloc : memref<!tpu.dma_semaphore, #tpu.memory_space<semaphore_mem>>
      %dma_start3A_112 = arith.constant 0 : i32
      %dma_start3A_113 = tpu.memref_slice %arg5[%arg0, %mul3A_0, %dma_start3A_112] : memref<2x10240x64xbf16, #tpu.memory_space<hbm>> -> memref<1x640x64xbf16, #tpu.memory_space<hbm>>
      %dma_start3A_114 = tpu.memref_squeeze %dma_start3A_113 : memref<1x640x64xbf16, #tpu.memory_space<hbm>> -> memref<640x64xbf16, #tpu.memory_space<hbm>>
      %dma_start3A_115 = arith.constant 0 : i32
      %dma_start3A_116 = tpu.memref_slice %arg10[%mul3A_0, %dma_start3A_115] : memref<10240x64xbf16, #tpu.memory_space<vmem_shared>> -> memref<640x64xbf16, #tpu.memory_space<vmem_shared>>
      tpu.enqueue_dma source(%dma_start3A_116 : memref<640x64xbf16, #tpu.memory_space<vmem_shared>>) target(%dma_start3A_114 : memref<640x64xbf16, #tpu.memory_space<hbm>>) target_semaphore(%run_scoped3A : memref<!tpu.dma_semaphore, #tpu.memory_space<semaphore_mem>>)
      %dma_wait3A_117 = arith.constant 0 : i32
      %dma_wait3A_118 = tpu.memref_slice %arg5[%arg0, %mul3A_0, %dma_wait3A_117] : memref<2x10240x64xbf16, #tpu.memory_space<hbm>> -> memref<1x640x64xbf16, #tpu.memory_space<hbm>>
      %dma_wait3A_119 = tpu.memref_squeeze %dma_wait3A_118 : memref<1x640x64xbf16, #tpu.memory_space<hbm>> -> memref<640x64xbf16, #tpu.memory_space<hbm>>
      %dma_wait3A_120 = arith.constant 0 : i32
      %dma_wait3A_121 = tpu.memref_slice %arg10[%mul3A_0, %dma_wait3A_120] : memref<10240x64xbf16, #tpu.memory_space<vmem_shared>> -> memref<640x64xbf16, #tpu.memory_space<vmem_shared>>
      tpu.wait_dma2 semaphore(%run_scoped3A : memref<!tpu.dma_semaphore, #tpu.memory_space<semaphore_mem>>) src(%dma_wait3A_121 : memref<640x64xbf16, #tpu.memory_space<vmem_shared>>) dst(%dma_wait3A_119 : memref<640x64xbf16, #tpu.memory_space<hbm>>)
      tpu.yield
    }) : () -> ()
    return
  }
}

module attributes {stable_mosaic.version = 14 : i64} {
  func.func @body(%arg0: i32, %arg1: memref<1000x128xf32, #tpu.memory_space<vmem>>, %arg2: memref<128x256xf32, #tpu.memory_space<vmem>>, %arg3: memref<1x128xf32, #tpu.memory_space<vmem>>, %arg4: memref<1000x128xf32, #tpu.memory_space<vmem>>, %arg5: memref<2x1000x64xbf16, #tpu.memory_space<vmem>>) attributes {dimension_semantics = [#tpu.dimension_semantics<arbitrary>], iteration_bounds = array<i64: 10>, scalar_prefetch = 0 : i64, scratch_operands = 0 : i64, tpu.core_type = #tpu.core_type<tc>, window_params = [{transform_indices = @transform_0, window_bounds = array<i64: 1000, 128>}, {pipeline_mode = #tpu.pipeline_mode<synchronous>, transform_indices = @transform_1, window_bounds = array<i64: 128, 256>}, {pipeline_mode = #tpu.pipeline_mode<synchronous>, transform_indices = @transform_2, window_bounds = array<i64: 1, 128>}, {transform_indices = @transform_3, window_bounds = array<i64: 1000, 128>}, {transform_indices = @transform_4, window_bounds = array<i64: 2, 1000, 64>}]} {
    %get3A = arith.constant 0 : index
    %get3A_0 = arith.constant 0 : index
    %get3A_1 = vector.load %arg1[%get3A, %get3A_0] : memref<1000x128xf32, #tpu.memory_space<vmem>>, vector<1000x128xf32>
    %get3A_2 = arith.constant 0 : index
    %get3A_3 = arith.constant 0 : index
    %get3A_4 = vector.load %arg2[%get3A_2, %get3A_3] : memref<128x256xf32, #tpu.memory_space<vmem>>, vector<128x256xf32>
    %dot_general3A = arith.constant dense<0.000000e+00> : vector<1000x256xf32>
    %dot_general3A_5 = tpu.matmul %get3A_1, %get3A_4, %dot_general3A {dimension_numbers = #tpu.dot_dimension_numbers<[1], [0], [0], [1], [0, 0, 1, 1], [], []>, transpose_lhs_hint = false} : vector<1000x128xf32>, vector<128x256xf32>, vector<1000x256xf32> -> vector<1000x256xf32>
    %slice3A = vector.extract_strided_slice %dot_general3A_5 {offsets = [0, 0], sizes = [1000, 128], strides = [1, 1]} : vector<1000x256xf32> to vector<1000x128xf32>
    %get3A_6 = arith.constant 0 : index
    %get3A_7 = arith.constant 0 : index
    %get3A_8 = vector.load %arg3[%get3A_6, %get3A_7] : memref<1x128xf32, #tpu.memory_space<vmem>>, vector<1x128xf32>
    %add3A = vector.broadcast %get3A_8 : vector<1x128xf32> to vector<1000x128xf32>
    %add3A_9 = arith.addf %slice3A, %add3A : vector<1000x128xf32>
    %swap3A = arith.constant 0 : index
    %swap3A_10 = arith.constant 0 : index
    %swap3A_11 = vector.load %arg4[%swap3A, %swap3A_10] : memref<1000x128xf32, #tpu.memory_space<vmem>>, vector<1000x128xf32>
    tpu.vector_store %arg4[%swap3A, %swap3A_10], %add3A_9 {strides = array<i32>} : memref<1000x128xf32, #tpu.memory_space<vmem>>, vector<1000x128xf32>,
    %slice3A_12 = vector.extract_strided_slice %dot_general3A_5 {offsets = [0, 128], sizes = [1000, 64], strides = [1, 1]} : vector<1000x256xf32> to vector<1000x64xf32>
    %convert_element_type3A = arith.truncf %slice3A_12 : vector<1000x64xf32> to vector<1000x64xbf16>
    %swap3A_13 = arith.constant 0 : index
    %swap3A_14 = arith.constant 0 : index
    %swap3A_15 = arith.constant 0 : index
    %swap3A_16 = vector.load %arg5[%swap3A_13, %swap3A_14, %swap3A_15] : memref<2x1000x64xbf16, #tpu.memory_space<vmem>>, vector<1x1000x64xbf16>
    %swap3A_17 = vector.shape_cast %swap3A_16 : vector<1x1000x64xbf16> to vector<1000x64xbf16>
    %swap3A_18 = vector.shape_cast %convert_element_type3A : vector<1000x64xbf16> to vector<1x1000x64xbf16>
    tpu.vector_store %arg5[%swap3A_13, %swap3A_14, %swap3A_15], %swap3A_18 {strides = array<i32>} : memref<2x1000x64xbf16, #tpu.memory_space<vmem>>, vector<1x1000x64xbf16>,
    %slice3A_19 = vector.extract_strided_slice %dot_general3A_5 {offsets = [0, 192], sizes = [1000, 64], strides = [1, 1]} : vector<1000x256xf32> to vector<1000x64xf32>
    %convert_element_type3A_20 = arith.truncf %slice3A_19 : vector<1000x64xf32> to vector<1000x64xbf16>
    %swap3A_21 = arith.constant 1 : index
    %swap3A_22 = arith.constant 0 : index
    %swap3A_23 = arith.constant 0 : index
    %swap3A_24 = vector.load %arg5[%swap3A_21, %swap3A_22, %swap3A_23] : memref<2x1000x64xbf16, #tpu.memory_space<vmem>>, vector<1x1000x64xbf16>
    %swap3A_25 = vector.shape_cast %swap3A_24 : vector<1x1000x64xbf16> to vector<1000x64xbf16>
    %swap3A_26 = vector.shape_cast %convert_element_type3A_20 : vector<1000x64xbf16> to vector<1x1000x64xbf16>
    tpu.vector_store %arg5[%swap3A_21, %swap3A_22, %swap3A_23], %swap3A_26 {strides = array<i32>} : memref<2x1000x64xbf16, #tpu.memory_space<vmem>>, vector<1x1000x64xbf16>,
    return
  }
  func.func @transform_0(%arg0: i32) -> (i32, i32) {
    %c0_i32 = arith.constant 0 : i32
    %c0_i32_0 = arith.constant 0 : i32
    return %arg0, %c0_i32 : i32, i32
  }
  func.func @transform_1(%arg0: i32) -> (i32, i32) {
    %c0_i32 = arith.constant 0 : i32
    %c0_i32_0 = arith.constant 0 : i32
    %c0_i32_1 = arith.constant 0 : i32
    return %c0_i32, %c0_i32_0 : i32, i32
  }
  func.func @transform_2(%arg0: i32) -> (i32, i32) {
    %c0_i32 = arith.constant 0 : i32
    %c0_i32_0 = arith.constant 0 : i32
    %c0_i32_1 = arith.constant 0 : i32
    return %c0_i32, %c0_i32_0 : i32, i32
  }
  func.func @transform_3(%arg0: i32) -> (i32, i32) {
    %c0_i32 = arith.constant 0 : i32
    %c0_i32_0 = arith.constant 0 : i32
    return %arg0, %c0_i32 : i32, i32
  }
  func.func @transform_4(%arg0: i32) -> (i32, i32, i32) {
    %c0_i32 = arith.constant 0 : i32
    %c0_i32_0 = arith.constant 0 : i32
    %c0_i32_1 = arith.constant 0 : i32
    return %c0_i32, %arg0, %c0_i32_0 : i32, i32, i32
  }
}

module attributes {stable_mosaic.version = 14 : i64} {
  func.func @body(%arg0: i32, %arg1: memref<1000x128xf32, #tpu.memory_space<vmem>>, %arg2: memref<2x1000x64xbf16, #tpu.memory_space<vmem>>, %arg3: memref<1000x1xf32, #tpu.memory_space<vmem>>, %arg4: memref<128x256xf32, #tpu.memory_space<vmem>>, %arg5: memref<1x128xf32, #tpu.memory_space<vmem>>, %arg6: memref<1000x128xf32, #tpu.memory_space<vmem>>, %arg7: memref<2x1000x64xbf16, #tpu.memory_space<vmem>>) attributes {dimension_semantics = [#tpu.dimension_semantics<arbitrary>], iteration_bounds = array<i64: 10>, scalar_prefetch = 0 : i64, scratch_operands = 0 : i64, tpu.core_type = #tpu.core_type<tc>, window_params = [{transform_indices = @transform_0, window_bounds = array<i64: 1000, 128>}, {transform_indices = @transform_1, window_bounds = array<i64: 2, 1000, 64>}, {transform_indices = @transform_2, window_bounds = array<i64: 1000, 1>}, {pipeline_mode = #tpu.pipeline_mode<synchronous>, transform_indices = @transform_3, window_bounds = array<i64: 128, 256>}, {pipeline_mode = #tpu.pipeline_mode<synchronous>, transform_indices = @transform_4, window_bounds = array<i64: 1, 128>}, {transform_indices = @transform_5, window_bounds = array<i64: 1000, 128>}, {transform_indices = @transform_6, window_bounds = array<i64: 2, 1000, 64>}]} {
    %get3A = arith.constant 0 : index
    %get3A_0 = arith.constant 0 : index
    %get3A_1 = arith.constant 0 : index
    %get3A_2 = vector.load %arg2[%get3A, %get3A_0, %get3A_1] : memref<2x1000x64xbf16, #tpu.memory_space<vmem>>, vector<1x1000x64xbf16>
    %get3A_3 = vector.shape_cast %get3A_2 : vector<1x1000x64xbf16> to vector<1000x64xbf16>
    %get3A_4 = arith.constant 1 : index
    %get3A_5 = arith.constant 0 : index
    %get3A_6 = arith.constant 0 : index
    %get3A_7 = vector.load %arg2[%get3A_4, %get3A_5, %get3A_6] : memref<2x1000x64xbf16, #tpu.memory_space<vmem>>, vector<1x1000x64xbf16>
    %get3A_8 = vector.shape_cast %get3A_7 : vector<1x1000x64xbf16> to vector<1000x64xbf16>
    %concatenate3A = tpu.concatenate %get3A_3, %get3A_8 in 1 : vector<1000x64xbf16>, vector<1000x64xbf16> -> vector<1000x128xbf16>
    %convert_element_type3A = arith.extf %concatenate3A : vector<1000x128xbf16> to vector<1000x128xf32>
    %get3A_9 = arith.constant 0 : index
    %get3A_10 = arith.constant 0 : index
    %get3A_11 = vector.load %arg3[%get3A_9, %get3A_10] : memref<1000x1xf32, #tpu.memory_space<vmem>>, vector<1000x1xf32>
    %max3A = arith.constant 1.000000e+00 : f32
    %max3A_12 = vector.broadcast %max3A : f32 to vector<1000x1xf32>
    %max3A_13 = arith.maximumf %get3A_11, %max3A_12 : vector<1000x1xf32>
    %div3A = arith.constant 1.000000e+00 : f32
    %div3A_14 = vector.broadcast %div3A : f32 to vector<1000x1xf32>
    %div3A_15 = arith.divf %div3A_14, %max3A_13 : vector<1000x1xf32>
    %get3A_16 = arith.constant 0 : index
    %get3A_17 = arith.constant 0 : index
    %get3A_18 = vector.load %arg1[%get3A_16, %get3A_17] : memref<1000x128xf32, #tpu.memory_space<vmem>>, vector<1000x128xf32>
    %mul3A = vector.broadcast %div3A_15 : vector<1000x1xf32> to vector<1000x128xf32>
    %mul3A_19 = arith.mulf %convert_element_type3A, %mul3A : vector<1000x128xf32>
    %add3A = arith.addf %get3A_18, %mul3A_19 : vector<1000x128xf32>
    %max3A_20 = arith.constant 0.000000e+00 : f32
    %max3A_21 = vector.broadcast %max3A_20 : f32 to vector<1000x128xf32>
    %max3A_22 = arith.maximumf %add3A, %max3A_21 : vector<1000x128xf32>
    %get3A_23 = arith.constant 0 : index
    %get3A_24 = arith.constant 0 : index
    %get3A_25 = vector.load %arg4[%get3A_23, %get3A_24] : memref<128x256xf32, #tpu.memory_space<vmem>>, vector<128x256xf32>
    %dot_general3A = arith.constant dense<0.000000e+00> : vector<1000x256xf32>
    %dot_general3A_26 = tpu.matmul %max3A_22, %get3A_25, %dot_general3A {dimension_numbers = #tpu.dot_dimension_numbers<[1], [0], [0], [1], [0, 0, 1, 1], [], []>, transpose_lhs_hint = false} : vector<1000x128xf32>, vector<128x256xf32>, vector<1000x256xf32> -> vector<1000x256xf32>
    %slice3A = vector.extract_strided_slice %dot_general3A_26 {offsets = [0, 0], sizes = [1000, 128], strides = [1, 1]} : vector<1000x256xf32> to vector<1000x128xf32>
    %get3A_27 = arith.constant 0 : index
    %get3A_28 = arith.constant 0 : index
    %get3A_29 = vector.load %arg5[%get3A_27, %get3A_28] : memref<1x128xf32, #tpu.memory_space<vmem>>, vector<1x128xf32>
    %add3A_30 = vector.broadcast %get3A_29 : vector<1x128xf32> to vector<1000x128xf32>
    %add3A_31 = arith.addf %slice3A, %add3A_30 : vector<1000x128xf32>
    %swap3A = arith.constant 0 : index
    %swap3A_32 = arith.constant 0 : index
    %swap3A_33 = vector.load %arg6[%swap3A, %swap3A_32] : memref<1000x128xf32, #tpu.memory_space<vmem>>, vector<1000x128xf32>
    tpu.vector_store %arg6[%swap3A, %swap3A_32], %add3A_31 {strides = array<i32>} : memref<1000x128xf32, #tpu.memory_space<vmem>>, vector<1000x128xf32>,
    %slice3A_34 = vector.extract_strided_slice %dot_general3A_26 {offsets = [0, 128], sizes = [1000, 64], strides = [1, 1]} : vector<1000x256xf32> to vector<1000x64xf32>
    %convert_element_type3A_35 = arith.truncf %slice3A_34 : vector<1000x64xf32> to vector<1000x64xbf16>
    %swap3A_36 = arith.constant 0 : index
    %swap3A_37 = arith.constant 0 : index
    %swap3A_38 = arith.constant 0 : index
    %swap3A_39 = vector.load %arg7[%swap3A_36, %swap3A_37, %swap3A_38] : memref<2x1000x64xbf16, #tpu.memory_space<vmem>>, vector<1x1000x64xbf16>
    %swap3A_40 = vector.shape_cast %swap3A_39 : vector<1x1000x64xbf16> to vector<1000x64xbf16>
    %swap3A_41 = vector.shape_cast %convert_element_type3A_35 : vector<1000x64xbf16> to vector<1x1000x64xbf16>
    tpu.vector_store %arg7[%swap3A_36, %swap3A_37, %swap3A_38], %swap3A_41 {strides = array<i32>} : memref<2x1000x64xbf16, #tpu.memory_space<vmem>>, vector<1x1000x64xbf16>,
    %slice3A_42 = vector.extract_strided_slice %dot_general3A_26 {offsets = [0, 192], sizes = [1000, 64], strides = [1, 1]} : vector<1000x256xf32> to vector<1000x64xf32>
    %convert_element_type3A_43 = arith.truncf %slice3A_42 : vector<1000x64xf32> to vector<1000x64xbf16>
    %swap3A_44 = arith.constant 1 : index
    %swap3A_45 = arith.constant 0 : index
    %swap3A_46 = arith.constant 0 : index
    %swap3A_47 = vector.load %arg7[%swap3A_44, %swap3A_45, %swap3A_46] : memref<2x1000x64xbf16, #tpu.memory_space<vmem>>, vector<1x1000x64xbf16>
    %swap3A_48 = vector.shape_cast %swap3A_47 : vector<1x1000x64xbf16> to vector<1000x64xbf16>
    %swap3A_49 = vector.shape_cast %convert_element_type3A_43 : vector<1000x64xbf16> to vector<1x1000x64xbf16>
    tpu.vector_store %arg7[%swap3A_44, %swap3A_45, %swap3A_46], %swap3A_49 {strides = array<i32>} : memref<2x1000x64xbf16, #tpu.memory_space<vmem>>, vector<1x1000x64xbf16>,
    return
  }
  func.func @transform_0(%arg0: i32) -> (i32, i32) {
    %c0_i32 = arith.constant 0 : i32
    %c0_i32_0 = arith.constant 0 : i32
    return %arg0, %c0_i32 : i32, i32
  }
  func.func @transform_1(%arg0: i32) -> (i32, i32, i32) {
    %c0_i32 = arith.constant 0 : i32
    %c0_i32_0 = arith.constant 0 : i32
    %c0_i32_1 = arith.constant 0 : i32
    return %c0_i32, %arg0, %c0_i32_0 : i32, i32, i32
  }
  func.func @transform_2(%arg0: i32) -> (i32, i32) {
    %c0_i32 = arith.constant 0 : i32
    %c0_i32_0 = arith.constant 0 : i32
    return %arg0, %c0_i32 : i32, i32
  }
  func.func @transform_3(%arg0: i32) -> (i32, i32) {
    %c0_i32 = arith.constant 0 : i32
    %c0_i32_0 = arith.constant 0 : i32
    %c0_i32_1 = arith.constant 0 : i32
    return %c0_i32, %c0_i32_0 : i32, i32
  }
  func.func @transform_4(%arg0: i32) -> (i32, i32) {
    %c0_i32 = arith.constant 0 : i32
    %c0_i32_0 = arith.constant 0 : i32
    %c0_i32_1 = arith.constant 0 : i32
    return %c0_i32, %c0_i32_0 : i32, i32
  }
  func.func @transform_5(%arg0: i32) -> (i32, i32) {
    %c0_i32 = arith.constant 0 : i32
    %c0_i32_0 = arith.constant 0 : i32
    return %arg0, %c0_i32 : i32, i32
  }
  func.func @transform_6(%arg0: i32) -> (i32, i32, i32) {
    %c0_i32 = arith.constant 0 : i32
    %c0_i32_0 = arith.constant 0 : i32
    %c0_i32_1 = arith.constant 0 : i32
    return %c0_i32, %arg0, %c0_i32_0 : i32, i32, i32
  }
}

module attributes {stable_mosaic.version = 14 : i64} {
  func.func @body(%arg0: i32, %arg1: memref<1000x128xf32, #tpu.memory_space<vmem>>, %arg2: memref<2x1000x64xbf16, #tpu.memory_space<vmem>>, %arg3: memref<1000x1xf32, #tpu.memory_space<vmem>>, %arg4: memref<128x128xf32, #tpu.memory_space<vmem>>, %arg5: memref<1x64xf32, #tpu.memory_space<vmem>>, %arg6: memref<1000x64xf32, #tpu.memory_space<vmem>>, %arg7: memref<2x1000x32xbf16, #tpu.memory_space<vmem>>) attributes {dimension_semantics = [#tpu.dimension_semantics<arbitrary>], iteration_bounds = array<i64: 10>, scalar_prefetch = 0 : i64, scratch_operands = 0 : i64, tpu.core_type = #tpu.core_type<tc>, window_params = [{transform_indices = @transform_0, window_bounds = array<i64: 1000, 128>}, {transform_indices = @transform_1, window_bounds = array<i64: 2, 1000, 64>}, {transform_indices = @transform_2, window_bounds = array<i64: 1000, 1>}, {pipeline_mode = #tpu.pipeline_mode<synchronous>, transform_indices = @transform_3, window_bounds = array<i64: 128, 128>}, {pipeline_mode = #tpu.pipeline_mode<synchronous>, transform_indices = @transform_4, window_bounds = array<i64: 1, 64>}, {transform_indices = @transform_5, window_bounds = array<i64: 1000, 64>}, {transform_indices = @transform_6, window_bounds = array<i64: 2, 1000, 32>}]} {
    %get3A = arith.constant 0 : index
    %get3A_0 = arith.constant 0 : index
    %get3A_1 = arith.constant 0 : index
    %get3A_2 = vector.load %arg2[%get3A, %get3A_0, %get3A_1] : memref<2x1000x64xbf16, #tpu.memory_space<vmem>>, vector<1x1000x64xbf16>
    %get3A_3 = vector.shape_cast %get3A_2 : vector<1x1000x64xbf16> to vector<1000x64xbf16>
    %get3A_4 = arith.constant 1 : index
    %get3A_5 = arith.constant 0 : index
    %get3A_6 = arith.constant 0 : index
    %get3A_7 = vector.load %arg2[%get3A_4, %get3A_5, %get3A_6] : memref<2x1000x64xbf16, #tpu.memory_space<vmem>>, vector<1x1000x64xbf16>
    %get3A_8 = vector.shape_cast %get3A_7 : vector<1x1000x64xbf16> to vector<1000x64xbf16>
    %concatenate3A = tpu.concatenate %get3A_3, %get3A_8 in 1 : vector<1000x64xbf16>, vector<1000x64xbf16> -> vector<1000x128xbf16>
    %convert_element_type3A = arith.extf %concatenate3A : vector<1000x128xbf16> to vector<1000x128xf32>
    %get3A_9 = arith.constant 0 : index
    %get3A_10 = arith.constant 0 : index
    %get3A_11 = vector.load %arg3[%get3A_9, %get3A_10] : memref<1000x1xf32, #tpu.memory_space<vmem>>, vector<1000x1xf32>
    %max3A = arith.constant 1.000000e+00 : f32
    %max3A_12 = vector.broadcast %max3A : f32 to vector<1000x1xf32>
    %max3A_13 = arith.maximumf %get3A_11, %max3A_12 : vector<1000x1xf32>
    %div3A = arith.constant 1.000000e+00 : f32
    %div3A_14 = vector.broadcast %div3A : f32 to vector<1000x1xf32>
    %div3A_15 = arith.divf %div3A_14, %max3A_13 : vector<1000x1xf32>
    %get3A_16 = arith.constant 0 : index
    %get3A_17 = arith.constant 0 : index
    %get3A_18 = vector.load %arg1[%get3A_16, %get3A_17] : memref<1000x128xf32, #tpu.memory_space<vmem>>, vector<1000x128xf32>
    %mul3A = vector.broadcast %div3A_15 : vector<1000x1xf32> to vector<1000x128xf32>
    %mul3A_19 = arith.mulf %convert_element_type3A, %mul3A : vector<1000x128xf32>
    %add3A = arith.addf %get3A_18, %mul3A_19 : vector<1000x128xf32>
    %max3A_20 = arith.constant 0.000000e+00 : f32
    %max3A_21 = vector.broadcast %max3A_20 : f32 to vector<1000x128xf32>
    %max3A_22 = arith.maximumf %add3A, %max3A_21 : vector<1000x128xf32>
    %get3A_23 = arith.constant 0 : index
    %get3A_24 = arith.constant 0 : index
    %get3A_25 = vector.load %arg4[%get3A_23, %get3A_24] : memref<128x128xf32, #tpu.memory_space<vmem>>, vector<128x128xf32>
    %dot_general3A = arith.constant dense<0.000000e+00> : vector<1000x128xf32>
    %dot_general3A_26 = tpu.matmul %max3A_22, %get3A_25, %dot_general3A {dimension_numbers = #tpu.dot_dimension_numbers<[1], [0], [0], [1], [0, 0, 1, 1], [], []>, transpose_lhs_hint = false} : vector<1000x128xf32>, vector<128x128xf32>, vector<1000x128xf32> -> vector<1000x128xf32>
    %slice3A = vector.extract_strided_slice %dot_general3A_26 {offsets = [0, 0], sizes = [1000, 64], strides = [1, 1]} : vector<1000x128xf32> to vector<1000x64xf32>
    %get3A_27 = arith.constant 0 : index
    %get3A_28 = arith.constant 0 : index
    %get3A_29 = vector.load %arg5[%get3A_27, %get3A_28] : memref<1x64xf32, #tpu.memory_space<vmem>>, vector<1x64xf32>
    %add3A_30 = vector.broadcast %get3A_29 : vector<1x64xf32> to vector<1000x64xf32>
    %add3A_31 = arith.addf %slice3A, %add3A_30 : vector<1000x64xf32>
    %swap3A = arith.constant 0 : index
    %swap3A_32 = arith.constant 0 : index
    %swap3A_33 = vector.load %arg6[%swap3A, %swap3A_32] : memref<1000x64xf32, #tpu.memory_space<vmem>>, vector<1000x64xf32>
    tpu.vector_store %arg6[%swap3A, %swap3A_32], %add3A_31 {strides = array<i32>} : memref<1000x64xf32, #tpu.memory_space<vmem>>, vector<1000x64xf32>,
    %slice3A_34 = vector.extract_strided_slice %dot_general3A_26 {offsets = [0, 64], sizes = [1000, 32], strides = [1, 1]} : vector<1000x128xf32> to vector<1000x32xf32>
    %convert_element_type3A_35 = arith.truncf %slice3A_34 : vector<1000x32xf32> to vector<1000x32xbf16>
    %swap3A_36 = arith.constant 0 : index
    %swap3A_37 = arith.constant 0 : index
    %swap3A_38 = arith.constant 0 : index
    %swap3A_39 = vector.load %arg7[%swap3A_36, %swap3A_37, %swap3A_38] : memref<2x1000x32xbf16, #tpu.memory_space<vmem>>, vector<1x1000x32xbf16>
    %swap3A_40 = vector.shape_cast %swap3A_39 : vector<1x1000x32xbf16> to vector<1000x32xbf16>
    %swap3A_41 = vector.shape_cast %convert_element_type3A_35 : vector<1000x32xbf16> to vector<1x1000x32xbf16>
    tpu.vector_store %arg7[%swap3A_36, %swap3A_37, %swap3A_38], %swap3A_41 {strides = array<i32>} : memref<2x1000x32xbf16, #tpu.memory_space<vmem>>, vector<1x1000x32xbf16>,
    %slice3A_42 = vector.extract_strided_slice %dot_general3A_26 {offsets = [0, 96], sizes = [1000, 32], strides = [1, 1]} : vector<1000x128xf32> to vector<1000x32xf32>
    %convert_element_type3A_43 = arith.truncf %slice3A_42 : vector<1000x32xf32> to vector<1000x32xbf16>
    %swap3A_44 = arith.constant 1 : index
    %swap3A_45 = arith.constant 0 : index
    %swap3A_46 = arith.constant 0 : index
    %swap3A_47 = vector.load %arg7[%swap3A_44, %swap3A_45, %swap3A_46] : memref<2x1000x32xbf16, #tpu.memory_space<vmem>>, vector<1x1000x32xbf16>
    %swap3A_48 = vector.shape_cast %swap3A_47 : vector<1x1000x32xbf16> to vector<1000x32xbf16>
    %swap3A_49 = vector.shape_cast %convert_element_type3A_43 : vector<1000x32xbf16> to vector<1x1000x32xbf16>
    tpu.vector_store %arg7[%swap3A_44, %swap3A_45, %swap3A_46], %swap3A_49 {strides = array<i32>} : memref<2x1000x32xbf16, #tpu.memory_space<vmem>>, vector<1x1000x32xbf16>,
    return
  }
  func.func @transform_0(%arg0: i32) -> (i32, i32) {
    %c0_i32 = arith.constant 0 : i32
    %c0_i32_0 = arith.constant 0 : i32
    return %arg0, %c0_i32 : i32, i32
  }
  func.func @transform_1(%arg0: i32) -> (i32, i32, i32) {
    %c0_i32 = arith.constant 0 : i32
    %c0_i32_0 = arith.constant 0 : i32
    %c0_i32_1 = arith.constant 0 : i32
    return %c0_i32, %arg0, %c0_i32_0 : i32, i32, i32
  }
  func.func @transform_2(%arg0: i32) -> (i32, i32) {
    %c0_i32 = arith.constant 0 : i32
    %c0_i32_0 = arith.constant 0 : i32
    return %arg0, %c0_i32 : i32, i32
  }
  func.func @transform_3(%arg0: i32) -> (i32, i32) {
    %c0_i32 = arith.constant 0 : i32
    %c0_i32_0 = arith.constant 0 : i32
    %c0_i32_1 = arith.constant 0 : i32
    return %c0_i32, %c0_i32_0 : i32, i32
  }
  func.func @transform_4(%arg0: i32) -> (i32, i32) {
    %c0_i32 = arith.constant 0 : i32
    %c0_i32_0 = arith.constant 0 : i32
    %c0_i32_1 = arith.constant 0 : i32
    return %c0_i32, %c0_i32_0 : i32, i32
  }
  func.func @transform_5(%arg0: i32) -> (i32, i32) {
    %c0_i32 = arith.constant 0 : i32
    %c0_i32_0 = arith.constant 0 : i32
    return %arg0, %c0_i32 : i32, i32
  }
  func.func @transform_6(%arg0: i32) -> (i32, i32, i32) {
    %c0_i32 = arith.constant 0 : i32
    %c0_i32_0 = arith.constant 0 : i32
    %c0_i32_1 = arith.constant 0 : i32
    return %c0_i32, %arg0, %c0_i32_0 : i32, i32, i32
  }
}

module attributes {stable_mosaic.version = 14 : i64} {
  func.func @body(%arg0: i32, %arg1: memref<1000x64xf32, #tpu.memory_space<vmem>>, %arg2: memref<2x1000x32xbf16, #tpu.memory_space<vmem>>, %arg3: memref<1000x1xf32, #tpu.memory_space<vmem>>, %arg4: memref<1000x64xf32, #tpu.memory_space<vmem>>) attributes {dimension_semantics = [#tpu.dimension_semantics<arbitrary>], iteration_bounds = array<i64: 10>, scalar_prefetch = 0 : i64, scratch_operands = 0 : i64, tpu.core_type = #tpu.core_type<tc>, window_params = [{transform_indices = @transform_0, window_bounds = array<i64: 1000, 64>}, {transform_indices = @transform_1, window_bounds = array<i64: 2, 1000, 32>}, {transform_indices = @transform_2, window_bounds = array<i64: 1000, 1>}, {transform_indices = @transform_3, window_bounds = array<i64: 1000, 64>}]} {
    %get3A = arith.constant 0 : index
    %get3A_0 = arith.constant 0 : index
    %get3A_1 = arith.constant 0 : index
    %get3A_2 = vector.load %arg2[%get3A, %get3A_0, %get3A_1] : memref<2x1000x32xbf16, #tpu.memory_space<vmem>>, vector<1x1000x32xbf16>
    %get3A_3 = vector.shape_cast %get3A_2 : vector<1x1000x32xbf16> to vector<1000x32xbf16>
    %get3A_4 = arith.constant 1 : index
    %get3A_5 = arith.constant 0 : index
    %get3A_6 = arith.constant 0 : index
    %get3A_7 = vector.load %arg2[%get3A_4, %get3A_5, %get3A_6] : memref<2x1000x32xbf16, #tpu.memory_space<vmem>>, vector<1x1000x32xbf16>
    %get3A_8 = vector.shape_cast %get3A_7 : vector<1x1000x32xbf16> to vector<1000x32xbf16>
    %concatenate3A = tpu.concatenate %get3A_3, %get3A_8 in 1 : vector<1000x32xbf16>, vector<1000x32xbf16> -> vector<1000x64xbf16>
    %convert_element_type3A = arith.extf %concatenate3A : vector<1000x64xbf16> to vector<1000x64xf32>
    %get3A_9 = arith.constant 0 : index
    %get3A_10 = arith.constant 0 : index
    %get3A_11 = vector.load %arg3[%get3A_9, %get3A_10] : memref<1000x1xf32, #tpu.memory_space<vmem>>, vector<1000x1xf32>
    %max3A = arith.constant 1.000000e+00 : f32
    %max3A_12 = vector.broadcast %max3A : f32 to vector<1000x1xf32>
    %max3A_13 = arith.maximumf %get3A_11, %max3A_12 : vector<1000x1xf32>
    %div3A = arith.constant 1.000000e+00 : f32
    %div3A_14 = vector.broadcast %div3A : f32 to vector<1000x1xf32>
    %div3A_15 = arith.divf %div3A_14, %max3A_13 : vector<1000x1xf32>
    %get3A_16 = arith.constant 0 : index
    %get3A_17 = arith.constant 0 : index
    %get3A_18 = vector.load %arg1[%get3A_16, %get3A_17] : memref<1000x64xf32, #tpu.memory_space<vmem>>, vector<1000x64xf32>
    %mul3A = vector.broadcast %div3A_15 : vector<1000x1xf32> to vector<1000x64xf32>
    %mul3A_19 = arith.mulf %convert_element_type3A, %mul3A : vector<1000x64xf32>
    %add3A = arith.addf %get3A_18, %mul3A_19 : vector<1000x64xf32>
    %swap3A = arith.constant 0 : index
    %swap3A_20 = arith.constant 0 : index
    %swap3A_21 = vector.load %arg4[%swap3A, %swap3A_20] : memref<1000x64xf32, #tpu.memory_space<vmem>>, vector<1000x64xf32>
    tpu.vector_store %arg4[%swap3A, %swap3A_20], %add3A {strides = array<i32>} : memref<1000x64xf32, #tpu.memory_space<vmem>>, vector<1000x64xf32>,
    return
  }
  func.func @transform_0(%arg0: i32) -> (i32, i32) {
    %c0_i32 = arith.constant 0 : i32
    %c0_i32_0 = arith.constant 0 : i32
    return %arg0, %c0_i32 : i32, i32
  }
  func.func @transform_1(%arg0: i32) -> (i32, i32, i32) {
    %c0_i32 = arith.constant 0 : i32
    %c0_i32_0 = arith.constant 0 : i32
    %c0_i32_1 = arith.constant 0 : i32
    return %c0_i32, %arg0, %c0_i32_0 : i32, i32, i32
  }
  func.func @transform_2(%arg0: i32) -> (i32, i32) {
    %c0_i32 = arith.constant 0 : i32
    %c0_i32_0 = arith.constant 0 : i32
    return %arg0, %c0_i32 : i32, i32
  }
  func.func @transform_3(%arg0: i32) -> (i32, i32) {
    %c0_i32 = arith.constant 0 : i32
    %c0_i32_0 = arith.constant 0 : i32
    return %arg0, %c0_i32 : i32, i32
  }
}

</mosaic_0001>

<sc_bundles>
// kernel: kernel.12.cloned.1.call-start
scs
__scs_entry_jumppad:
0x0: {  	(pc) =	sbr.rel $0x88, $3  }
0x1: {  	(tag) =	ssettag $0x0;
	lr =	simm.s32 $0x1  }
0x2: {  	[smem:$0x3F96] =	sst lr;
	_ =	strace $0xD0000000  }
0x3: {  	_ = 	snop  }
0x4: {  	_ = 	snop  }
0x5: {  	_ = 	snop  }
0x6: {  	_ = 	snop  }
0x7: {  	_ = 	snop  }
__scs_overlays_trampoline_lowered:
0x8: {  	[smem:$0x3FA5] =	sst s0  }
0x9: {  	[smem:$0x3FA6] =	sst s1  }
0xa: {  	[smem:$0x3FA7] =	sst s2  }
0xb: {  	[smem:$0x3FA8] =	sst s3  }
0xc: {  	[smem:$0x3FA9] =	sst s4  }
0xd: {  	[smem:$0x3FAA] =	sst s5  }
0xe: {  	[smem:$0x3FAB] =	sst s6  }
0xf: {  	[smem:$0x3FAC] =	sst s7  }
0x10: {  	[smem:$0x3FAD] =	sst s8  }
0x11: {  	[smem:$0x3FAE] =	sst s9;
	s0 =	simm.s32 @!p0 $0x0  }
0x12: {  	s1 =	sld [smem:$0x3F94];
	s0 =	simm.s32 @p0 $0x1  }
0x13: {  	[smem:$0x3FAF] =	sst s0;
	s0 =	simm.s32 @!p1 $0x0  }
0x14: {  	s2 =	sld [smem:$0x3F93];
	s0 =	simm.s32 @p1 $0x1  }
0x15: {  	[smem:$0x3FB0] =	sst s0;
	s0 =	simm.s32 @!p2 $0x0  }
0x16: {  	s3 =	sld [smem:$0x3FDB];
	s0 =	simm.s32 @p2 $0x1  }
0x17: {  	s4 =	simm.s32 $0x1BF5;
	[smem:$0x3FB2] =	sst s0  }
0x18: {  	s0 =	sld [smem:$0x3F95];
	_ =	swait.ge [sflag:s4], $0x0  }
0x19: {  	s7 =	sld [smem:$0x3F96]  }
0x1a: {  	s8 =	sadd.s32 $0xFFFFE003, lr  }
0x1b: {  	s9 =	sadd.s32 $0xFFFFFEF7, lr;
	s5 =	simm.s32 $0xFFFFFFFF;
	p2 =	slt.u32 s8, $0xFFFFF086  }
0x1c: {  	p1 =	slt.u32 s9, $0xF7A;
	s5 =	simm.s32 @!p2 $0x0  }
0x1d: {  	s5 =	simm.s32 @p1 $0x1;
	p0 =	seq.s32 s7, s2  }
0x1e: {  	s7 =	smul.u32 @!p0 $0xF7A, s2;
	p2 =	seq.s32 @!p0 s5, $0x0  }
0x1f: {  	s9 =	smul.u32 $0xF7A, s1;
	s8 =	simm.s32 @!p0 $0x1BF5;
	p2 =	por !p2, p0  }
0x20: {  	[sflag:s8] =	ssyncset.s32 @!p0 $0xFFFFF086;
	s6 =	sadd.s32 @!p0 s3, s7;
	s7 =	simm.s32 @!p0 $0x108  }
0x21: {  	s3 =	sadd.s32 s3, s9;
	s6 =	sadd.s32 @!p0 $0x88, s6;
	s7 =	simm.s32 @p2 $0x1082  }
0x22: {  	[simem:s7], [sflag:s8] =	dma.local @!p0 [hbm:s6], $0xF7A  }
0x23: {  	s9 =	sor.u32 $0xD0000000, s2;
	s6 =	simm.s32 $0x108;
	_ =	swait.ge @!p0 [sflag:s8], $0x0  }
0x24: {  	s3 =	sadd.s32 $0x88, s3;
	s6 =	simm.s32 @!p1 $0x1082;
	[sflag:s4] =	ssyncset.s32 $0xFFFFF086  }
0x25: {  	[simem:s6], [sflag:s4] =	dma.local [hbm:s3], $0xF7A  }
0x26: {  	[smem:$0x3F96] =	sst s1;
	(tag) =	ssettag s2;
	_ =	strace s9  }
0x27: {  	s1 =	sld [smem:$0x3FA6]  }
0x28: {  	s2 =	sld [smem:$0x3FA7]  }
0x29: {  	s4 =	sld [smem:$0x3FA9]  }
0x2a: {  	p0 =	seq.s32 s5, $0x0;
	s5 =	sld [smem:$0x3FAA]  }
0x2b: {  	s6 =	sld [smem:$0x3FAB]  }
0x2c: {  	s7 =	sld [smem:$0x3FAC]  }
0x2d: {  	s3 =	simm.s32 $0x108;
	s8 =	sld [smem:$0x3FAD]  }
0x2e: {  	s3 =	simm.s32 @!p0 $0x1082;
	s9 =	sld [smem:$0x3FAE]  }
0x2f: {  	lr =	sadd.s32 s0, s3;
	s0 =	sld [smem:$0x3FA5]  }
0x30: {  	s3 =	sld [smem:$0x3FA8]  }
0x31: {  	[smem:$0x3FB1] =	sst s10  }
0x32: {  	s10 =	sld [smem:$0x3FAF];
	_ =	sdelay $0x3  }
0x33: {  	p0 =	seq.s32 s10, $0x1;
	s10 =	sld [smem:$0x3FB1];
	_ =	sdelay $0x3  }
0x34: {  	[smem:$0x3FB1] =	sst s10  }
0x35: {  	s10 =	sld [smem:$0x3FB0];
	_ =	sdelay $0x3  }
0x36: {  	p1 =	seq.s32 s10, $0x1;
	s10 =	sld [smem:$0x3FB1];
	_ =	sdelay $0x3  }
0x37: {  	[smem:$0x3FB1] =	sst s10  }
0x38: {  	s10 =	sld [smem:$0x3FB2]  }
0x39: {  	_ = 	snop;
	(pc) =	sbr.ind lr, $3  }
0x3a: {  	_ = 	snop  }
0x3b: {  	_ = 	snop  }
0x3c: {  	p2 =	seq.s32 s10, $0x1;
	s10 =	sld [smem:$0x3FB1]  }
0x3d: {  	_ =	shalt  }
0x3e: {  	_ =	shalt  }
0x3f: {  	_ =	shalt  }
0x40: {  	_ =	shalt  }
0x41: {  	_ =	shalt  }
0x42: {  	_ =	shalt  }
0x43: {  	_ =	shalt  }
0x44: {  	_ =	shalt  }
0x45: {  	_ =	shalt  }
0x46: {  	_ =	shalt  }
0x47: {  	_ =	shalt  }
0x48: {  	_ =	shalt  }
0x49: {  	_ =	shalt  }
0x4a: {  	_ =	shalt  }
0x4b: {  	_ =	shalt  }
0x4c: {  	_ =	shalt  }
0x4d: {  	_ =	shalt  }
0x4e: {  	_ =	shalt  }
0x4f: {  	_ =	shalt  }
0x50: {  	_ =	shalt  }
0x51: {  	_ =	shalt  }
0x52: {  	_ =	shalt  }
0x53: {  	_ =	shalt  }
0x54: {  	_ =	shalt  }
0x55: {  	_ =	shalt  }
0x56: {  	_ =	shalt  }
0x57: {  	_ =	shalt  }
0x58: {  	_ =	shalt  }
0x59: {  	_ =	shalt  }
0x5a: {  	_ =	shalt  }
0x5b: {  	_ =	shalt  }
0x5c: {  	_ =	shalt  }
0x5d: {  	_ =	shalt  }
0x5e: {  	_ =	shalt  }
0x5f: {  	_ =	shalt  }
0x60: {  	_ =	shalt  }
0x61: {  	_ =	shalt  }
0x62: {  	_ =	shalt  }
0x63: {  	_ =	shalt  }
0x64: {  	_ =	shalt  }
0x65: {  	_ =	shalt  }
0x66: {  	_ =	shalt  }
0x67: {  	_ =	shalt  }
0x68: {  	_ =	shalt  }
0x69: {  	_ =	shalt  }
0x6a: {  	_ =	shalt  }
0x6b: {  	_ =	shalt  }
0x6c: {  	_ =	shalt  }
0x6d: {  	_ =	shalt  }
0x6e: {  	_ =	shalt  }
0x6f: {  	_ =	shalt  }
0x70: {  	_ =	shalt  }
0x71: {  	_ =	shalt  }
0x72: {  	_ =	shalt  }
0x73: {  	_ =	shalt  }
0x74: {  	_ =	shalt  }
0x75: {  	_ =	shalt  }
0x76: {  	_ =	shalt  }
0x77: {  	_ =	shalt  }
0x78: {  	_ =	shalt  }
0x79: {  	_ =	shalt  }
0x7a: {  	_ =	shalt  }
0x7b: {  	_ =	shalt  }
0x7c: {  	_ =	shalt  }
0x7d: {  	_ =	shalt  }
0x7e: {  	_ =	shalt  }
0x7f: {  	_ =	shalt  }
0x80: {  	_ =	shalt  }
0x81: {  	_ =	shalt  }
0x82: {  	_ =	shalt  }
0x83: {  	_ =	shalt  }
0x84: {  	_ =	shalt  }
0x85: {  	_ =	shalt  }
0x86: {  	_ =	shalt  }
0x87: {  	_ =	shalt  }
.Lfunc_end0:
.L_simem_size_0:
called_computation.1_lowered:
.L_overlay_start_0:
0x88: {  	s2 =	sld [smem:$0x3FD9]  }
0x89: {  	s3 =	sld [smem:$0x3FFE];
	_ =	sdelay $0x1  }
0x8a: {  	s1 =	srdreg.scid  }
0x8b: {  	s0 =	sand.u32 $0x1, s1  }
0x8c: {  	s17 =	sshll.u32 s0, $0xA;
	s2 =	sadd.s32 s3, s2  }
0x8d: {  	s2 =	sadd.s32 s2, s17  }
0x8e: {  	[smem:$0x3FBD] =	sst s2  }
0x8f: {  	_ = 	snop  }
0x90: {  	s2 =	sld [smem:$0x3FD0];
	(tm) =	ssettm $0x1  }
0x91: {  	s18 =	sld [smem:$0x3FFB];
	_ =	sdelay $0x3  }
0x92: {  	_ =	strace s18  }
0x93: {  	s3 =	sld [smem:$0x3FFC];
	_ =	sdelay $0x3  }
0x94: {  	_ =	strace s3  }
0x95: {  	s3 =	sld [smem:$0x3FFD];
	_ =	sdelay $0x3  }
0x96: {  	_ =	strace s3  }
0x97: {  	_ =	strace $0x8FFFFFFF  }
0x98: {  	s19 =	sld [smem:$0x3FDB];
	_ =	sdelay $0x1  }
0x99: {  	s4 =	simm.s32 $_scs_section_size  }
0x9a: {  	s5 =	simm.s32 $_size__tile_overlayer_lowered;
	s6 =	simm.s32 $_tile_overlayer_lowered  }
0x9b: {  	s22 =	simm.s32 $0x1BFF;
	s21 =	sshll.u32 s6, $0x1;
	s3 =	sadd.s32 s4, s19  }
0x9c: {  	s7 =	simm.s32 $0x0;
	s20 =	sshll.u32 s5, $0x1;
	s5 =	sadd.s32 s21, s3  }
0x9d: {  	[timem:s7], [sflag:s22] =	dma.local [hbm:s5], s20  }
0x9e: {  	_ =	swait.ge [sflag:s22], s20  }
0x9f: {  	s4 =	ssub.s32 $0x0, s20;
	[sflag:s22] =	ssyncset.done $0x0  }
0xa0: {  	[sflag:s22] =	ssyncadd.s32 s4;
	_ =	sdelay $0x1  }
0xa1: {  	s23 =	simm.s32 $0x1B8B  }
0xa2: {  	_ =	swait.ge [sflag:s23], $0x1  }
0xa3: {  	[sflag:s23] =	ssyncset.done $0x0  }
0xa4: {  	s25 =	simm.s32 $0x1B8E;
	s24 =	sld [smem:$0x3FFE];
	[sflag:s23] =	ssyncadd.s32 $0xFFFFFFFF  }
0xa5: {  	s26 =	simm.s32 $execute0_lowered;
	[smem:$0x3FD2] =	sst s25  }
0xa6: {  	s5 =	sshll.u32 s26, $0x1;
	_ =	strace $0x80000049;
	[dreg:$0x1] =	wrdreg $0xFFFFFFFF  }
0xa7: {  	s28 =	simm.s32 $_size_execute0_lowered;
	s3 =	sadd.s32 s3, s5;
	[dreg:$0x0] =	wrdreg $0x0  }
0xa8: {  	s5 =	sshll.u32 s28, $0x1;
	[dreg:$0x2] =	wrdreg s3  }
0xa9: {  	[dreg:$0x3] =	wrdreg s5  }
0xaa: {  	[dreg:$0x4] =	wrdreg $0xC0  }
0xab: {  	_ =	task [dreg:s7], $0x5FFFF  }
0xac: {  	[dreg:$0x1] =	wrdreg $0xFFFFFFFF  }
0xad: {  	[dreg:$0x0] =	wrdreg $0x60  }
0xae: {  	[dreg:$0x2] =	wrdreg s2  }
0xaf: {  	[dreg:$0x3] =	wrdreg s24  }
0xb0: {  	[dreg:$0x4] =	wrdreg $0x130000  }
0xb1: {  	[dreg:$0x5] =	wrdreg $0x9  }
0xb2: {  	_ =	task.clear_ibuf [dreg:s7], $0x6FFFF;
	_ =	strace $0x90000049  }
0xb3: {  	s29 =	simm.s32 $0x9;
	_ =	strace $0x8000004B  }
0xb4: {  	_ =	swait.ge [sflag:s29], $0x1  }
0xb5: {  	[sflag:s29] =	ssyncadd.s32 $0xFFFFFFFF  }
0xb6: {  	_ =	strace $0x9000004B  }
0xb7: {  	_ =	sfence  }
0xb8: {  	s30 =	sld [smem:$0x0];
	_ =	sdelay $0x2  }
0xb9: {  	s31 =	sshll.u32 s1, $0xD;
	s1 =	sshrl.u32 s1, $0x2  }
0xba: {  	s3 =	sand.u32 $0x4000, s31;
	s1 =	sadd.s32 s1, s30  }
0xbb: {  	s0 =	sor.u32 s3, s0;
	s1 =	sshll.u32 s1, $0x11  }
0xbc: {  	s0 =	sor.u32 s1, s0  }
0xbd: {  	s0 =	sadd.s32 $0x8F2B, s0  }
0xbe: {  	[sflag:s0] =	ssyncadd.remote.s32 $0x1  }
0xbf: {  	_ =	sfence.sel $0xFFFF  }
0xc0: {  	[dreg:$0x0] =	wrdreg $0xFFFFFFFF;
	(pc) =	sbr.abs _section_cstart, $3  }
0xc1: {  	[dreg:$0x1] =	wrdreg $0xFFFFFFFF  }
0xc2: {  	_ =	task.clear_ibuf [dreg:s7], $0x2FFFF;
	_ =	strace $0x9FFFFFFF  }
0xc3: {  	(tm) =	ssettm $0x7FFFFFFF  }
tec
execute0_lowered:
.L_overlay_start_1:
0x0: {  	(tag) =	ssettag $0x1  }
0x1: {  	s1 =	rddreg [dreg:$0x0];
	s2 =	srdreg.scid  }
0x2: {  	s0 =	stileid.u32;
	s5 =	rddreg [dreg:$0x1]  }
0x3: {  	s3 =	rddreg [dreg:$0x2];
	s4 =	simm.s32 $0x0;
	s12 =	simm.s32 $0xE000  }
0x4: {  	s13 =	simm.s32 $0x100;
	s14 =	simm.s32 $0xA000;
	s15 =	simm.s32 $0xC000  }
0x5: {  	s16 =	simm.s32 $0x1;
	s17 =	simm.s32 $0x3;
	s18 =	simm.s32 $0x2  }
0x6: {  	s19 =	simm.s32 $0x4;
	s20 =	simm.s32 $0x9E00;
	s7 =	smul.u32 $0x5000, s0  }
0x7: {  	s6 =	sand.u32 $0x1, s2;
	s2 =	rddreg [dreg:$0x3];
	s9 =	smul.u32 $0xA000, s0  }
0x8: {  	s21 =	simm.s32 $0x9F00;
	[smem:$0x7FF] =	sst s4;
	s8 =	smul.u32 $0x50000, s6  }
0x9: {  	s10 =	smul.u32 $0xA0000, s6;
	_ =	strace $0x8000004A;
	s6 =	ssub.s32 $0x2, s6  }
0xa: {  	s11 =	sshrl.u32 s6, $0x1;
	s31 =	sshrl.u32 s9, $0x1;
	s8 =	sadd.s32 s7, s8  }
0xb: {  	s10 =	sadd.s32 s9, s10;
	s7 =	sshrl.u32 s7, $0x3;
	s11 =	ssub.s32 s6, s11  }
0xc: {  	s8 =	sshrl.u32 s8, $0x3;
	s10 =	sshrl.u32 s10, $0x4;
	s7 =	sadd.s32 s7, s5  }
0xd: {  	s9 =	smax.u32 s11, $0x1;
	s11 =	simm.s32 $0x5000;
	s8 =	sadd.s32 s8, s5  }
0xe: {  	s10 =	sadd.s32 s10, s5;
	s6 =	sadd.s32 $0x16C00, s7;
	s7 =	sadd.s32 s31, s3  }
0xf: {  	v0 =	vimm.bf16 $0.0e+00;
	s5 =	sadd.s32 $0x2C00, s8;
	s8 =	sadd.s32 $0x20C00, s10;
	s10 =	simm.s32 $0x5  }
.LBB2_1:
0x10: {  	s22 =	simm.s32 $0x80;
	s23 =	simm.s32 $0x0  }
.LBB2_2:
0x11: {  	p0 =	sne.s32 s22, $0x13F80;
	[tilespmem:s23+$0xE000] =	vst v0;
	s24 =	smov.u32 s22;
	s22 =	sadd.s32 $0x80, s22  }
.Ltmp0:
0x12: {  	[tilespmem:s23+$0xE010] =	vst v0;
	(pc) =	sbr.rel @p0 .LBB2_2-.Ltmp0, $2  }
0x13: {  	_ =	sdelay $0x2  }
0x14: {  	s23 =	sshra.s32 s24, $0x2  }
0x15: {  	[tilespmem:s23+$0xE000] =	vst v0  }
0x16: {  	[tilespmem:s23+$0xE010] =	vst v0;
	s22 =	simm.s32 $0x0  }
0x17: {  	[tilespmem:s22], [sflag:$0x5] =	stream.linear.gather [hbm4b:s5+s22], $0x5000, $0x38;
	[tilespmem:$0x18000] =	vst v63  }
0x18: {  	_ =	swait.ge [sflag:s10], $0x5000  }
0x19: {  	[sflag:s10] =	ssyncset.done $0x0  }
0x1a: {  	[sflag:s10] =	ssyncadd.s32 $0xFFFFB000  }
0x1b: {  	[tilespmem:s11], [sflag:$0x5] =	stream.linear.gather [hbm4b:s6+s22], $0x5000, $0x38;
	[tilespmem:$0x18000] =	vst v63  }
0x1c: {  	_ =	swait.ge [sflag:s10], $0x5000  }
0x1d: {  	[sflag:s10] =	ssyncset.done $0x0  }
0x1e: {  	[sflag:s10] =	ssyncadd.s32 $0xFFFFB000  }
0x1f: {  	[spmem:s7] =	stream.linear.scatter [tilespmem:s12], [sflag:$0x5], $0x5000, $0x38;
	[tilespmem:$0x18000] =	vst v63  }
0x20: {  	_ =	swait.ge [sflag:s10], $0x5000  }
0x21: {  	[sflag:s10] =	ssyncset.done $0x0  }
0x22: {  	[sflag:s10] =	ssyncadd.s32 $0xFFFFB000  }
0x23: {  	[bflag:$0x0] =	sbarrier.arrive $0xFFFF  }
0x24: {  	[tilespmem:s14], [sflag:$0x1] =	stream.indirect.gather [hbm4b:s1+s13], $0x20, s22, s13, $0xb8;
	[tilespmem:$0x18000] =	vst v63  }
0x25: {  	_ = 	snop  }
0x26: {  	[tilespmem:s15], [sflag:$0x2] =	stream.indirect.gather [hbm4b:s1+s13], $0x20, s13, s13, $0xb8;
	[tilespmem:$0x18000] =	vst v63  }
0x27: {  	_ =	swait.ge [sflag:s16], $0x2000  }
0x28: {  	[sflag:s16] =	ssyncset.done $0x0  }
0x29: {  	s29 =	simm.s32 $0x5000;
	[sflag:s16] =	ssyncadd.s32 $0xFFFFE000  }
0x2a: {  	[spmem:s3] =	stream.indirect.scatter.add.bf16 [tilespmem:s14], [sflag:$0x3], $0x20, s29, s13, $0xb8;
	[tilespmem:$0x18000] =	vst v63  }
0x2b: {  	_ =	swait.ge [sflag:s17], $0x2000  }
0x2c: {  	[sflag:s17] =	ssyncset.done $0x0  }
0x2d: {  	s30 =	simm.s32 $0x200;
	[sflag:s17] =	ssyncadd.s32 $0xFFFFE000  }
0x2e: {  	[tilespmem:s14], [sflag:$0x1] =	stream.indirect.gather [hbm4b:s1+s13], $0x20, s30, s13, $0xb8;
	[tilespmem:$0x18000] =	vst v63  }
0x2f: {  	_ =	swait.ge [sflag:s18], $0x2000  }
0x30: {  	[sflag:s18] =	ssyncset.done $0x0  }
0x31: {  	s31 =	simm.s32 $0x5100;
	[sflag:s18] =	ssyncadd.s32 $0xFFFFE000  }
0x32: {  	[spmem:s3] =	stream.indirect.scatter.add.bf16 [tilespmem:s15], [sflag:$0x4], $0x20, s31, s13, $0xb8;
	[tilespmem:$0x18000] =	vst v63  }
0x33: {  	_ =	swait.ge [sflag:s19], $0x2000  }
0x34: {  	[sflag:s19] =	ssyncset.done $0x0  }
0x35: {  	s23 =	simm.s32 $0x300;
	s22 =	simm.s32 $0x800;
	[sflag:s19] =	ssyncadd.s32 $0xFFFFE000  }
.LBB2_4:
0x36: {  	[tilespmem:s15], [sflag:$0x2] =	stream.indirect.gather [hbm4b:s1+s13], $0x20, s23, s13, $0xb8;
	[tilespmem:$0x18000] =	vst v63  }
0x37: {  	s23 =	smov.u32 s22  }
0x38: {  	p0 =	sne.s32 s22, $0x13000;
	s22 =	sadd.s32 $0x800, s22;
	_ =	swait.ge [sflag:s16], $0x2000  }
0x39: {  	s23 =	sshra.s32 s23, $0x2;
	[sflag:s16] =	ssyncset.done $0x0  }
0x3a: {  	s24 =	sadd.s32 $0x5000, s23;
	[sflag:s16] =	ssyncadd.s32 $0xFFFFE000  }
0x3b: {  	[spmem:s3] =	stream.indirect.scatter.add.bf16 [tilespmem:s14], [sflag:$0x3], $0x20, s24, s13, $0xb8;
	[tilespmem:$0x18000] =	vst v63  }
0x3c: {  	_ =	swait.ge [sflag:s17], $0x2000  }
0x3d: {  	[sflag:s17] =	ssyncset.done $0x0  }
0x3e: {  	s24 =	sadd.s32 $0x200, s23;
	[sflag:s17] =	ssyncadd.s32 $0xFFFFE000  }
0x3f: {  	[tilespmem:s14], [sflag:$0x1] =	stream.indirect.gather [hbm4b:s1+s13], $0x20, s24, s13, $0xb8;
	[tilespmem:$0x18000] =	vst v63  }
0x40: {  	_ =	swait.ge [sflag:s18], $0x2000  }
0x41: {  	[sflag:s18] =	ssyncset.done $0x0  }
.Ltmp1:
0x42: {  	s24 =	sadd.s32 $0x5100, s23;
	[sflag:s18] =	ssyncadd.s32 $0xFFFFE000;
	(pc) =	sbr.rel @p0 .LBB2_4-.Ltmp1, $4  }
0x43: {  	[spmem:s3] =	stream.indirect.scatter.add.bf16 [tilespmem:s15], [sflag:$0x4], $0x20, s24, s13, $0xb8;
	[tilespmem:$0x18000] =	vst v63  }
0x44: {  	_ =	swait.ge [sflag:s19], $0x2000  }
0x45: {  	[sflag:s19] =	ssyncset.done $0x0  }
0x46: {  	s23 =	sadd.s32 $0x300, s23;
	[sflag:s19] =	ssyncadd.s32 $0xFFFFE000  }
0x47: {  	[tilespmem:s15], [sflag:$0x2] =	stream.indirect.gather [hbm4b:s1+s13], $0x20, s23, s13, $0xb8;
	[tilespmem:$0x18000] =	vst v63  }
0x48: {  	_ =	swait.ge [sflag:s16], $0x2000  }
0x49: {  	[sflag:s16] =	ssyncset.done $0x0  }
0x4a: {  	[sflag:s16] =	ssyncadd.s32 $0xFFFFE000  }
0x4b: {  	[spmem:s3] =	stream.indirect.scatter.add.bf16 [tilespmem:s14], [sflag:$0x3], $0x20, s20, s13, $0xb8;
	[tilespmem:$0x18000] =	vst v63  }
0x4c: {  	_ =	swait.ge [sflag:s18], $0x2000  }
0x4d: {  	[sflag:s18] =	ssyncset.done $0x0  }
0x4e: {  	[sflag:s18] =	ssyncadd.s32 $0xFFFFE000  }
0x4f: {  	[spmem:s3] =	stream.indirect.scatter.add.bf16 [tilespmem:s15], [sflag:$0x4], $0x20, s21, s13, $0xb8;
	[tilespmem:$0x18000] =	vst v63  }
0x50: {  	_ =	swait.ge [sflag:s17], $0x2000  }
0x51: {  	[sflag:s17] =	ssyncset.done $0x0  }
0x52: {  	[sflag:s17] =	ssyncadd.s32 $0xFFFFE000  }
0x53: {  	_ =	swait.ge [sflag:s19], $0x2000  }
0x54: {  	s22 =	sshll.u32 s0, $0x6;
	s4 =	sadd.s32 $0x1, s4;
	[sflag:s19] =	ssyncset.done $0x0  }
0x55: {  	s31 =	sshrl.u32 s7, $0x3;
	p0 =	sne.s32 s4, s9;
	[sflag:s19] =	ssyncadd.s32 $0xFFFFE000  }
.Ltmp2:
0x56: {  	s22 =	sor.u32 $0x1C05, s22;
	[bflag:$0x0] =	sbarrier.arrive $0xFFFF;
	(pc) =	sbr.rel @p0 .LBB2_1-.Ltmp2, $4  }
0x57: {  	[hbm:s8], [sflag:s22] =	dma.local [spmem:s31], $0xA00  }
0x58: {  	_ =	swait.ge [sflag:s10], $0xA00  }
0x59: {  	[sflag:s10] =	ssyncset.done $0x0  }
0x5a: {  	[sflag:s10] =	ssyncadd.s32 $0xFFFFF600  }
0x5b: {  	_ =	sfence.sel $0x180000  }
0x5c: {  	[bflag:$0x0] =	sbarrier.arrive $0xFFFF  }
0x5d: {  	p0 =	sne.s32 s0, $0x0;
	_ =	strace $0x9000004A  }
0x5e: {  	s0 =	sadd.s32 @!p0 $0x100000, s2;
	[bflag:$0x2] =	sbarrier.arrive $0xFFFF  }
0x5f: {  	[sflag:s0] =	ssyncadd.tile.s32 @!p0 $0x1;
	_ =	shalt  }
.Lfunc_end2:
_tile_overlayer_lowered:
.L_overlay_start_2:
0x60: {  	(tag) =	ssettag $0x2  }
0x61: {  	s0 =	rddreg [dreg:$0x0];
	s2 =	stileid.u32  }
0x62: {  	s1 =	rddreg [dreg:$0x1];
	p0 =	sne.s32 s2, $0x0  }
0x63: {  	s3 =	rddreg [dreg:$0x2];
	[bflag:$0x3] =	sbarrier.arrive $0xFFFF;
	s2 =	simm.s32 @!p0 $0x1C05  }
0x64: {  	[timem:s3], [sflag:s2] =	dma.local @!p0 [hbm:s0], s1  }
0x65: {  	s0 =	simm.s32 @!p0 $0x5  }
0x66: {  	_ =	swait.ge @!p0 [sflag:s0], s1  }
0x67: {  	s1 =	ssub.s32 @!p0 $0x0, s1;
	[sflag:s0] =	ssyncset.done @!p0 $0x0  }
0x68: {  	[sflag:s0] =	ssyncadd.s32 @!p0 s1  }
0x69: {  	[bflag:$0x3] =	sbarrier.arrive $0xFFFF  }
0x6a: {  	_ =	shalt  }

// kernel: kernel.15.cloned.1.call-start
scs
__scs_entry_jumppad:
0x0: {  	(pc) =	sbr.rel $0x88, $3  }
0x1: {  	(tag) =	ssettag $0x0;
	lr =	simm.s32 $0x1  }
0x2: {  	[smem:$0x3F96] =	sst lr;
	_ =	strace $0xD0000000  }
0x3: {  	_ = 	snop  }
0x4: {  	_ = 	snop  }
0x5: {  	_ = 	snop  }
0x6: {  	_ = 	snop  }
0x7: {  	_ = 	snop  }
__scs_overlays_trampoline_lowered:
0x8: {  	[smem:$0x3FA5] =	sst s0  }
0x9: {  	[smem:$0x3FA6] =	sst s1  }
0xa: {  	[smem:$0x3FA7] =	sst s2  }
0xb: {  	[smem:$0x3FA8] =	sst s3  }
0xc: {  	[smem:$0x3FA9] =	sst s4  }
0xd: {  	[smem:$0x3FAA] =	sst s5  }
0xe: {  	[smem:$0x3FAB] =	sst s6  }
0xf: {  	[smem:$0x3FAC] =	sst s7  }
0x10: {  	[smem:$0x3FAD] =	sst s8  }
0x11: {  	[smem:$0x3FAE] =	sst s9;
	s0 =	simm.s32 @!p0 $0x0  }
0x12: {  	s1 =	sld [smem:$0x3F94];
	s0 =	simm.s32 @p0 $0x1  }
0x13: {  	[smem:$0x3FAF] =	sst s0;
	s0 =	simm.s32 @!p1 $0x0  }
0x14: {  	s2 =	sld [smem:$0x3F93];
	s0 =	simm.s32 @p1 $0x1  }
0x15: {  	[smem:$0x3FB0] =	sst s0;
	s0 =	simm.s32 @!p2 $0x0  }
0x16: {  	s3 =	sld [smem:$0x3FDB];
	s0 =	simm.s32 @p2 $0x1  }
0x17: {  	s4 =	simm.s32 $0x1BF5;
	[smem:$0x3FB2] =	sst s0  }
0x18: {  	s0 =	sld [smem:$0x3F95];
	_ =	swait.ge [sflag:s4], $0x0  }
0x19: {  	s7 =	sld [smem:$0x3F96]  }
0x1a: {  	s8 =	sadd.s32 $0xFFFFE003, lr  }
0x1b: {  	s9 =	sadd.s32 $0xFFFFFEF7, lr;
	s5 =	simm.s32 $0xFFFFFFFF;
	p2 =	slt.u32 s8, $0xFFFFF086  }
0x1c: {  	p1 =	slt.u32 s9, $0xF7A;
	s5 =	simm.s32 @!p2 $0x0  }
0x1d: {  	s5 =	simm.s32 @p1 $0x1;
	p0 =	seq.s32 s7, s2  }
0x1e: {  	s7 =	smul.u32 @!p0 $0xF7A, s2;
	p2 =	seq.s32 @!p0 s5, $0x0  }
0x1f: {  	s9 =	smul.u32 $0xF7A, s1;
	s8 =	simm.s32 @!p0 $0x1BF5;
	p2 =	por !p2, p0  }
0x20: {  	[sflag:s8] =	ssyncset.s32 @!p0 $0xFFFFF086;
	s6 =	sadd.s32 @!p0 s3, s7;
	s7 =	simm.s32 @!p0 $0x108  }
0x21: {  	s3 =	sadd.s32 s3, s9;
	s6 =	sadd.s32 @!p0 $0x88, s6;
	s7 =	simm.s32 @p2 $0x1082  }
0x22: {  	[simem:s7], [sflag:s8] =	dma.local @!p0 [hbm:s6], $0xF7A  }
0x23: {  	s9 =	sor.u32 $0xD0000000, s2;
	s6 =	simm.s32 $0x108;
	_ =	swait.ge @!p0 [sflag:s8], $0x0  }
0x24: {  	s3 =	sadd.s32 $0x88, s3;
	s6 =	simm.s32 @!p1 $0x1082;
	[sflag:s4] =	ssyncset.s32 $0xFFFFF086  }
0x25: {  	[simem:s6], [sflag:s4] =	dma.local [hbm:s3], $0xF7A  }
0x26: {  	[smem:$0x3F96] =	sst s1;
	(tag) =	ssettag s2;
	_ =	strace s9  }
0x27: {  	s1 =	sld [smem:$0x3FA6]  }
0x28: {  	s2 =	sld [smem:$0x3FA7]  }
0x29: {  	s4 =	sld [smem:$0x3FA9]  }
0x2a: {  	p0 =	seq.s32 s5, $0x0;
	s5 =	sld [smem:$0x3FAA]  }
0x2b: {  	s6 =	sld [smem:$0x3FAB]  }
0x2c: {  	s7 =	sld [smem:$0x3FAC]  }
0x2d: {  	s3 =	simm.s32 $0x108;
	s8 =	sld [smem:$0x3FAD]  }
0x2e: {  	s3 =	simm.s32 @!p0 $0x1082;
	s9 =	sld [smem:$0x3FAE]  }
0x2f: {  	lr =	sadd.s32 s0, s3;
	s0 =	sld [smem:$0x3FA5]  }
0x30: {  	s3 =	sld [smem:$0x3FA8]  }
0x31: {  	[smem:$0x3FB1] =	sst s10  }
0x32: {  	s10 =	sld [smem:$0x3FAF];
	_ =	sdelay $0x3  }
0x33: {  	p0 =	seq.s32 s10, $0x1;
	s10 =	sld [smem:$0x3FB1];
	_ =	sdelay $0x3  }
0x34: {  	[smem:$0x3FB1] =	sst s10  }
0x35: {  	s10 =	sld [smem:$0x3FB0];
	_ =	sdelay $0x3  }
0x36: {  	p1 =	seq.s32 s10, $0x1;
	s10 =	sld [smem:$0x3FB1];
	_ =	sdelay $0x3  }
0x37: {  	[smem:$0x3FB1] =	sst s10  }
0x38: {  	s10 =	sld [smem:$0x3FB2]  }
0x39: {  	_ = 	snop;
	(pc) =	sbr.ind lr, $3  }
0x3a: {  	_ = 	snop  }
0x3b: {  	_ = 	snop  }
0x3c: {  	p2 =	seq.s32 s10, $0x1;
	s10 =	sld [smem:$0x3FB1]  }
0x3d: {  	_ =	shalt  }
0x3e: {  	_ =	shalt  }
0x3f: {  	_ =	shalt  }
0x40: {  	_ =	shalt  }
0x41: {  	_ =	shalt  }
0x42: {  	_ =	shalt  }
0x43: {  	_ =	shalt  }
0x44: {  	_ =	shalt  }
0x45: {  	_ =	shalt  }
0x46: {  	_ =	shalt  }
0x47: {  	_ =	shalt  }
0x48: {  	_ =	shalt  }
0x49: {  	_ =	shalt  }
0x4a: {  	_ =	shalt  }
0x4b: {  	_ =	shalt  }
0x4c: {  	_ =	shalt  }
0x4d: {  	_ =	shalt  }
0x4e: {  	_ =	shalt  }
0x4f: {  	_ =	shalt  }
0x50: {  	_ =	shalt  }
0x51: {  	_ =	shalt  }
0x52: {  	_ =	shalt  }
0x53: {  	_ =	shalt  }
0x54: {  	_ =	shalt  }
0x55: {  	_ =	shalt  }
0x56: {  	_ =	shalt  }
0x57: {  	_ =	shalt  }
0x58: {  	_ =	shalt  }
0x59: {  	_ =	shalt  }
0x5a: {  	_ =	shalt  }
0x5b: {  	_ =	shalt  }
0x5c: {  	_ =	shalt  }
0x5d: {  	_ =	shalt  }
0x5e: {  	_ =	shalt  }
0x5f: {  	_ =	shalt  }
0x60: {  	_ =	shalt  }
0x61: {  	_ =	shalt  }
0x62: {  	_ =	shalt  }
0x63: {  	_ =	shalt  }
0x64: {  	_ =	shalt  }
0x65: {  	_ =	shalt  }
0x66: {  	_ =	shalt  }
0x67: {  	_ =	shalt  }
0x68: {  	_ =	shalt  }
0x69: {  	_ =	shalt  }
0x6a: {  	_ =	shalt  }
0x6b: {  	_ =	shalt  }
0x6c: {  	_ =	shalt  }
0x6d: {  	_ =	shalt  }
0x6e: {  	_ =	shalt  }
0x6f: {  	_ =	shalt  }
0x70: {  	_ =	shalt  }
0x71: {  	_ =	shalt  }
0x72: {  	_ =	shalt  }
0x73: {  	_ =	shalt  }
0x74: {  	_ =	shalt  }
0x75: {  	_ =	shalt  }
0x76: {  	_ =	shalt  }
0x77: {  	_ =	shalt  }
0x78: {  	_ =	shalt  }
0x79: {  	_ =	shalt  }
0x7a: {  	_ =	shalt  }
0x7b: {  	_ =	shalt  }
0x7c: {  	_ =	shalt  }
0x7d: {  	_ =	shalt  }
0x7e: {  	_ =	shalt  }
0x7f: {  	_ =	shalt  }
0x80: {  	_ =	shalt  }
0x81: {  	_ =	shalt  }
0x82: {  	_ =	shalt  }
0x83: {  	_ =	shalt  }
0x84: {  	_ =	shalt  }
0x85: {  	_ =	shalt  }
0x86: {  	_ =	shalt  }
0x87: {  	_ =	shalt  }
.Lfunc_end0:
.L_simem_size_0:
called_computation.2_lowered:
.L_overlay_start_0:
0x88: {  	s2 =	sld [smem:$0x3FD9]  }
0x89: {  	s3 =	sld [smem:$0x3FFE];
	_ =	sdelay $0x1  }
0x8a: {  	s1 =	srdreg.scid  }
0x8b: {  	s0 =	sand.u32 $0x1, s1  }
0x8c: {  	s17 =	sshll.u32 s0, $0xA;
	s2 =	sadd.s32 s3, s2  }
0x8d: {  	s2 =	sadd.s32 s2, s17  }
0x8e: {  	[smem:$0x3FBD] =	sst s2  }
0x8f: {  	_ = 	snop  }
0x90: {  	s2 =	sld [smem:$0x3FD0];
	(tm) =	ssettm $0x1  }
0x91: {  	s18 =	sld [smem:$0x3FFB];
	_ =	sdelay $0x3  }
0x92: {  	_ =	strace s18  }
0x93: {  	s3 =	sld [smem:$0x3FFC];
	_ =	sdelay $0x3  }
0x94: {  	_ =	strace s3  }
0x95: {  	s3 =	sld [smem:$0x3FFD];
	_ =	sdelay $0x3  }
0x96: {  	_ =	strace s3  }
0x97: {  	_ =	strace $0x8FFFFFFF  }
0x98: {  	s19 =	sld [smem:$0x3FDB];
	_ =	sdelay $0x1  }
0x99: {  	s4 =	simm.s32 $_scs_section_size  }
0x9a: {  	s5 =	simm.s32 $_size__tile_overlayer_lowered;
	s6 =	simm.s32 $_tile_overlayer_lowered  }
0x9b: {  	s22 =	simm.s32 $0x1BFF;
	s21 =	sshll.u32 s6, $0x1;
	s3 =	sadd.s32 s4, s19  }
0x9c: {  	s7 =	simm.s32 $0x0;
	s20 =	sshll.u32 s5, $0x1;
	s5 =	sadd.s32 s21, s3  }
0x9d: {  	[timem:s7], [sflag:s22] =	dma.local [hbm:s5], s20  }
0x9e: {  	_ =	swait.ge [sflag:s22], s20  }
0x9f: {  	s4 =	ssub.s32 $0x0, s20;
	[sflag:s22] =	ssyncset.done $0x0  }
0xa0: {  	[sflag:s22] =	ssyncadd.s32 s4;
	_ =	sdelay $0x1  }
0xa1: {  	s23 =	simm.s32 $0x1B8B  }
0xa2: {  	_ =	swait.ge [sflag:s23], $0x1  }
0xa3: {  	[sflag:s23] =	ssyncset.done $0x0  }
0xa4: {  	s25 =	simm.s32 $0x1B8E;
	s24 =	sld [smem:$0x3FFE];
	[sflag:s23] =	ssyncadd.s32 $0xFFFFFFFF  }
0xa5: {  	s26 =	simm.s32 $execute0_lowered;
	[smem:$0x3FD2] =	sst s25  }
0xa6: {  	s5 =	sshll.u32 s26, $0x1;
	_ =	strace $0x8000004C;
	[dreg:$0x1] =	wrdreg $0xFFFFFFFF  }
0xa7: {  	s28 =	simm.s32 $_size_execute0_lowered;
	s3 =	sadd.s32 s3, s5;
	[dreg:$0x0] =	wrdreg $0x0  }
0xa8: {  	s5 =	sshll.u32 s28, $0x1;
	[dreg:$0x2] =	wrdreg s3  }
0xa9: {  	[dreg:$0x3] =	wrdreg s5  }
0xaa: {  	[dreg:$0x4] =	wrdreg $0xC0  }
0xab: {  	_ =	task [dreg:s7], $0x5FFFF  }
0xac: {  	[dreg:$0x1] =	wrdreg $0xFFFFFFFF  }
0xad: {  	[dreg:$0x0] =	wrdreg $0x60  }
0xae: {  	[dreg:$0x2] =	wrdreg s24  }
0xaf: {  	[dreg:$0x3] =	wrdreg s2  }
0xb0: {  	[dreg:$0x4] =	wrdreg $0xE8000  }
0xb1: {  	[dreg:$0x5] =	wrdreg $0x9  }
0xb2: {  	_ =	task.clear_ibuf [dreg:s7], $0x6FFFF;
	_ =	strace $0x9000004C  }
0xb3: {  	s29 =	simm.s32 $0x9;
	_ =	strace $0x8000004E  }
0xb4: {  	_ =	swait.ge [sflag:s29], $0x1  }
0xb5: {  	[sflag:s29] =	ssyncadd.s32 $0xFFFFFFFF  }
0xb6: {  	_ =	strace $0x9000004E  }
0xb7: {  	_ =	sfence  }
0xb8: {  	s30 =	sld [smem:$0x0];
	_ =	sdelay $0x2  }
0xb9: {  	s31 =	sshll.u32 s1, $0xD;
	s1 =	sshrl.u32 s1, $0x2  }
0xba: {  	s3 =	sand.u32 $0x4000, s31;
	s1 =	sadd.s32 s1, s30  }
0xbb: {  	s0 =	sor.u32 s3, s0;
	s1 =	sshll.u32 s1, $0x11  }
0xbc: {  	s0 =	sor.u32 s1, s0  }
0xbd: {  	s0 =	sadd.s32 $0x8F2B, s0  }
0xbe: {  	[sflag:s0] =	ssyncadd.remote.s32 $0x1  }
0xbf: {  	_ =	sfence.sel $0xFFFF  }
0xc0: {  	[dreg:$0x0] =	wrdreg $0xFFFFFFFF;
	(pc) =	sbr.abs _section_cstart, $3  }
0xc1: {  	[dreg:$0x1] =	wrdreg $0xFFFFFFFF  }
0xc2: {  	_ =	task.clear_ibuf [dreg:s7], $0x2FFFF;
	_ =	strace $0x9FFFFFFF  }
0xc3: {  	(tm) =	ssettm $0x7FFFFFFF  }
tec
execute0_lowered:
.L_overlay_start_1:
0x0: {  	(tag) =	ssettag $0x1  }
0x1: {  	s5 =	rddreg [dreg:$0x0]  }
0x2: {  	s8 =	rddreg [dreg:$0x1]  }
0x3: {  	s0 =	srdreg.scid;
	s2 =	rddreg [dreg:$0x2]  }
0x4: {  	s1 =	stileid.u32;
	s3 =	simm.s32 $0x0;
	s13 =	simm.s32 $0x100  }
0x5: {  	s14 =	simm.s32 $0xA000;
	s15 =	simm.s32 $0xB000;
	s16 =	simm.s32 $0x1  }
0x6: {  	s17 =	simm.s32 $0x3;
	s18 =	simm.s32 $0x2;
	s19 =	simm.s32 $0x4  }
0x7: {  	s20 =	simm.s32 $0x9E00;
	s6 =	sand.u32 $0x1, s0;
	s7 =	smul.u32 $0x5000, s1  }
0x8: {  	s21 =	simm.s32 $0x9F00;
	[smem:$0x7FF] =	sst s3;
	s4 =	smul.u32 $0x50000, s6  }
0x9: {  	s0 =	rddreg [dreg:$0x3];
	_ =	strace $0x8000004D;
	s6 =	ssub.s32 $0x2, s6  }
0xa: {  	s11 =	sshrl.u32 s7, $0x3;
	s12 =	sshrl.u32 s6, $0x1;
	s9 =	sadd.s32 s7, s4  }
0xb: {  	s4 =	sadd.s32 $0x20C00, s5;
	s11 =	sadd.s32 s11, s5;
	s12 =	ssub.s32 s6, s12  }
0xc: {  	s7 =	sshrl.u32 s7, $0x1;
	s10 =	sshrl.u32 s9, $0x3;
	s6 =	sadd.s32 $0x16C00, s11  }
0xd: {  	s9 =	sshrl.u32 s9, $0x4;
	s7 =	sadd.s32 s7, s2;
	s11 =	simm.s32 $0x5000  }
0xe: {  	s10 =	sadd.s32 s10, s5;
	s8 =	sadd.s32 s8, s9;
	s9 =	smax.u32 s12, $0x1  }
0xf: {  	v0 =	vimm.bf16 $0.0e+00;
	s12 =	simm.s32 $0xC000;
	s5 =	sadd.s32 $0x2C00, s10;
	s10 =	simm.s32 $0x5  }
.LBB2_1:
0x10: {  	s22 =	simm.s32 $0x40;
	s23 =	simm.s32 $0x0  }
.LBB2_2:
0x11: {  	p0 =	sne.s32 s22, $0x9FC0;
	[tilespmem:s23+$0xC000] =	vst v0;
	s23 =	smov.u32 s22;
	s22 =	sadd.s32 $0x40, s22  }
.Ltmp0:
0x12: {  	(pc) =	sbr.rel @p0 .LBB2_2-.Ltmp0, $2  }
0x13: {  	_ =	sdelay $0x2  }
0x14: {  	s23 =	sshra.s32 s23, $0x2  }
0x15: {  	[tilespmem:s23+$0xC000] =	vst v0;
	s22 =	simm.s32 $0x0  }
0x16: {  	[tilespmem:s22], [sflag:$0x5] =	stream.linear.gather [hbm4b:s5+s22], $0x5000, $0x38;
	[tilespmem:$0x11000] =	vst v63  }
0x17: {  	_ =	swait.ge [sflag:s10], $0x5000  }
0x18: {  	[sflag:s10] =	ssyncset.done $0x0  }
0x19: {  	[sflag:s10] =	ssyncadd.s32 $0xFFFFB000  }
0x1a: {  	[tilespmem:s11], [sflag:$0x5] =	stream.linear.gather [hbm4b:s6+s22], $0x5000, $0x38;
	[tilespmem:$0x11000] =	vst v63  }
0x1b: {  	_ =	swait.ge [sflag:s10], $0x5000  }
0x1c: {  	[sflag:s10] =	ssyncset.done $0x0  }
0x1d: {  	[sflag:s10] =	ssyncadd.s32 $0xFFFFB000  }
0x1e: {  	[spmem:s7] =	stream.linear.scatter [tilespmem:s12], [sflag:$0x5], $0x2800, $0x38;
	[tilespmem:$0x11000] =	vst v63  }
0x1f: {  	_ =	swait.ge [sflag:s10], $0x2800  }
0x20: {  	[sflag:s10] =	ssyncset.done $0x0  }
0x21: {  	[sflag:s10] =	ssyncadd.s32 $0xFFFFD800  }
0x22: {  	[bflag:$0x0] =	sbarrier.arrive $0xFFFF  }
0x23: {  	[tilespmem:s14], [sflag:$0x1] =	stream.indirect.gather [hbm4b:s4+s13], $0x10, s22, s13, $0xb8;
	[tilespmem:$0x11000] =	vst v63  }
0x24: {  	_ = 	snop  }
0x25: {  	[tilespmem:s15], [sflag:$0x2] =	stream.indirect.gather [hbm4b:s4+s13], $0x10, s13, s13, $0xb8;
	[tilespmem:$0x11000] =	vst v63  }
0x26: {  	_ =	swait.ge [sflag:s16], $0x1000  }
0x27: {  	[sflag:s16] =	ssyncset.done $0x0  }
0x28: {  	s29 =	simm.s32 $0x5000;
	[sflag:s16] =	ssyncadd.s32 $0xFFFFF000  }
0x29: {  	[spmem:s2] =	stream.indirect.scatter.add.bf16 [tilespmem:s14], [sflag:$0x3], $0x10, s29, s13, $0xb8;
	[tilespmem:$0x11000] =	vst v63  }
0x2a: {  	_ =	swait.ge [sflag:s17], $0x1000  }
0x2b: {  	[sflag:s17] =	ssyncset.done $0x0  }
0x2c: {  	s30 =	simm.s32 $0x200;
	[sflag:s17] =	ssyncadd.s32 $0xFFFFF000  }
0x2d: {  	[tilespmem:s14], [sflag:$0x1] =	stream.indirect.gather [hbm4b:s4+s13], $0x10, s30, s13, $0xb8;
	[tilespmem:$0x11000] =	vst v63  }
0x2e: {  	_ =	swait.ge [sflag:s18], $0x1000  }
0x2f: {  	[sflag:s18] =	ssyncset.done $0x0  }
0x30: {  	s31 =	simm.s32 $0x5100;
	[sflag:s18] =	ssyncadd.s32 $0xFFFFF000  }
0x31: {  	[spmem:s2] =	stream.indirect.scatter.add.bf16 [tilespmem:s15], [sflag:$0x4], $0x10, s31, s13, $0xb8;
	[tilespmem:$0x11000] =	vst v63  }
0x32: {  	_ =	swait.ge [sflag:s19], $0x1000  }
0x33: {  	[sflag:s19] =	ssyncset.done $0x0  }
0x34: {  	s23 =	simm.s32 $0x300;
	s22 =	simm.s32 $0x800;
	[sflag:s19] =	ssyncadd.s32 $0xFFFFF000  }
.LBB2_4:
0x35: {  	[tilespmem:s15], [sflag:$0x2] =	stream.indirect.gather [hbm4b:s4+s13], $0x10, s23, s13, $0xb8;
	[tilespmem:$0x11000] =	vst v63  }
0x36: {  	s23 =	smov.u32 s22  }
0x37: {  	p0 =	sne.s32 s22, $0x13000;
	s22 =	sadd.s32 $0x800, s22;
	_ =	swait.ge [sflag:s16], $0x1000  }
0x38: {  	s23 =	sshra.s32 s23, $0x2;
	[sflag:s16] =	ssyncset.done $0x0  }
0x39: {  	s24 =	sadd.s32 $0x5000, s23;
	[sflag:s16] =	ssyncadd.s32 $0xFFFFF000  }
0x3a: {  	[spmem:s2] =	stream.indirect.scatter.add.bf16 [tilespmem:s14], [sflag:$0x3], $0x10, s24, s13, $0xb8;
	[tilespmem:$0x11000] =	vst v63  }
0x3b: {  	_ =	swait.ge [sflag:s17], $0x1000  }
0x3c: {  	[sflag:s17] =	ssyncset.done $0x0  }
0x3d: {  	s24 =	sadd.s32 $0x200, s23;
	[sflag:s17] =	ssyncadd.s32 $0xFFFFF000  }
0x3e: {  	[tilespmem:s14], [sflag:$0x1] =	stream.indirect.gather [hbm4b:s4+s13], $0x10, s24, s13, $0xb8;
	[tilespmem:$0x11000] =	vst v63  }
0x3f: {  	_ =	swait.ge [sflag:s18], $0x1000  }
0x40: {  	[sflag:s18] =	ssyncset.done $0x0  }
.Ltmp1:
0x41: {  	s24 =	sadd.s32 $0x5100, s23;
	[sflag:s18] =	ssyncadd.s32 $0xFFFFF000;
	(pc) =	sbr.rel @p0 .LBB2_4-.Ltmp1, $4  }
0x42: {  	[spmem:s2] =	stream.indirect.scatter.add.bf16 [tilespmem:s15], [sflag:$0x4], $0x10, s24, s13, $0xb8;
	[tilespmem:$0x11000] =	vst v63  }
0x43: {  	_ =	swait.ge [sflag:s19], $0x1000  }
0x44: {  	[sflag:s19] =	ssyncset.done $0x0  }
0x45: {  	s23 =	sadd.s32 $0x300, s23;
	[sflag:s19] =	ssyncadd.s32 $0xFFFFF000  }
0x46: {  	[tilespmem:s15], [sflag:$0x2] =	stream.indirect.gather [hbm4b:s4+s13], $0x10, s23, s13, $0xb8;
	[tilespmem:$0x11000] =	vst v63  }
0x47: {  	_ =	swait.ge [sflag:s16], $0x1000  }
0x48: {  	[sflag:s16] =	ssyncset.done $0x0  }
0x49: {  	[sflag:s16] =	ssyncadd.s32 $0xFFFFF000  }
0x4a: {  	[spmem:s2] =	stream.indirect.scatter.add.bf16 [tilespmem:s14], [sflag:$0x3], $0x10, s20, s13, $0xb8;
	[tilespmem:$0x11000] =	vst v63  }
0x4b: {  	_ =	swait.ge [sflag:s18], $0x1000  }
0x4c: {  	[sflag:s18] =	ssyncset.done $0x0  }
0x4d: {  	[sflag:s18] =	ssyncadd.s32 $0xFFFFF000  }
0x4e: {  	[spmem:s2] =	stream.indirect.scatter.add.bf16 [tilespmem:s15], [sflag:$0x4], $0x10, s21, s13, $0xb8;
	[tilespmem:$0x11000] =	vst v63  }
0x4f: {  	_ =	swait.ge [sflag:s17], $0x1000  }
0x50: {  	[sflag:s17] =	ssyncset.done $0x0  }
0x51: {  	[sflag:s17] =	ssyncadd.s32 $0xFFFFF000  }
0x52: {  	_ =	swait.ge [sflag:s19], $0x1000  }
0x53: {  	s22 =	sshll.u32 s1, $0x6;
	s3 =	sadd.s32 $0x1, s3;
	[sflag:s19] =	ssyncset.done $0x0  }
0x54: {  	s31 =	sshrl.u32 s7, $0x3;
	p0 =	sne.s32 s3, s9;
	[sflag:s19] =	ssyncadd.s32 $0xFFFFF000  }
.Ltmp2:
0x55: {  	s22 =	sor.u32 $0x1C05, s22;
	[bflag:$0x0] =	sbarrier.arrive $0xFFFF;
	(pc) =	sbr.rel @p0 .LBB2_1-.Ltmp2, $4  }
0x56: {  	[hbm:s8], [sflag:s22] =	dma.local [spmem:s31], $0x500  }
0x57: {  	_ =	swait.ge [sflag:s10], $0x500  }
0x58: {  	[sflag:s10] =	ssyncset.done $0x0  }
0x59: {  	[sflag:s10] =	ssyncadd.s32 $0xFFFFFB00  }
0x5a: {  	_ =	sfence.sel $0x180000  }
0x5b: {  	[bflag:$0x0] =	sbarrier.arrive $0xFFFF  }
0x5c: {  	p0 =	sne.s32 s1, $0x0;
	_ =	strace $0x9000004D  }
0x5d: {  	s0 =	sadd.s32 @!p0 $0x100000, s0;
	[bflag:$0x2] =	sbarrier.arrive $0xFFFF  }
0x5e: {  	[sflag:s0] =	ssyncadd.tile.s32 @!p0 $0x1;
	_ =	shalt  }
.Lfunc_end2:
_tile_overlayer_lowered:
.L_overlay_start_2:
0x5f: {  	(tag) =	ssettag $0x2  }
0x60: {  	s0 =	rddreg [dreg:$0x0];
	s2 =	stileid.u32  }
0x61: {  	s1 =	rddreg [dreg:$0x1];
	p0 =	sne.s32 s2, $0x0  }
0x62: {  	s3 =	rddreg [dreg:$0x2];
	[bflag:$0x3] =	sbarrier.arrive $0xFFFF;
	s2 =	simm.s32 @!p0 $0x1C05  }
0x63: {  	[timem:s3], [sflag:s2] =	dma.local @!p0 [hbm:s0], s1  }
0x64: {  	s0 =	simm.s32 @!p0 $0x5  }
0x65: {  	_ =	swait.ge @!p0 [sflag:s0], s1  }
0x66: {  	s1 =	ssub.s32 @!p0 $0x0, s1;
	[sflag:s0] =	ssyncset.done @!p0 $0x0  }
0x67: {  	[sflag:s0] =	ssyncadd.s32 @!p0 s1  }
0x68: {  	[bflag:$0x3] =	sbarrier.arrive $0xFFFF  }
0x69: {  	_ =	shalt  }

// kernel: kernel.9.cloned.1.call-start
scs
__scs_entry_jumppad:
0x0: {  	(pc) =	sbr.rel $0x88, $3  }
0x1: {  	(tag) =	ssettag $0x0;
	lr =	simm.s32 $0x1  }
0x2: {  	[smem:$0x3F96] =	sst lr;
	_ =	strace $0xD0000000  }
0x3: {  	_ = 	snop  }
0x4: {  	_ = 	snop  }
0x5: {  	_ = 	snop  }
0x6: {  	_ = 	snop  }
0x7: {  	_ = 	snop  }
__scs_overlays_trampoline_lowered:
0x8: {  	[smem:$0x3FA5] =	sst s0  }
0x9: {  	[smem:$0x3FA6] =	sst s1  }
0xa: {  	[smem:$0x3FA7] =	sst s2  }
0xb: {  	[smem:$0x3FA8] =	sst s3  }
0xc: {  	[smem:$0x3FA9] =	sst s4  }
0xd: {  	[smem:$0x3FAA] =	sst s5  }
0xe: {  	[smem:$0x3FAB] =	sst s6  }
0xf: {  	[smem:$0x3FAC] =	sst s7  }
0x10: {  	[smem:$0x3FAD] =	sst s8  }
0x11: {  	[smem:$0x3FAE] =	sst s9;
	s0 =	simm.s32 @!p0 $0x0  }
0x12: {  	s1 =	sld [smem:$0x3F94];
	s0 =	simm.s32 @p0 $0x1  }
0x13: {  	[smem:$0x3FAF] =	sst s0;
	s0 =	simm.s32 @!p1 $0x0  }
0x14: {  	s2 =	sld [smem:$0x3F93];
	s0 =	simm.s32 @p1 $0x1  }
0x15: {  	[smem:$0x3FB0] =	sst s0;
	s0 =	simm.s32 @!p2 $0x0  }
0x16: {  	s3 =	sld [smem:$0x3FDB];
	s0 =	simm.s32 @p2 $0x1  }
0x17: {  	s4 =	simm.s32 $0x1BF5;
	[smem:$0x3FB2] =	sst s0  }
0x18: {  	s0 =	sld [smem:$0x3F95];
	_ =	swait.ge [sflag:s4], $0x0  }
0x19: {  	s7 =	sld [smem:$0x3F96]  }
0x1a: {  	s8 =	sadd.s32 $0xFFFFE003, lr  }
0x1b: {  	s9 =	sadd.s32 $0xFFFFFEF7, lr;
	s5 =	simm.s32 $0xFFFFFFFF;
	p2 =	slt.u32 s8, $0xFFFFF086  }
0x1c: {  	p1 =	slt.u32 s9, $0xF7A;
	s5 =	simm.s32 @!p2 $0x0  }
0x1d: {  	s5 =	simm.s32 @p1 $0x1;
	p0 =	seq.s32 s7, s2  }
0x1e: {  	s7 =	smul.u32 @!p0 $0xF7A, s2;
	p2 =	seq.s32 @!p0 s5, $0x0  }
0x1f: {  	s9 =	smul.u32 $0xF7A, s1;
	s8 =	simm.s32 @!p0 $0x1BF5;
	p2 =	por !p2, p0  }
0x20: {  	[sflag:s8] =	ssyncset.s32 @!p0 $0xFFFFF086;
	s6 =	sadd.s32 @!p0 s3, s7;
	s7 =	simm.s32 @!p0 $0x108  }
0x21: {  	s3 =	sadd.s32 s3, s9;
	s6 =	sadd.s32 @!p0 $0x88, s6;
	s7 =	simm.s32 @p2 $0x1082  }
0x22: {  	[simem:s7], [sflag:s8] =	dma.local @!p0 [hbm:s6], $0xF7A  }
0x23: {  	s9 =	sor.u32 $0xD0000000, s2;
	s6 =	simm.s32 $0x108;
	_ =	swait.ge @!p0 [sflag:s8], $0x0  }
0x24: {  	s3 =	sadd.s32 $0x88, s3;
	s6 =	simm.s32 @!p1 $0x1082;
	[sflag:s4] =	ssyncset.s32 $0xFFFFF086  }
0x25: {  	[simem:s6], [sflag:s4] =	dma.local [hbm:s3], $0xF7A  }
0x26: {  	[smem:$0x3F96] =	sst s1;
	(tag) =	ssettag s2;
	_ =	strace s9  }
0x27: {  	s1 =	sld [smem:$0x3FA6]  }
0x28: {  	s2 =	sld [smem:$0x3FA7]  }
0x29: {  	s4 =	sld [smem:$0x3FA9]  }
0x2a: {  	p0 =	seq.s32 s5, $0x0;
	s5 =	sld [smem:$0x3FAA]  }
0x2b: {  	s6 =	sld [smem:$0x3FAB]  }
0x2c: {  	s7 =	sld [smem:$0x3FAC]  }
0x2d: {  	s3 =	simm.s32 $0x108;
	s8 =	sld [smem:$0x3FAD]  }
0x2e: {  	s3 =	simm.s32 @!p0 $0x1082;
	s9 =	sld [smem:$0x3FAE]  }
0x2f: {  	lr =	sadd.s32 s0, s3;
	s0 =	sld [smem:$0x3FA5]  }
0x30: {  	s3 =	sld [smem:$0x3FA8]  }
0x31: {  	[smem:$0x3FB1] =	sst s10  }
0x32: {  	s10 =	sld [smem:$0x3FAF];
	_ =	sdelay $0x3  }
0x33: {  	p0 =	seq.s32 s10, $0x1;
	s10 =	sld [smem:$0x3FB1];
	_ =	sdelay $0x3  }
0x34: {  	[smem:$0x3FB1] =	sst s10  }
0x35: {  	s10 =	sld [smem:$0x3FB0];
	_ =	sdelay $0x3  }
0x36: {  	p1 =	seq.s32 s10, $0x1;
	s10 =	sld [smem:$0x3FB1];
	_ =	sdelay $0x3  }
0x37: {  	[smem:$0x3FB1] =	sst s10  }
0x38: {  	s10 =	sld [smem:$0x3FB2]  }
0x39: {  	_ = 	snop;
	(pc) =	sbr.ind lr, $3  }
0x3a: {  	_ = 	snop  }
0x3b: {  	_ = 	snop  }
0x3c: {  	p2 =	seq.s32 s10, $0x1;
	s10 =	sld [smem:$0x3FB1]  }
0x3d: {  	_ =	shalt  }
0x3e: {  	_ =	shalt  }
0x3f: {  	_ =	shalt  }
0x40: {  	_ =	shalt  }
0x41: {  	_ =	shalt  }
0x42: {  	_ =	shalt  }
0x43: {  	_ =	shalt  }
0x44: {  	_ =	shalt  }
0x45: {  	_ =	shalt  }
0x46: {  	_ =	shalt  }
0x47: {  	_ =	shalt  }
0x48: {  	_ =	shalt  }
0x49: {  	_ =	shalt  }
0x4a: {  	_ =	shalt  }
0x4b: {  	_ =	shalt  }
0x4c: {  	_ =	shalt  }
0x4d: {  	_ =	shalt  }
0x4e: {  	_ =	shalt  }
0x4f: {  	_ =	shalt  }
0x50: {  	_ =	shalt  }
0x51: {  	_ =	shalt  }
0x52: {  	_ =	shalt  }
0x53: {  	_ =	shalt  }
0x54: {  	_ =	shalt  }
0x55: {  	_ =	shalt  }
0x56: {  	_ =	shalt  }
0x57: {  	_ =	shalt  }
0x58: {  	_ =	shalt  }
0x59: {  	_ =	shalt  }
0x5a: {  	_ =	shalt  }
0x5b: {  	_ =	shalt  }
0x5c: {  	_ =	shalt  }
0x5d: {  	_ =	shalt  }
0x5e: {  	_ =	shalt  }
0x5f: {  	_ =	shalt  }
0x60: {  	_ =	shalt  }
0x61: {  	_ =	shalt  }
0x62: {  	_ =	shalt  }
0x63: {  	_ =	shalt  }
0x64: {  	_ =	shalt  }
0x65: {  	_ =	shalt  }
0x66: {  	_ =	shalt  }
0x67: {  	_ =	shalt  }
0x68: {  	_ =	shalt  }
0x69: {  	_ =	shalt  }
0x6a: {  	_ =	shalt  }
0x6b: {  	_ =	shalt  }
0x6c: {  	_ =	shalt  }
0x6d: {  	_ =	shalt  }
0x6e: {  	_ =	shalt  }
0x6f: {  	_ =	shalt  }
0x70: {  	_ =	shalt  }
0x71: {  	_ =	shalt  }
0x72: {  	_ =	shalt  }
0x73: {  	_ =	shalt  }
0x74: {  	_ =	shalt  }
0x75: {  	_ =	shalt  }
0x76: {  	_ =	shalt  }
0x77: {  	_ =	shalt  }
0x78: {  	_ =	shalt  }
0x79: {  	_ =	shalt  }
0x7a: {  	_ =	shalt  }
0x7b: {  	_ =	shalt  }
0x7c: {  	_ =	shalt  }
0x7d: {  	_ =	shalt  }
0x7e: {  	_ =	shalt  }
0x7f: {  	_ =	shalt  }
0x80: {  	_ =	shalt  }
0x81: {  	_ =	shalt  }
0x82: {  	_ =	shalt  }
0x83: {  	_ =	shalt  }
0x84: {  	_ =	shalt  }
0x85: {  	_ =	shalt  }
0x86: {  	_ =	shalt  }
0x87: {  	_ =	shalt  }
.Lfunc_end0:
.L_simem_size_0:
called_computation_lowered:
.L_overlay_start_0:
0x88: {  	s2 =	sld [smem:$0x3FD9]  }
0x89: {  	s3 =	sld [smem:$0x3FFE];
	_ =	sdelay $0x1  }
0x8a: {  	s1 =	srdreg.scid  }
0x8b: {  	s0 =	sand.u32 $0x1, s1  }
0x8c: {  	s17 =	sshll.u32 s0, $0xA;
	s2 =	sadd.s32 s3, s2  }
0x8d: {  	s2 =	sadd.s32 s2, s17  }
0x8e: {  	[smem:$0x3FBD] =	sst s2  }
0x8f: {  	_ = 	snop  }
0x90: {  	s2 =	sld [smem:$0x3FD0];
	(tm) =	ssettm $0x1  }
0x91: {  	s18 =	sld [smem:$0x3FFB];
	_ =	sdelay $0x3  }
0x92: {  	_ =	strace s18  }
0x93: {  	s3 =	sld [smem:$0x3FFC];
	_ =	sdelay $0x3  }
0x94: {  	_ =	strace s3  }
0x95: {  	s3 =	sld [smem:$0x3FFD];
	_ =	sdelay $0x3  }
0x96: {  	_ =	strace s3  }
0x97: {  	_ =	strace $0x8FFFFFFF  }
0x98: {  	s19 =	sld [smem:$0x3FDB];
	_ =	sdelay $0x1  }
0x99: {  	s4 =	simm.s32 $_scs_section_size  }
0x9a: {  	s5 =	simm.s32 $_size__tile_overlayer_lowered;
	s6 =	simm.s32 $_tile_overlayer_lowered  }
0x9b: {  	s22 =	simm.s32 $0x1BFF;
	s21 =	sshll.u32 s6, $0x1;
	s3 =	sadd.s32 s4, s19  }
0x9c: {  	s7 =	simm.s32 $0x0;
	s20 =	sshll.u32 s5, $0x1;
	s5 =	sadd.s32 s21, s3  }
0x9d: {  	[timem:s7], [sflag:s22] =	dma.local [hbm:s5], s20  }
0x9e: {  	_ =	swait.ge [sflag:s22], s20  }
0x9f: {  	s4 =	ssub.s32 $0x0, s20;
	[sflag:s22] =	ssyncset.done $0x0  }
0xa0: {  	[sflag:s22] =	ssyncadd.s32 s4;
	_ =	sdelay $0x1  }
0xa1: {  	s23 =	simm.s32 $0x1B8B  }
0xa2: {  	_ =	swait.ge [sflag:s23], $0x1  }
0xa3: {  	[sflag:s23] =	ssyncset.done $0x0  }
0xa4: {  	s25 =	simm.s32 $0x1B8E;
	s24 =	sld [smem:$0x3FFE];
	[sflag:s23] =	ssyncadd.s32 $0xFFFFFFFF  }
0xa5: {  	s26 =	simm.s32 $execute0_lowered;
	[smem:$0x3FD2] =	sst s25  }
0xa6: {  	s5 =	sshll.u32 s26, $0x1;
	_ =	strace $0x80000046;
	[dreg:$0x1] =	wrdreg $0xFFFFFFFF  }
0xa7: {  	s28 =	simm.s32 $_size_execute0_lowered;
	s3 =	sadd.s32 s3, s5;
	[dreg:$0x0] =	wrdreg $0x0  }
0xa8: {  	s5 =	sshll.u32 s28, $0x1;
	[dreg:$0x2] =	wrdreg s3  }
0xa9: {  	[dreg:$0x3] =	wrdreg s5  }
0xaa: {  	[dreg:$0x4] =	wrdreg $0xC0  }
0xab: {  	_ =	task [dreg:s7], $0x5FFFF  }
0xac: {  	[dreg:$0x1] =	wrdreg $0xFFFFFFFF  }
0xad: {  	[dreg:$0x0] =	wrdreg $0x60  }
0xae: {  	[dreg:$0x2] =	wrdreg s2  }
0xaf: {  	[dreg:$0x3] =	wrdreg s24  }
0xb0: {  	[dreg:$0x4] =	wrdreg $0x130000  }
0xb1: {  	[dreg:$0x5] =	wrdreg $0x183800  }
0xb2: {  	[dreg:$0x6] =	wrdreg $0x9  }
0xb3: {  	_ =	task.clear_ibuf [dreg:s7], $0x7FFFF;
	_ =	strace $0x90000046  }
0xb4: {  	s29 =	simm.s32 $0x9;
	_ =	strace $0x80000048  }
0xb5: {  	_ =	swait.ge [sflag:s29], $0x1  }
0xb6: {  	[sflag:s29] =	ssyncadd.s32 $0xFFFFFFFF  }
0xb7: {  	_ =	strace $0x90000048  }
0xb8: {  	_ =	sfence  }
0xb9: {  	s30 =	sld [smem:$0x0];
	_ =	sdelay $0x2  }
0xba: {  	s31 =	sshll.u32 s1, $0xD;
	s1 =	sshrl.u32 s1, $0x2  }
0xbb: {  	s3 =	sand.u32 $0x4000, s31;
	s1 =	sadd.s32 s1, s30  }
0xbc: {  	s0 =	sor.u32 s3, s0;
	s1 =	sshll.u32 s1, $0x11  }
0xbd: {  	s0 =	sor.u32 s1, s0  }
0xbe: {  	s0 =	sadd.s32 $0x8F2B, s0  }
0xbf: {  	[sflag:s0] =	ssyncadd.remote.s32 $0x1  }
0xc0: {  	_ =	sfence.sel $0xFFFF  }
0xc1: {  	[dreg:$0x0] =	wrdreg $0xFFFFFFFF;
	(pc) =	sbr.abs _section_cstart, $3  }
0xc2: {  	[dreg:$0x1] =	wrdreg $0xFFFFFFFF  }
0xc3: {  	_ =	task.clear_ibuf [dreg:s7], $0x2FFFF;
	_ =	strace $0x9FFFFFFF  }
0xc4: {  	(tm) =	ssettm $0x7FFFFFFF  }
0xc5: {  	_ =	shalt  }
tec
execute0_lowered:
.L_overlay_start_1:
0x0: {  	(tag) =	ssettag $0x1  }
0x1: {  	s1 =	rddreg [dreg:$0x0]  }
0x2: {  	s0 =	rddreg [dreg:$0x1]  }
0x3: {  	s2 =	srdreg.scid;
	s3 =	rddreg [dreg:$0x2]  }
0x4: {  	s10 =	stileid.u32;
	s4 =	rddreg [dreg:$0x3];
	s5 =	simm.s32 $0x0  }
0x5: {  	s13 =	simm.s32 $0x7;
	s14 =	simm.s32 $0x5000;
	s17 =	simm.s32 $0x100  }
0x6: {  	s18 =	simm.s32 $0xA000;
	s19 =	simm.s32 $0xC000;
	s6 =	smul.u32 $0x5000, s10  }
0x7: {  	s20 =	simm.s32 $0x1;
	s21 =	simm.s32 $0x18000;
	s8 =	smul.u32 $0xA000, s10  }
0x8: {  	s28 =	simm.s32 $0x300;
	s2 =	sand.u32 $0x1, s2;
	s10 =	smul.u32 $0x280, s10  }
0x9: {  	s29 =	simm.s32 $0x5;
	s30 =	simm.s32 $0x6;
	s7 =	smul.u32 $0x50000, s2  }
0xa: {  	s31 =	simm.s32 $0x9E00;
	[smem:$0x7FF] =	sst s5;
	s9 =	smul.u32 $0xA0000, s2  }
0xb: {  	_ =	strace $0x80000047;
	s11 =	smul.u32 $0x2800, s2;
	s2 =	ssub.s32 $0x2, s2  }
0xc: {  	s26 =	sshrl.u32 s2, $0x1;
	s7 =	sadd.s32 s6, s7;
	s6 =	sshrl.u32 s6, $0x3  }
0xd: {  	s22 =	sadd.s32 s8, s9;
	s23 =	sadd.s32 s10, s11;
	s2 =	ssub.s32 s2, s26  }
0xe: {  	s8 =	sshrl.u32 s8, $0x1;
	s9 =	sadd.s32 s10, s4;
	s26 =	simm.s32 $0x4  }
0xf: {  	s7 =	sshrl.u32 s7, $0x3;
	s12 =	sadd.s32 s6, s0;
	s6 =	sshrl.u32 s22, $0x4  }
0x10: {  	s25 =	sshrl.u32 s23, $0x3;
	s8 =	sadd.s32 s8, s3;
	s22 =	simm.s32 $0x3  }
0x11: {  	s7 =	sadd.s32 s7, s0;
	s24 =	sadd.s32 s6, s0;
	s0 =	sadd.s32 s25, s0  }
0x12: {  	s25 =	simm.s32 $0x5100;
	s6 =	sadd.s32 $0x2C00, s7;
	s7 =	sadd.s32 $0x16C00, s12  }
0x13: {  	s10 =	sadd.s32 $0x21600, s24;
	s11 =	sadd.s32 $0x20C00, s0;
	s12 =	smax.u32 s2, $0x1  }
0x14: {  	v0 =	vimm.bf16 $0.0e+00;
	v1 =	vimm.f32 $1.000000000e+00;
	v2 =	vimm.f32 $0.0e+00;
	s24 =	simm.s32 $0x2;
	s2 =	simm.s32 $0x9F00;
	s0 =	simm.s32 $0x0  }
.LBB2_1:
0x15: {  	s15 =	simm.s32 $0x80;
	s16 =	simm.s32 $0x0  }
.LBB2_2:
0x16: {  	p0 =	sne.s32 s15, $0x13F80;
	[tilespmem:s16+$0xE000] =	vst v0;
	s23 =	smov.u32 s15;
	s15 =	sadd.s32 $0x80, s15  }
.Ltmp0:
0x17: {  	[tilespmem:s16+$0xE010] =	vst v0;
	(pc) =	sbr.rel @p0 .LBB2_2-.Ltmp0, $2  }
0x18: {  	_ =	sdelay $0x2  }
0x19: {  	s16 =	sshra.s32 s23, $0x2  }
0x1a: {  	[tilespmem:s16+$0xE000] =	vst v0  }
0x1b: {  	[tilespmem:s16+$0xE010] =	vst v0  }
0x1c: {  	[tilespmem:$0x18000] =	vst v1  }
0x1d: {  	[tilespmem:$0x18010] =	vst v1  }
0x1e: {  	[tilespmem:$0x18020] =	vst v1  }
0x1f: {  	[tilespmem:$0x18030] =	vst v1  }
0x20: {  	[tilespmem:$0x18040] =	vst v1  }
0x21: {  	[tilespmem:$0x18050] =	vst v1  }
0x22: {  	[tilespmem:$0x18060] =	vst v1  }
0x23: {  	[tilespmem:$0x18070] =	vst v1  }
0x24: {  	[tilespmem:$0x18080] =	vst v1  }
0x25: {  	[tilespmem:$0x18090] =	vst v1  }
0x26: {  	[tilespmem:$0x180A0] =	vst v1  }
0x27: {  	[tilespmem:$0x180B0] =	vst v1  }
0x28: {  	[tilespmem:$0x180C0] =	vst v1  }
0x29: {  	[tilespmem:$0x180D0] =	vst v1  }
0x2a: {  	[tilespmem:$0x180E0] =	vst v1  }
0x2b: {  	[tilespmem:$0x180F0] =	vst v1  }
0x2c: {  	[tilespmem:$0x18100] =	vst v2  }
0x2d: {  	[tilespmem:$0x18110] =	vst v2  }
0x2e: {  	[tilespmem:$0x18120] =	vst v2  }
0x2f: {  	[tilespmem:$0x18130] =	vst v2  }
0x30: {  	[tilespmem:$0x18140] =	vst v2  }
0x31: {  	[tilespmem:$0x18150] =	vst v2  }
0x32: {  	[tilespmem:$0x18160] =	vst v2  }
0x33: {  	[tilespmem:$0x18170] =	vst v2  }
0x34: {  	[tilespmem:$0x18180] =	vst v2  }
0x35: {  	[tilespmem:$0x18190] =	vst v2  }
0x36: {  	[tilespmem:$0x181A0] =	vst v2  }
0x37: {  	[tilespmem:$0x181B0] =	vst v2  }
0x38: {  	[tilespmem:$0x181C0] =	vst v2  }
0x39: {  	[tilespmem:$0x181D0] =	vst v2  }
0x3a: {  	[tilespmem:$0x181E0] =	vst v2  }
0x3b: {  	[tilespmem:$0x181F0] =	vst v2  }
0x3c: {  	[tilespmem:$0x18200] =	vst v2  }
0x3d: {  	[tilespmem:$0x18210] =	vst v2  }
0x3e: {  	[tilespmem:$0x18220] =	vst v2  }
0x3f: {  	[tilespmem:$0x18230] =	vst v2  }
0x40: {  	[tilespmem:$0x18240] =	vst v2  }
0x41: {  	[tilespmem:$0x18250] =	vst v2  }
0x42: {  	[tilespmem:$0x18260] =	vst v2  }
0x43: {  	[tilespmem:$0x18270] =	vst v2  }
0x44: {  	[tilespmem:$0x18280] =	vst v2  }
0x45: {  	[tilespmem:$0x18290] =	vst v2  }
0x46: {  	[tilespmem:$0x182A0] =	vst v2  }
0x47: {  	[tilespmem:$0x182B0] =	vst v2  }
0x48: {  	[tilespmem:$0x182C0] =	vst v2  }
0x49: {  	[tilespmem:$0x182D0] =	vst v2  }
0x4a: {  	[tilespmem:$0x182E0] =	vst v2  }
0x4b: {  	[tilespmem:$0x182F0] =	vst v2  }
0x4c: {  	[tilespmem:$0x18300] =	vst v2  }
0x4d: {  	[tilespmem:$0x18310] =	vst v2  }
0x4e: {  	[tilespmem:$0x18320] =	vst v2  }
0x4f: {  	[tilespmem:$0x18330] =	vst v2  }
0x50: {  	[tilespmem:$0x18340] =	vst v2  }
0x51: {  	[tilespmem:$0x18350] =	vst v2  }
0x52: {  	[tilespmem:$0x18360] =	vst v2  }
0x53: {  	[tilespmem:$0x18370] =	vst v2  }
0x54: {  	[tilespmem:s5], [sflag:$0x7] =	stream.linear.gather [hbm4b:s6+s5], $0x5000, $0x38;
	[tilespmem:$0x18600] =	vst v63  }
0x55: {  	_ =	swait.ge [sflag:s13], $0x5000  }
0x56: {  	[sflag:s13] =	ssyncset.done $0x0  }
0x57: {  	[sflag:s13] =	ssyncadd.s32 $0xFFFFB000  }
0x58: {  	[tilespmem:s14], [sflag:$0x7] =	stream.linear.gather [hbm4b:s7+s5], $0x5000, $0x38;
	[tilespmem:$0x18600] =	vst v63  }
0x59: {  	_ =	swait.ge [sflag:s13], $0x5000  }
0x5a: {  	[sflag:s13] =	ssyncset.done $0x0  }
0x5b: {  	s15 =	simm.s32 $0xE000;
	[sflag:s13] =	ssyncadd.s32 $0xFFFFB000  }
0x5c: {  	[spmem:s8] =	stream.linear.scatter [tilespmem:s15], [sflag:$0x7], $0x5000, $0x38;
	[tilespmem:$0x18600] =	vst v63  }
0x5d: {  	_ =	swait.ge [sflag:s13], $0x5000  }
0x5e: {  	[sflag:s13] =	ssyncset.done $0x0  }
0x5f: {  	s23 =	simm.s32 $0x18100;
	[sflag:s13] =	ssyncadd.s32 $0xFFFFB000  }
0x60: {  	[spmem:s9] =	stream.linear.scatter [tilespmem:s23], [sflag:$0x7], $0x280, $0x38;
	[tilespmem:$0x18600] =	vst v63  }
0x61: {  	_ =	swait.ge [sflag:s13], $0x280  }
0x62: {  	[sflag:s13] =	ssyncset.done $0x0  }
0x63: {  	[sflag:s13] =	ssyncadd.s32 $0xFFFFFD80  }
0x64: {  	[bflag:$0x0] =	sbarrier.arrive $0xFFFF  }
0x65: {  	[tilespmem:s18], [sflag:$0x1] =	stream.indirect.gather [hbm4b:s1+s17], $0x20, s5, s17, $0xb8;
	[tilespmem:$0x18600] =	vst v63  }
0x66: {  	_ = 	snop  }
0x67: {  	[tilespmem:s19], [sflag:$0x2] =	stream.indirect.gather [hbm4b:s1+s17], $0x20, s17, s17, $0xb8;
	[tilespmem:$0x18600] =	vst v63  }
0x68: {  	_ =	swait.ge [sflag:s20], $0x2000  }
0x69: {  	[sflag:s20] =	ssyncset.done $0x0  }
0x6a: {  	[sflag:s20] =	ssyncadd.s32 $0xFFFFE000  }
0x6b: {  	[spmem:s3] =	stream.indirect.scatter.add.bf16 [tilespmem:s18], [sflag:$0x3], $0x20, s14, s17, $0xb8;
	[tilespmem:$0x18600] =	vst v63  }
0x6c: {  	_ = 	snop  }
0x6d: {  	[spmem:s4] =	stream.indirect.scatter.add.f32 [tilespmem:s21], [sflag:$0x5], $0x1, s14, s17, $0xb8;
	[tilespmem:$0x18600] =	vst v63  }
0x6e: {  	_ =	swait.ge [sflag:s22], $0x2000  }
0x6f: {  	[sflag:s22] =	ssyncset.done $0x0  }
0x70: {  	s16 =	simm.s32 $0x200;
	[sflag:s22] =	ssyncadd.s32 $0xFFFFE000  }
0x71: {  	[tilespmem:s18], [sflag:$0x1] =	stream.indirect.gather [hbm4b:s1+s17], $0x20, s16, s17, $0xb8;
	[tilespmem:$0x18600] =	vst v63  }
0x72: {  	_ =	swait.ge [sflag:s24], $0x2000  }
0x73: {  	[sflag:s24] =	ssyncset.done $0x0  }
0x74: {  	[sflag:s24] =	ssyncadd.s32 $0xFFFFE000  }
0x75: {  	[spmem:s3] =	stream.indirect.scatter.add.bf16 [tilespmem:s19], [sflag:$0x4], $0x20, s25, s17, $0xb8;
	[tilespmem:$0x18600] =	vst v63  }
0x76: {  	_ = 	snop  }
0x77: {  	[spmem:s4] =	stream.indirect.scatter.add.f32 [tilespmem:s21], [sflag:$0x6], $0x1, s25, s17, $0xb8;
	[tilespmem:$0x18600] =	vst v63  }
0x78: {  	_ =	swait.ge [sflag:s26], $0x2000  }
0x79: {  	[sflag:s26] =	ssyncset.done $0x0  }
0x7a: {  	[sflag:s26] =	ssyncadd.s32 $0xFFFFE000  }
0x7b: {  	[tilespmem:s19], [sflag:$0x2] =	stream.indirect.gather [hbm4b:s1+s17], $0x20, s28, s17, $0xb8;
	[tilespmem:$0x18600] =	vst v63  }
0x7c: {  	_ =	swait.ge [sflag:s20], $0x2000  }
0x7d: {  	[sflag:s20] =	ssyncset.done $0x0  }
0x7e: {  	s23 =	simm.s32 $0x5200;
	[sflag:s20] =	ssyncadd.s32 $0xFFFFE000  }
0x7f: {  	[spmem:s3] =	stream.indirect.scatter.add.bf16 [tilespmem:s18], [sflag:$0x3], $0x20, s23, s17, $0xb8;
	[tilespmem:$0x18600] =	vst v63  }
0x80: {  	_ =	swait.ge [sflag:s29], $0x100  }
0x81: {  	[sflag:s29] =	ssyncset.done $0x0  }
0x82: {  	[sflag:s29] =	ssyncadd.s32 $0xFFFFFF00  }
0x83: {  	[spmem:s4] =	stream.indirect.scatter.add.f32 [tilespmem:s21], [sflag:$0x5], $0x1, s23, s17, $0xb8;
	[tilespmem:$0x18600] =	vst v63  }
0x84: {  	_ =	swait.ge [sflag:s22], $0x2000  }
0x85: {  	[sflag:s22] =	ssyncset.done $0x0  }
0x86: {  	s16 =	simm.s32 $0x400;
	[sflag:s22] =	ssyncadd.s32 $0xFFFFE000  }
0x87: {  	[tilespmem:s18], [sflag:$0x1] =	stream.indirect.gather [hbm4b:s1+s17], $0x20, s16, s17, $0xb8;
	[tilespmem:$0x18600] =	vst v63  }
0x88: {  	_ =	swait.ge [sflag:s24], $0x2000  }
0x89: {  	[sflag:s24] =	ssyncset.done $0x0  }
0x8a: {  	s23 =	simm.s32 $0x5300;
	[sflag:s24] =	ssyncadd.s32 $0xFFFFE000  }
0x8b: {  	[spmem:s3] =	stream.indirect.scatter.add.bf16 [tilespmem:s19], [sflag:$0x4], $0x20, s23, s17, $0xb8;
	[tilespmem:$0x18600] =	vst v63  }
0x8c: {  	_ =	swait.ge [sflag:s30], $0x100  }
0x8d: {  	[sflag:s30] =	ssyncset.done $0x0  }
0x8e: {  	[sflag:s30] =	ssyncadd.s32 $0xFFFFFF00  }
0x8f: {  	[spmem:s4] =	stream.indirect.scatter.add.f32 [tilespmem:s21], [sflag:$0x6], $0x1, s23, s17, $0xb8;
	[tilespmem:$0x18600] =	vst v63  }
0x90: {  	_ =	swait.ge [sflag:s26], $0x2000  }
0x91: {  	[sflag:s26] =	ssyncset.done $0x0  }
0x92: {  	s15 =	simm.s32 $0xFFFED800;
	s16 =	simm.s32 $0x500;
	[sflag:s26] =	ssyncadd.s32 $0xFFFFE000  }
.LBB2_4:
0x93: {  	[tilespmem:s19], [sflag:$0x2] =	stream.indirect.gather [hbm4b:s1+s17], $0x20, s16, s17, $0xb8;
	[tilespmem:$0x18600] =	vst v63  }
0x94: {  	s16 =	smov.u32 s15  }
0x95: {  	p0 =	sne.s32 s15, $0xFFFFF800;
	s15 =	sadd.s32 $0x800, s15;
	_ =	swait.ge [sflag:s20], $0x2000  }
0x96: {  	s16 =	sshra.s32 s16, $0x2;
	[sflag:s20] =	ssyncset.done $0x0  }
0x97: {  	s23 =	sadd.s32 $0x9E00, s16;
	[sflag:s20] =	ssyncadd.s32 $0xFFFFE000  }
0x98: {  	[spmem:s3] =	stream.indirect.scatter.add.bf16 [tilespmem:s18], [sflag:$0x3], $0x20, s23, s17, $0xb8;
	[tilespmem:$0x18600] =	vst v63  }
0x99: {  	_ =	swait.ge [sflag:s29], $0x100  }
0x9a: {  	[sflag:s29] =	ssyncset.done $0x0  }
0x9b: {  	[sflag:s29] =	ssyncadd.s32 $0xFFFFFF00  }
0x9c: {  	[spmem:s4] =	stream.indirect.scatter.add.f32 [tilespmem:s21], [sflag:$0x5], $0x1, s23, s17, $0xb8;
	[tilespmem:$0x18600] =	vst v63  }
0x9d: {  	_ =	swait.ge [sflag:s22], $0x2000  }
0x9e: {  	[sflag:s22] =	ssyncset.done $0x0  }
0x9f: {  	s23 =	sadd.s32 $0x5000, s16;
	[sflag:s22] =	ssyncadd.s32 $0xFFFFE000  }
0xa0: {  	[tilespmem:s18], [sflag:$0x1] =	stream.indirect.gather [hbm4b:s1+s17], $0x20, s23, s17, $0xb8;
	[tilespmem:$0x18600] =	vst v63  }
0xa1: {  	_ =	swait.ge [sflag:s24], $0x2000  }
0xa2: {  	[sflag:s24] =	ssyncset.done $0x0  }
0xa3: {  	s23 =	sadd.s32 $0x9F00, s16;
	[sflag:s24] =	ssyncadd.s32 $0xFFFFE000  }
0xa4: {  	[spmem:s3] =	stream.indirect.scatter.add.bf16 [tilespmem:s19], [sflag:$0x4], $0x20, s23, s17, $0xb8;
	[tilespmem:$0x18600] =	vst v63  }
0xa5: {  	_ =	swait.ge [sflag:s30], $0x100  }
0xa6: {  	[sflag:s30] =	ssyncset.done $0x0  }
.Ltmp1:
0xa7: {  	[sflag:s30] =	ssyncadd.s32 $0xFFFFFF00;
	(pc) =	sbr.rel @p0 .LBB2_4-.Ltmp1, $4  }
0xa8: {  	[spmem:s4] =	stream.indirect.scatter.add.f32 [tilespmem:s21], [sflag:$0x6], $0x1, s23, s17, $0xb8;
	[tilespmem:$0x18600] =	vst v63  }
0xa9: {  	_ =	swait.ge [sflag:s26], $0x2000  }
0xaa: {  	[sflag:s26] =	ssyncset.done $0x0  }
0xab: {  	s16 =	sadd.s32 $0x5100, s16;
	[sflag:s26] =	ssyncadd.s32 $0xFFFFE000  }
0xac: {  	[tilespmem:s19], [sflag:$0x2] =	stream.indirect.gather [hbm4b:s1+s17], $0x20, s16, s17, $0xb8;
	[tilespmem:$0x18600] =	vst v63  }
0xad: {  	_ =	swait.ge [sflag:s20], $0x2000  }
0xae: {  	[sflag:s20] =	ssyncset.done $0x0  }
0xaf: {  	[sflag:s20] =	ssyncadd.s32 $0xFFFFE000  }
0xb0: {  	[spmem:s3] =	stream.indirect.scatter.add.bf16 [tilespmem:s18], [sflag:$0x3], $0x20, s31, s17, $0xb8;
	[tilespmem:$0x18600] =	vst v63  }
0xb1: {  	_ =	swait.ge [sflag:s29], $0x100  }
0xb2: {  	[sflag:s29] =	ssyncset.done $0x0  }
0xb3: {  	[sflag:s29] =	ssyncadd.s32 $0xFFFFFF00  }
0xb4: {  	[spmem:s4] =	stream.indirect.scatter.add.f32 [tilespmem:s21], [sflag:$0x5], $0x1, s31, s17, $0xb8;
	[tilespmem:$0x18600] =	vst v63  }
0xb5: {  	_ =	swait.ge [sflag:s24], $0x2000  }
0xb6: {  	[sflag:s24] =	ssyncset.done $0x0  }
0xb7: {  	[sflag:s24] =	ssyncadd.s32 $0xFFFFE000  }
0xb8: {  	[spmem:s3] =	stream.indirect.scatter.add.bf16 [tilespmem:s19], [sflag:$0x4], $0x20, s2, s17, $0xb8;
	[tilespmem:$0x18600] =	vst v63  }
0xb9: {  	_ =	swait.ge [sflag:s30], $0x100  }
0xba: {  	[sflag:s30] =	ssyncset.done $0x0  }
0xbb: {  	[sflag:s30] =	ssyncadd.s32 $0xFFFFFF00  }
0xbc: {  	[spmem:s4] =	stream.indirect.scatter.add.f32 [tilespmem:s21], [sflag:$0x6], $0x1, s2, s17, $0xb8;
	[tilespmem:$0x18600] =	vst v63  }
0xbd: {  	_ =	swait.ge [sflag:s22], $0x2000  }
0xbe: {  	[sflag:s22] =	ssyncset.done $0x0  }
0xbf: {  	[sflag:s22] =	ssyncadd.s32 $0xFFFFE000  }
0xc0: {  	_ =	swait.ge [sflag:s26], $0x2000  }
0xc1: {  	[sflag:s26] =	ssyncset.done $0x0  }
0xc2: {  	[sflag:s26] =	ssyncadd.s32 $0xFFFFE000  }
0xc3: {  	_ =	swait.ge [sflag:s29], $0x100  }
0xc4: {  	[sflag:s29] =	ssyncset.done $0x0  }
0xc5: {  	[sflag:s29] =	ssyncadd.s32 $0xFFFFFF00  }
0xc6: {  	_ =	swait.ge [sflag:s30], $0x100  }
0xc7: {  	s15 =	stileid.u32;
	[sflag:s30] =	ssyncset.done $0x0  }
0xc8: {  	s15 =	sshll.u32 s15, $0x6;
	[sflag:s30] =	ssyncadd.s32 $0xFFFFFF00  }
0xc9: {  	s23 =	sshrl.u32 s8, $0x3;
	s15 =	sor.u32 $0x1C07, s15;
	[bflag:$0x0] =	sbarrier.arrive $0xFFFF  }
0xca: {  	[hbm:s10], [sflag:s15] =	dma.local [spmem:s23], $0xA00  }
0xcb: {  	s0 =	sadd.s32 $0x1, s0;
	_ =	swait.ge [sflag:s13], $0xA00  }
0xcc: {  	p0 =	sne.s32 s0, s12;
	[sflag:s13] =	ssyncset.done $0x0  }
.Ltmp2:
0xcd: {  	s23 =	sshrl.u32 s9, $0x3;
	[sflag:s13] =	ssyncadd.s32 $0xFFFFF600;
	(pc) =	sbr.rel @p0 .LBB2_1-.Ltmp2, $4  }
0xce: {  	[hbm:s11], [sflag:s15] =	dma.local [spmem:s23], $0x50  }
0xcf: {  	_ =	swait.ge [sflag:s13], $0x50  }
0xd0: {  	[sflag:s13] =	ssyncset.done $0x0  }
0xd1: {  	[sflag:s13] =	ssyncadd.s32 $0xFFFFFFB0  }
0xd2: {  	_ =	sfence.sel $0x180000  }
0xd3: {  	[bflag:$0x0] =	sbarrier.arrive $0xFFFF  }
0xd4: {  	_ =	strace $0x90000047  }
0xd5: {  	s0 =	stileid.u32;
	[bflag:$0x2] =	sbarrier.arrive $0xFFFF  }
0xd6: {  	p0 =	sne.s32 s0, $0x0;
	s0 =	rddreg [dreg:$0x4]  }
0xd7: {  	s0 =	sadd.s32 @!p0 $0x100000, s0  }
0xd8: {  	[sflag:s0] =	ssyncadd.tile.s32 @!p0 $0x1;
	_ =	shalt  }
.Lfunc_end2:
_tile_overlayer_lowered:
.L_overlay_start_2:
0xd9: {  	(tag) =	ssettag $0x2  }
0xda: {  	s0 =	rddreg [dreg:$0x0];
	s2 =	stileid.u32  }
0xdb: {  	s1 =	rddreg [dreg:$0x1];
	p0 =	sne.s32 s2, $0x0  }
0xdc: {  	s3 =	rddreg [dreg:$0x2];
	[bflag:$0x3] =	sbarrier.arrive $0xFFFF;
	s2 =	simm.s32 @!p0 $0x1C07  }
0xdd: {  	[timem:s3], [sflag:s2] =	dma.local @!p0 [hbm:s0], s1  }
0xde: {  	s0 =	simm.s32 @!p0 $0x7  }
0xdf: {  	_ =	swait.ge @!p0 [sflag:s0], s1  }
0xe0: {  	s1 =	ssub.s32 @!p0 $0x0, s1;
	[sflag:s0] =	ssyncset.done @!p0 $0x0  }
0xe1: {  	[sflag:s0] =	ssyncadd.s32 @!p0 s1  }
0xe2: {  	[bflag:$0x3] =	sbarrier.arrive $0xFFFF  }
0xe3: {  	_ =	shalt  }

</sc_bundles>
